<compile_context>
chip_gen: v7x
topology: tpu7x:2x2x1
jax: 0.10.2.dev20260603
libtpu: 0.0.44.dev20260713+nightly
codegen_flags: <defaults>
</compile_context>

<pallas_src>
import functools

import jax
import jax.numpy as jnp
from jax import lax
from jax.experimental import pallas as pl
from jax.experimental.pallas import tpu as pltpu
from jax.experimental.pallas import tpu_sc as plsc

_N = 10000
_D = 128
_E = 320000
_G = 256
_NC = 2
_NS = 16
_TILES = _NC * _NS
_ERPT = 80
_EROWS = _TILES * _ERPT
_EPAD = _EROWS * 128
_NBUF = 2
_NACC = 10240
_STRIPE = _NACC // _NS
_NBLK = 1000
_NGRID = _N // _NBLK

_f32 = jnp.float32


def _zero_vmem_2d(ref, rows):
    def body(i, _):
        r = i // 8
        l = (i % 8) * 16
        ref[r, pl.ds(l, 16)] = jnp.zeros((16,), _f32)
        return 0
    lax.fori_loop(0, rows * 8, body, 0)




@functools.cache
def _get_deg_kernel():
    mesh = plsc.VectorSubcoreMesh(
        core_axis_name="c", subcore_axis_name="s",
        num_cores=_NC, num_subcores=_NS)
    return pl.kernel(
        _deg_body,
        out_type=jax.ShapeDtypeStruct((_NC * _NACC,), _f32),
        mesh=mesh,
        scratch_types=[
            pltpu.MemorySpace.VMEM_SHARED((_NACC,), _f32),
            pltpu.MemorySpace.VMEM((_ERPT, 128), jnp.int32),
            pltpu.MemorySpace.VMEM((128,), _f32),
            pltpu.MemorySpace.VMEM((_STRIPE,), _f32),
        ],
    )


def _deg_body(dst_hbm, out_hbm, acc_sh, dst_all, ones_v, zrow_v):
    c = lax.axis_index("c")
    s = lax.axis_index("s")
    base = (c * _NS + s) * _ERPT

    def zb(i, _):
        zrow_v[pl.ds(i * 16, 16)] = jnp.zeros((16,), _f32)
        return 0
    lax.fori_loop(0, _STRIPE // 16, zb, 0)

    def ob(i, _):
        ones_v[pl.ds(i * 16, 16)] = jnp.ones((16,), _f32)
        return 0
    lax.fori_loop(0, 8, ob, 0)

    pltpu.sync_copy(dst_hbm.at[pl.ds(base, _ERPT)], dst_all)
    pltpu.sync_copy(zrow_v, acc_sh.at[pl.ds(s * _STRIPE, _STRIPE)])
    plsc.subcore_barrier()

    def eloop(j, _):
        pltpu.sync_copy(ones_v, acc_sh.at[dst_all.at[j]], add=True)
        return 0
    lax.fori_loop(0, _ERPT, eloop, 0)

    plsc.subcore_barrier()
    pltpu.sync_copy(acc_sh.at[pl.ds(s * _STRIPE, _STRIPE)],
                    out_hbm.at[pl.ds(c * _NACC + s * _STRIPE, _STRIPE)])


@functools.cache
def _get_scatter_kernel():
    mesh = plsc.VectorSubcoreMesh(
        core_axis_name="c", subcore_axis_name="s",
        num_cores=_NC, num_subcores=_NS)
    return pl.kernel(
        _scatter_body,
        out_type=[jax.ShapeDtypeStruct((_NACC, _D), _f32),
                  jax.ShapeDtypeStruct((_NACC, _D), _f32)],
        mesh=mesh,
        scratch_types=[
            pltpu.MemorySpace.VMEM_SHARED((_NACC, _D), _f32),
            pltpu.MemorySpace.VMEM((_ERPT, 128), jnp.int32),
            pltpu.MemorySpace.VMEM((_NBUF, 128), jnp.int32),
            [pltpu.MemorySpace.VMEM((128, _D), _f32) for _ in range(_NBUF)],
            [pltpu.SemaphoreType.DMA for _ in range(_NBUF)],
            [pltpu.SemaphoreType.DMA for _ in range(_NBUF)],
        ],
    )


def _scatter_body(g_hbm, src_hbm, dst_hbm, out0_hbm, out1_hbm,
                  acc_sh, src_all, dstb, bufs, gsems, dsems):
    c = lax.axis_index("c")
    s = lax.axis_index("s")
    base = (c * _NS + s) * _ERPT

    pltpu.sync_copy(src_hbm.at[pl.ds(base, _ERPT)], src_all)

    with jax.named_scope("zero_acc"):
        _zero_vmem_2d(bufs[0], 128)
        for k in range(_STRIPE // 128):
            pltpu.sync_copy(bufs[0],
                            acc_sh.at[pl.ds(s * _STRIPE + k * 128, 128)])

    for b in range(_NBUF):
        pltpu.async_copy(dst_hbm.at[base + b], dstb.at[b], dsems[b])
        pltpu.async_copy(g_hbm.at[src_all.at[b]], bufs[b], gsems[b])
    plsc.subcore_barrier()

    with jax.named_scope("edge_loop"):
        def outer(i, _):
            j0 = i * _NBUF
            for b in range(_NBUF):
                j = j0 + b
                pltpu.make_async_copy(g_hbm.at[src_all.at[j]],
                                      bufs[b], gsems[b]).wait()
                pltpu.make_async_copy(dst_hbm.at[base + j],
                                      dstb.at[b], dsems[b]).wait()
                pltpu.sync_copy(bufs[b], acc_sh.at[dstb.at[b]], add=True)
                jn = jnp.minimum(j + _NBUF, _ERPT - 1)
                pltpu.async_copy(dst_hbm.at[base + jn], dstb.at[b], dsems[b])
                pltpu.async_copy(g_hbm.at[src_all.at[jn]], bufs[b], gsems[b])
            return 0
        lax.fori_loop(0, _ERPT // _NBUF, outer, 0)

        for b in range(_NBUF):
            pltpu.make_async_copy(g_hbm.at[src_all.at[_ERPT - 1]],
                                  bufs[b], gsems[b]).wait()
            pltpu.make_async_copy(dst_hbm.at[base + _ERPT - 1],
                                  dstb.at[b], dsems[b]).wait()

    with jax.named_scope("end_barrier"):
        plsc.subcore_barrier()
    with jax.named_scope("copy_out"):
        @pl.when(c == 0)
        def _():
            pltpu.sync_copy(acc_sh.at[pl.ds(s * _STRIPE, _STRIPE)],
                            out0_hbm.at[pl.ds(s * _STRIPE, _STRIPE)])

        @pl.when(c == 1)
        def _():
            pltpu.sync_copy(acc_sh.at[pl.ds(s * _STRIPE, _STRIPE)],
                            out1_hbm.at[pl.ds(s * _STRIPE, _STRIPE)])


def _k1a_body(x_ref, W1_ref, o_ref):
    o_ref[...] = jnp.dot(x_ref[...], W1_ref[...],
                         preferred_element_type=_f32)


def _k1b_body(p_ref, degT_ref, o_ref):
    dinv = lax.rsqrt(degT_ref[:, 0:1] + degT_ref[:, 1:2] + 1.0)
    o_ref[...] = p_ref[...] * dinv


def _k3_body(acc_a_ref, acc_b_ref, g1_ref, degT_ref, b1_ref, W2_ref, o_ref):
    dinv = lax.rsqrt(degT_ref[:, 0:1] + degT_ref[:, 1:2] + 1.0)
    h1 = jax.nn.relu((acc_a_ref[...] + acc_b_ref[...] + g1_ref[...]) * dinv
                     + b1_ref[...])
    o_ref[...] = jnp.dot(h1, W2_ref[...], preferred_element_type=_f32) * dinv


def _k5_body(acc_a_ref, acc_b_ref, g2_ref, degT_ref, b2_ref, batch_ref,
             axp_ref, Wl1_ref, bl1_ref, Wax_ref, bax_ref,
             Wl2h_ref, Wl2a_ref, bl2_ref, o_ref, sums_acc, cnts_acc):
    i = pl.program_id(0)

    @pl.when(i == 0)
    def _():
        sums_acc[...] = jnp.zeros_like(sums_acc)
        cnts_acc[...] = jnp.zeros_like(cnts_acc)

    dinv = lax.rsqrt(degT_ref[:, 0:1] + degT_ref[:, 1:2] + 1.0)
    h2 = jax.nn.relu((acc_a_ref[...] + acc_b_ref[...] + g2_ref[...]) * dinv
                     + b2_ref[...])
    gid = lax.broadcasted_iota(jnp.int32, (_NBLK, _G), 1)
    oh = jnp.where(batch_ref[...] == gid, 1.0, 0.0)
    sums_acc[...] += lax.dot_general(
        oh, h2, (((0,), (0,)), ((), ())), preferred_element_type=_f32)
    cnts_acc[...] += lax.dot_general(
        oh, jnp.ones((_NBLK, _D), _f32), (((0,), (0,)), ((), ())),
        preferred_element_type=_f32)

    @pl.when(i == _NGRID - 1)
    def _():
        mean = sums_acc[...] / jnp.maximum(cnts_acc[...], 1.0)
        ho = jnp.dot(mean, Wl1_ref[...],
                     preferred_element_type=_f32) + bl1_ref[...]
        ax = jnp.dot(axp_ref[...], Wax_ref[...],
                     preferred_element_type=_f32) + bax_ref[...]
        o_ref[...] = (jnp.dot(ho, Wl2h_ref[...], preferred_element_type=_f32)
                      + jnp.dot(ax, Wl2a_ref[...],
                                preferred_element_type=_f32)
                      + bl2_ref[...])


def _deg_call(dstp):
    return _get_deg_kernel()(dstp)


def _scatter_call(g, srcp, dstp):
    return _get_scatter_kernel()(g, srcp, dstp)


_spec_full128 = pl.BlockSpec((_D, _D), lambda i: (0, 0))
_spec_row128 = pl.BlockSpec((1, _D), lambda i: (0, 0))
_spec_nblk = pl.BlockSpec((_NBLK, _D), lambda i: (i, 0))
_spec_deg = pl.BlockSpec((_NBLK, 2), lambda i: (i, 0))


def _k1a_call(x, W1):
    return pl.pallas_call(
        _k1a_body,
        grid=(_NGRID,),
        in_specs=[_spec_nblk, _spec_full128],
        out_specs=_spec_nblk,
        out_shape=jax.ShapeDtypeStruct((_N, _D), _f32),
    )(x, W1)


def _k1b_call(p1, degT):
    return pl.pallas_call(
        _k1b_body,
        grid=(_NGRID,),
        in_specs=[_spec_nblk, _spec_deg],
        out_specs=_spec_nblk,
        out_shape=jax.ShapeDtypeStruct((_N, _D), _f32),
    )(p1, degT)


def _k3_call(acc0, acc1, g1, degT, b1p, W2):
    return pl.pallas_call(
        _k3_body,
        grid=(_NGRID,),
        in_specs=[_spec_nblk, _spec_nblk, _spec_nblk, _spec_deg,
                  _spec_row128, _spec_full128],
        out_specs=_spec_nblk,
        out_shape=jax.ShapeDtypeStruct((_N, _D), _f32),
    )(acc0, acc1, g1, degT, b1p, W2)


def _k5_call(acc0, acc1, g2, degT, b2p, batch2d, axp, Wl1, bl1p, Waxp, baxp,
             Wl2h, Wl2a, bl2p):
    return pl.pallas_call(
        _k5_body,
        grid=(_NGRID,),
        in_specs=[_spec_nblk, _spec_nblk, _spec_nblk, _spec_deg,
                  _spec_row128,
                  pl.BlockSpec((_NBLK, 1), lambda i: (i, 0)),
                  pl.BlockSpec((_G, _D), lambda i: (0, 0)),
                  _spec_full128, _spec_row128, _spec_full128, _spec_row128,
                  _spec_full128, _spec_full128, _spec_row128],
        out_specs=pl.BlockSpec((_G, _D), lambda i: (0, 0)),
        out_shape=jax.ShapeDtypeStruct((_G, _D), _f32),
        scratch_shapes=[
            pltpu.VMEM((_G, _D), _f32),
            pltpu.VMEM((_G, _D), _f32),
        ],
    )(acc0, acc1, g2, degT, b2p, batch2d, axp, Wl1, bl1p, Waxp, baxp,
      Wl2h, Wl2a, bl2p)


def kernel(x, edge_index, batch, ax_data, W1, b1, W2, b2, Wl1, bl1,
           Wax, bax, Wl2, bl2):
    pad_e = _EPAD - _E
    pad_i = jnp.arange(pad_e, dtype=jnp.int32) % (_NACC - _N)
    srcp = jnp.concatenate([edge_index[0], pad_i]).reshape(_EROWS, 128)
    dstp = jnp.concatenate([edge_index[1], _N + pad_i]).reshape(_EROWS, 128)
    batch2d = batch.reshape(_N, 1)
    b1p = b1.reshape(1, _D)
    b2p = b2.reshape(1, _D)
    axp = jnp.pad(ax_data, ((0, 0), (0, _D - ax_data.shape[1])))
    Waxp = jnp.pad(Wax, ((0, _D - Wax.shape[0]), (0, _D - Wax.shape[1])))
    baxp = jnp.pad(bax, (0, _D - bax.shape[0])).reshape(1, _D)
    Wl2h = jnp.pad(Wl2[:_D], ((0, 0), (0, _D - Wl2.shape[1])))
    Wl2a = jnp.pad(Wl2[_D:], ((0, _D - (Wl2.shape[0] - _D)),
                              (0, _D - Wl2.shape[1])))
    bl2p = jnp.pad(bl2, (0, _D - bl2.shape[0])).reshape(1, _D)
    bl1p = bl1.reshape(1, _D)

    deg2 = _deg_call(dstp)
    p1 = _k1a_call(x, W1)
    degT = deg2.reshape(_NC, _NACC).T
    g1 = _k1b_call(p1, degT)
    acc1a, acc1b = _scatter_call(g1, srcp, dstp)
    g2 = _k3_call(acc1a, acc1b, g1, degT, b1p, W2)
    acc2a, acc2b = _scatter_call(g2, srcp, dstp)
    out128 = _k5_call(acc2a, acc2b, g2, degT, b2p, batch2d, axp, Wl1, bl1p,
                      Waxp, baxp, Wl2h, Wl2a, bl2p)
    return out128[:, :Wl2.shape[1]]

# --- scband reference (transcript-rebuilt; emitter-appended) ---
"""Pipeline reference for scband-patient-gcn-79061757985142 (READ-ONLY COPY).

The authoritative reference and input builder live on the scoring server;
editing this copy changes nothing except your own understanding.
"""

import jax, jax.numpy as jnp
import numpy as np

N = 10000
E = 320000
G = 256
DIN = 128
DH = 128
DGO = 128
AXIN = 64
AXOUT = 64
OUT = 2


def setup_inputs(seed: int = 0) -> dict:
    key = jax.random.key(seed)
    ks = jax.random.split(key, 18)
    x = jax.random.normal(ks[0], (N, DIN), dtype=jnp.float32)
    edge_index = jax.random.randint(ks[1], (2, E), 0, N, dtype=jnp.int32)
    batch = jnp.sort(jax.random.randint(ks[2], (N,), 0, G, dtype=jnp.int32))
    ax_data = jax.random.normal(ks[3], (G, AXIN), dtype=jnp.float32)
    # GCNConv parameters (weight [in, out] + bias), torch Linear params stored as [in, out]
    W1 = jax.random.normal(ks[4], (DIN, DH), dtype=jnp.float32) * 0.05
    b1 = jnp.zeros((DH,), dtype=jnp.float32)
    W2 = jax.random.normal(ks[5], (DH, DH), dtype=jnp.float32) * 0.05
    b2 = jnp.zeros((DH,), dtype=jnp.float32)
    Wl1 = jax.random.normal(ks[6], (DH, DGO), dtype=jnp.float32) * 0.05
    bl1 = jnp.zeros((DGO,), dtype=jnp.float32)
    Wax = jax.random.normal(ks[7], (AXIN, AXOUT), dtype=jnp.float32) * 0.05
    bax = jnp.zeros((AXOUT,), dtype=jnp.float32)
    Wl2 = jax.random.normal(ks[8], (DGO + AXOUT, OUT), dtype=jnp.float32) * 0.05
    bl2 = jnp.zeros((OUT,), dtype=jnp.float32)
    return {"x": x, "edge_index": edge_index, "batch": batch, "ax_data": ax_data,
            "W1": W1, "b1": b1, "W2": W2, "b2": b2,
            "Wl1": Wl1, "bl1": bl1, "Wax": Wax, "bax": bax,
            "Wl2": Wl2, "bl2": bl2}


def _gcn_conv(x, edge_index, W, b, num_nodes):
    # PyG GCNConv: add self-loops, symmetric normalization D^-1/2 A D^-1/2
    loop = jnp.arange(num_nodes, dtype=edge_index.dtype)
    src = jnp.concatenate([edge_index[0], loop])
    dst = jnp.concatenate([edge_index[1], loop])
    deg = jnp.zeros((num_nodes,), dtype=x.dtype).at[dst].add(1.0)
    dinv = jnp.where(deg > 0, jax.lax.rsqrt(jnp.maximum(deg, 1e-12)), 0.0)
    norm = dinv[src] * dinv[dst]
    h = x @ W
    msg = h[src] * norm[:, None]
    out = jnp.zeros((num_nodes, W.shape[1]), dtype=x.dtype).at[dst].add(msg)
    return out + b


def _global_mean_pool(x, batch, num_graphs):
    sums = jax.ops.segment_sum(x, batch, num_segments=num_graphs)
    cnts = jax.ops.segment_sum(jnp.ones((x.shape[0], 1), dtype=x.dtype), batch, num_segments=num_graphs)
    return sums / jnp.maximum(cnts, 1.0)


def reference(x, edge_index, batch, ax_data, W1, b1, W2, b2, Wl1, bl1, Wax, bax, Wl2, bl2):
    h = _gcn_conv(x, edge_index, W1, b1, N)
    h = jax.nn.relu(h)
    h = _gcn_conv(h, edge_index, W2, b2, N)
    h = jax.nn.relu(h)
    h = _global_mean_pool(h, batch, G)
    h = h @ Wl1 + bl1
    ax = ax_data @ Wax + bax
    cat = jnp.concatenate([h, ax], axis=1)
    out = cat @ Wl2 + bl2
    return out

if __name__ == "__main__":
    import jax
    _d = setup_inputs()
    print(jax.jit(kernel)(*tuple(_d.values())))

</pallas_src>

<mosaic_0001>
#map = affine_map<(d0, d1) -> (0, 0)>
#map1 = affine_map<(d0, d1) -> (0)>
module attributes {stable_mosaic.version = 14 : i64} {
  func.func @_deg_body(%arg0: i32, %arg1: i32, %arg2: memref<2560x128xi32, #tpu.memory_space<hbm>>, %arg3: memref<20480xf32, #tpu.memory_space<hbm>>, %arg4: memref<10240xf32, #tpu.memory_space<vmem_shared>>, %arg5: memref<80x128xi32, #tpu.memory_space<vmem>>, %arg6: memref<128xf32, #tpu.memory_space<vmem>>, %arg7: memref<640xf32, #tpu.memory_space<vmem>>) attributes {dimension_semantics = [#tpu.dimension_semantics<core_parallel>, #tpu.dimension_semantics<subcore_parallel>], iteration_bounds = array<i64: 2, 16>, scalar_prefetch = 0 : i64, scratch_operands = 4 : i64, tpu.core_type = #tpu.core_type<sc_vector_subcore>, window_params = [{transform_indices = #map}, {transform_indices = #map1}]} {
    %mul3A = arith.constant 16 : i32
    %mul3A_0 = arith.muli %arg0, %mul3A : i32
    %add3A = arith.addi %mul3A_0, %arg1 : i32
    %mul3A_1 = arith.constant 80 : i32
    %mul3A_2 = arith.muli %add3A, %mul3A_1 : i32
    %scan3A = arith.constant 0 : i32
    %scan3A_3 = arith.constant 0 : i32
    %scan3A_4 = arith.constant 40 : i32
    %scan3A_5 = arith.addi %scan3A_3, %scan3A_4 : i32
    %scan3A_6 = arith.constant 1 : i32
    %scan3A_7 = scf.for %scan3A_33 = %scan3A_3 to %scan3A_5 step %scan3A_6 iter_args(%scan3A_34 = %scan3A) -> (i32)  : i32 {
      %broadcast_in_dim3A = arith.constant 0.000000e+00 : f32
      %broadcast_in_dim3A_35 = vector.broadcast %broadcast_in_dim3A : f32 to vector<16xf32>
      %mul3A_36 = arith.constant 16 : i32
      %mul3A_37 = arith.muli %scan3A_33, %mul3A_36 : i32
      %swap3A = arith.index_cast %mul3A_37 : i32 to index
      %swap3A_38 = tpu.vector_load %arg7[%swap3A] {strides = array<i32>} : memref<640xf32, #tpu.memory_space<vmem>>, vector<16xf32>,
      %swap3A_39 = vector.shape_cast %swap3A_38 : vector<16xf32> to vector<16xf32>
      %swap3A_40 = vector.shape_cast %broadcast_in_dim3A_35 : vector<16xf32> to vector<16xf32>
      tpu.vector_store %arg7[%swap3A], %swap3A_40 {strides = array<i32>} : memref<640xf32, #tpu.memory_space<vmem>>, vector<16xf32>,
      %scan3A_41 = arith.constant 0 : i32
      scf.yield %scan3A_41 : i32
    }
    %scan3A_8 = arith.constant 40 : i32
    %scan3A_9 = arith.constant 0 : i32
    %scan3A_10 = arith.constant 0 : i32
    %scan3A_11 = arith.constant 8 : i32
    %scan3A_12 = arith.addi %scan3A_10, %scan3A_11 : i32
    %scan3A_13 = arith.constant 1 : i32
    %scan3A_14 = scf.for %scan3A_33 = %scan3A_10 to %scan3A_12 step %scan3A_13 iter_args(%scan3A_34 = %scan3A_9) -> (i32)  : i32 {
      %broadcast_in_dim3A = arith.constant 1.000000e+00 : f32
      %broadcast_in_dim3A_35 = vector.broadcast %broadcast_in_dim3A : f32 to vector<16xf32>
      %mul3A_36 = arith.constant 16 : i32
      %mul3A_37 = arith.muli %scan3A_33, %mul3A_36 : i32
      %swap3A = arith.index_cast %mul3A_37 : i32 to index
      %swap3A_38 = tpu.vector_load %arg6[%swap3A] {strides = array<i32>} : memref<128xf32, #tpu.memory_space<vmem>>, vector<16xf32>,
      %swap3A_39 = vector.shape_cast %swap3A_38 : vector<16xf32> to vector<16xf32>
      %swap3A_40 = vector.shape_cast %broadcast_in_dim3A_35 : vector<16xf32> to vector<16xf32>
      tpu.vector_store %arg6[%swap3A], %swap3A_40 {strides = array<i32>} : memref<128xf32, #tpu.memory_space<vmem>>, vector<16xf32>,
      %scan3A_41 = arith.constant 0 : i32
      scf.yield %scan3A_41 : i32
    }
    %scan3A_15 = arith.constant 8 : i32
    "tpu.region"() ({
      %run_scoped3A = tpu.sem_alloc : memref<!tpu.dma_semaphore, #tpu.memory_space<semaphore_mem>>
      %dma_start3A = arith.constant 0 : i32
      %dma_start3A_33 = tpu.memref_slice %arg2[%mul3A_2, %dma_start3A] : memref<2560x128xi32, #tpu.memory_space<hbm>> -> memref<80x128xi32, #tpu.memory_space<hbm>>
      %dma_start3A_34 = arith.constant 0 : i32
      %dma_start3A_35 = tpu.memref_slice %arg2[%mul3A_2, %dma_start3A_34] : memref<2560x128xi32, #tpu.memory_space<hbm>> -> memref<80x128xi32, #tpu.memory_space<hbm>>
      tpu.enqueue_dma source(%dma_start3A_35 : memref<80x128xi32, #tpu.memory_space<hbm>>) target(%arg5 : memref<80x128xi32, #tpu.memory_space<vmem>>) target_semaphore(%run_scoped3A : memref<!tpu.dma_semaphore, #tpu.memory_space<semaphore_mem>>)
      %dma_wait3A = arith.constant 0 : i32
      %dma_wait3A_36 = tpu.memref_slice %arg2[%mul3A_2, %dma_wait3A] : memref<2560x128xi32, #tpu.memory_space<hbm>> -> memref<80x128xi32, #tpu.memory_space<hbm>>
      %dma_wait3A_37 = arith.constant 0 : i32
      %dma_wait3A_38 = tpu.memref_slice %arg2[%mul3A_2, %dma_wait3A_37] : memref<2560x128xi32, #tpu.memory_space<hbm>> -> memref<80x128xi32, #tpu.memory_space<hbm>>
      tpu.wait_dma2 semaphore(%run_scoped3A : memref<!tpu.dma_semaphore, #tpu.memory_space<semaphore_mem>>) src(%dma_wait3A_38 : memref<80x128xi32, #tpu.memory_space<hbm>>) dst(%arg5 : memref<80x128xi32, #tpu.memory_space<vmem>>)
      tpu.yield
    }) : () -> ()
    %mul3A_16 = arith.constant 640 : i32
    %mul3A_17 = arith.muli %arg1, %mul3A_16 : i32
    "tpu.region"() ({
      %run_scoped3A = tpu.sem_alloc : memref<!tpu.dma_semaphore, #tpu.memory_space<semaphore_mem>>
      %dma_start3A = tpu.memref_slice %arg4[%mul3A_17] : memref<10240xf32, #tpu.memory_space<vmem_shared>> -> memref<640xf32, #tpu.memory_space<vmem_shared>>
      %dma_start3A_33 = tpu.memref_slice %arg4[%mul3A_17] : memref<10240xf32, #tpu.memory_space<vmem_shared>> -> memref<640xf32, #tpu.memory_space<vmem_shared>>
      tpu.enqueue_dma source(%arg7 : memref<640xf32, #tpu.memory_space<vmem>>) target(%dma_start3A_33 : memref<640xf32, #tpu.memory_space<vmem_shared>>) target_semaphore(%run_scoped3A : memref<!tpu.dma_semaphore, #tpu.memory_space<semaphore_mem>>)
      %dma_wait3A = tpu.memref_slice %arg4[%mul3A_17] : memref<10240xf32, #tpu.memory_space<vmem_shared>> -> memref<640xf32, #tpu.memory_space<vmem_shared>>
      %dma_wait3A_34 = tpu.memref_slice %arg4[%mul3A_17] : memref<10240xf32, #tpu.memory_space<vmem_shared>> -> memref<640xf32, #tpu.memory_space<vmem_shared>>
      tpu.wait_dma2 semaphore(%run_scoped3A : memref<!tpu.dma_semaphore, #tpu.memory_space<semaphore_mem>>) src(%arg7 : memref<640xf32, #tpu.memory_space<vmem>>) dst(%dma_wait3A_34 : memref<640xf32, #tpu.memory_space<vmem_shared>>)
      tpu.yield
    }) : () -> ()
    %barrier3A = arith.constant 0 : index
    tpu.barrier barrier_id(%barrier3A)
    %scan3A_18 = arith.constant 0 : i32
    %scan3A_19 = arith.constant 0 : i32
    %scan3A_20 = arith.constant 80 : i32
    %scan3A_21 = arith.addi %scan3A_19, %scan3A_20 : i32
    %scan3A_22 = arith.constant 1 : i32
    %scan3A_23 = scf.for %scan3A_33 = %scan3A_19 to %scan3A_21 step %scan3A_22 iter_args(%scan3A_34 = %scan3A_18) -> (i32)  : i32 {
      "tpu.region"() ({
        %run_scoped3A = tpu.sem_alloc : memref<!tpu.dma_semaphore, #tpu.memory_space<semaphore_mem>>
        %dma_start3A = arith.constant 0 : i32
        %dma_start3A_36 = tpu.memref_slice %arg5[%scan3A_33, %dma_start3A] : memref<80x128xi32, #tpu.memory_space<vmem>> -> memref<1x128xi32, #tpu.memory_space<vmem>>
        %dma_start3A_37 = tpu.memref_squeeze %dma_start3A_36 : memref<1x128xi32, #tpu.memory_space<vmem>> -> memref<128xi32, #tpu.memory_space<vmem>>
        %dma_start3A_38 = arith.constant 0 : i32
        %dma_start3A_39 = tpu.memref_slice %arg4[%dma_start3A_38] : memref<10240xf32, #tpu.memory_space<vmem_shared>> -> memref<10240xf32, #tpu.memory_space<vmem_shared>>
        tpu.enqueue_indirect_dma source(%arg6 : memref<128xf32, #tpu.memory_space<vmem>>) target(%dma_start3A_39 : memref<10240xf32, #tpu.memory_space<vmem_shared>>) offsets(%dma_start3A_37 : memref<128xi32, #tpu.memory_space<vmem>>) semaphore(%run_scoped3A : memref<!tpu.dma_semaphore, #tpu.memory_space<semaphore_mem>>) {add = true}
        %dma_wait3A = arith.constant 0 : i32
        %dma_wait3A_40 = tpu.memref_slice %arg5[%scan3A_33, %dma_wait3A] : memref<80x128xi32, #tpu.memory_space<vmem>> -> memref<1x128xi32, #tpu.memory_space<vmem>>
        %dma_wait3A_41 = tpu.memref_squeeze %dma_wait3A_40 : memref<1x128xi32, #tpu.memory_space<vmem>> -> memref<128xi32, #tpu.memory_space<vmem>>
        %dma_wait3A_42 = arith.constant 0 : i32
        %dma_wait3A_43 = tpu.memref_slice %arg4[%dma_wait3A_42] : memref<10240xf32, #tpu.memory_space<vmem_shared>> -> memref<10240xf32, #tpu.memory_space<vmem_shared>>
        tpu.wait_indirect_dma semaphore(%run_scoped3A : memref<!tpu.dma_semaphore, #tpu.memory_space<semaphore_mem>>) src(%arg6 : memref<128xf32, #tpu.memory_space<vmem>>) dst(%dma_wait3A_43 : memref<10240xf32, #tpu.memory_space<vmem_shared>>)
        tpu.yield
      }) : () -> ()
      %scan3A_35 = arith.constant 0 : i32
      scf.yield %scan3A_35 : i32
    }
    %scan3A_24 = arith.constant 80 : i32
    %barrier3A_25 = arith.constant 0 : index
    tpu.barrier barrier_id(%barrier3A_25)
    %mul3A_26 = arith.constant 640 : i32
    %mul3A_27 = arith.muli %arg1, %mul3A_26 : i32
    %mul3A_28 = arith.constant 10240 : i32
    %mul3A_29 = arith.muli %arg0, %mul3A_28 : i32
    %mul3A_30 = arith.constant 640 : i32
    %mul3A_31 = arith.muli %arg1, %mul3A_30 : i32
    %add3A_32 = arith.addi %mul3A_29, %mul3A_31 : i32
    "tpu.region"() ({
      %run_scoped3A = tpu.sem_alloc : memref<!tpu.dma_semaphore, #tpu.memory_space<semaphore_mem>>
      %dma_start3A = tpu.memref_slice %arg3[%add3A_32] : memref<20480xf32, #tpu.memory_space<hbm>> -> memref<640xf32, #tpu.memory_space<hbm>>
      %dma_start3A_33 = tpu.memref_slice %arg4[%mul3A_27] : memref<10240xf32, #tpu.memory_space<vmem_shared>> -> memref<640xf32, #tpu.memory_space<vmem_shared>>
      tpu.enqueue_dma source(%dma_start3A_33 : memref<640xf32, #tpu.memory_space<vmem_shared>>) target(%dma_start3A : memref<640xf32, #tpu.memory_space<hbm>>) target_semaphore(%run_scoped3A : memref<!tpu.dma_semaphore, #tpu.memory_space<semaphore_mem>>)
      %dma_wait3A = tpu.memref_slice %arg3[%add3A_32] : memref<20480xf32, #tpu.memory_space<hbm>> -> memref<640xf32, #tpu.memory_space<hbm>>
      %dma_wait3A_34 = tpu.memref_slice %arg4[%mul3A_27] : memref<10240xf32, #tpu.memory_space<vmem_shared>> -> memref<640xf32, #tpu.memory_space<vmem_shared>>
      tpu.wait_dma2 semaphore(%run_scoped3A : memref<!tpu.dma_semaphore, #tpu.memory_space<semaphore_mem>>) src(%dma_wait3A_34 : memref<640xf32, #tpu.memory_space<vmem_shared>>) dst(%dma_wait3A : memref<640xf32, #tpu.memory_space<hbm>>)
      tpu.yield
    }) : () -> ()
    return
  }
}

#map = affine_map<(d0, d1) -> (0, 0)>
module attributes {stable_mosaic.version = 14 : i64} {
  func.func @_scatter_body(%arg0: i32, %arg1: i32, %arg2: memref<10000x128xf32, #tpu.memory_space<hbm>>, %arg3: memref<2560x128xi32, #tpu.memory_space<hbm>>, %arg4: memref<2560x128xi32, #tpu.memory_space<hbm>>, %arg5: memref<10240x128xf32, #tpu.memory_space<hbm>>, %arg6: memref<10240x128xf32, #tpu.memory_space<hbm>>, %arg7: memref<10240x128xf32, #tpu.memory_space<vmem_shared>>, %arg8: memref<80x128xi32, #tpu.memory_space<vmem>>, %arg9: memref<2x128xi32, #tpu.memory_space<vmem>>, %arg10: memref<128x128xf32, #tpu.memory_space<vmem>>, %arg11: memref<128x128xf32, #tpu.memory_space<vmem>>, %arg12: memref<!tpu.dma_semaphore, #tpu.memory_space<semaphore_mem>>, %arg13: memref<!tpu.dma_semaphore, #tpu.memory_space<semaphore_mem>>, %arg14: memref<!tpu.dma_semaphore, #tpu.memory_space<semaphore_mem>>, %arg15: memref<!tpu.dma_semaphore, #tpu.memory_space<semaphore_mem>>) attributes {dimension_semantics = [#tpu.dimension_semantics<core_parallel>, #tpu.dimension_semantics<subcore_parallel>], iteration_bounds = array<i64: 2, 16>, scalar_prefetch = 0 : i64, scratch_operands = 9 : i64, tpu.core_type = #tpu.core_type<sc_vector_subcore>, window_params = [{transform_indices = #map}, {transform_indices = #map}, {transform_indices = #map}, {transform_indices = #map}, {transform_indices = #map}]} {
    %mul3A = arith.constant 16 : i32
    %mul3A_0 = arith.muli %arg0, %mul3A : i32
    %add3A = arith.addi %mul3A_0, %arg1 : i32
    %mul3A_1 = arith.constant 80 : i32
    %mul3A_2 = arith.muli %add3A, %mul3A_1 : i32
    "tpu.region"() ({
      %run_scoped3A = tpu.sem_alloc : memref<!tpu.dma_semaphore, #tpu.memory_space<semaphore_mem>>
      %dma_start3A_133 = arith.constant 0 : i32
      %dma_start3A_134 = tpu.memref_slice %arg3[%mul3A_2, %dma_start3A_133] : memref<2560x128xi32, #tpu.memory_space<hbm>> -> memref<80x128xi32, #tpu.memory_space<hbm>>
      %dma_start3A_135 = arith.constant 0 : i32
      %dma_start3A_136 = tpu.memref_slice %arg3[%mul3A_2, %dma_start3A_135] : memref<2560x128xi32, #tpu.memory_space<hbm>> -> memref<80x128xi32, #tpu.memory_space<hbm>>
      tpu.enqueue_dma source(%dma_start3A_136 : memref<80x128xi32, #tpu.memory_space<hbm>>) target(%arg8 : memref<80x128xi32, #tpu.memory_space<vmem>>) target_semaphore(%run_scoped3A : memref<!tpu.dma_semaphore, #tpu.memory_space<semaphore_mem>>)
      %dma_wait3A_137 = arith.constant 0 : i32
      %dma_wait3A_138 = tpu.memref_slice %arg3[%mul3A_2, %dma_wait3A_137] : memref<2560x128xi32, #tpu.memory_space<hbm>> -> memref<80x128xi32, #tpu.memory_space<hbm>>
      %dma_wait3A_139 = arith.constant 0 : i32
      %dma_wait3A_140 = tpu.memref_slice %arg3[%mul3A_2, %dma_wait3A_139] : memref<2560x128xi32, #tpu.memory_space<hbm>> -> memref<80x128xi32, #tpu.memory_space<hbm>>
      tpu.wait_dma2 semaphore(%run_scoped3A : memref<!tpu.dma_semaphore, #tpu.memory_space<semaphore_mem>>) src(%dma_wait3A_140 : memref<80x128xi32, #tpu.memory_space<hbm>>) dst(%arg8 : memref<80x128xi32, #tpu.memory_space<vmem>>)
      tpu.yield
    }) : () -> ()
    "tpu.trace_start"() <{level = 10 : i32, message = "zero_acc"}> : () -> ()
    %scan3A = arith.constant 0 : i32
    %scan3A_3 = arith.constant 0 : i32
    %scan3A_4 = arith.constant 1024 : i32
    %scan3A_5 = arith.addi %scan3A_3, %scan3A_4 : i32
    %scan3A_6 = arith.constant 1 : i32
    %scan3A_7 = scf.for %scan3A_133 = %scan3A_3 to %scan3A_5 step %scan3A_6 iter_args(%scan3A_134 = %scan3A) -> (i32)  : i32 {
      %jit3A = arith.constant 8 : i32
      %div3A = arith.divsi %scan3A_133, %jit3A : i32
      %sign3A = arith.constant 0 : i32
      %sign3A_135 = arith.cmpi sgt, %scan3A_133, %sign3A : i32
      %sign3A_136 = arith.extui %sign3A_135 : i1 to i32
      %sign3A_137 = arith.constant 0 : i32
      %sign3A_138 = arith.cmpi slt, %scan3A_133, %sign3A_137 : i32
      %sign3A_139 = arith.extui %sign3A_138 : i1 to i32
      %sign3A_140 = arith.subi %sign3A_136, %sign3A_139 : i32
      %sign3A_141 = arith.constant 0 : i32
      %sign3A_142 = arith.cmpi sgt, %jit3A, %sign3A_141 : i32
      %sign3A_143 = arith.extui %sign3A_142 : i1 to i32
      %sign3A_144 = arith.constant 0 : i32
      %sign3A_145 = arith.cmpi slt, %jit3A, %sign3A_144 : i32
      %sign3A_146 = arith.extui %sign3A_145 : i1 to i32
      %sign3A_147 = arith.subi %sign3A_143, %sign3A_146 : i32
      %ne3A = arith.cmpi ne, %sign3A_140, %sign3A_147 : i32
      %rem3A = arith.remsi %scan3A_133, %jit3A : i32
      %ne3A_148 = arith.constant 0 : i32
      %ne3A_149 = arith.cmpi ne, %rem3A, %ne3A_148 : i32
      %and3A = arith.andi %ne3A, %ne3A_149 : i1
      %sub3A_150 = arith.constant 1 : i32
      %sub3A_151 = arith.subi %div3A, %sub3A_150 : i32
      %select_n3A = arith.select %and3A, %sub3A_151, %div3A : i32
      %jit3A_152 = arith.constant 8 : i32
      %eq3A_153 = arith.constant 0 : i32
      %eq3A_154 = arith.cmpi eq, %jit3A_152, %eq3A_153 : i32
      %jit3A_155 = arith.constant 1 : i32
      %select_n3A_156 = arith.select %eq3A_154, %jit3A_155, %jit3A_152 : i32
      %rem3A_157 = arith.remsi %scan3A_133, %select_n3A_156 : i32
      %ne3A_158 = arith.constant 0 : i32
      %ne3A_159 = arith.cmpi ne, %rem3A_157, %ne3A_158 : i32
      %lt3A = arith.constant 0 : i32
      %lt3A_160 = arith.cmpi slt, %rem3A_157, %lt3A : i32
      %lt3A_161 = arith.constant 0 : i32
      %lt3A_162 = arith.cmpi slt, %select_n3A_156, %lt3A_161 : i32
      %ne3A_163 = arith.xori %lt3A_160, %lt3A_162 : i1
      %and3A_164 = arith.andi %ne3A_163, %ne3A_159 : i1
      %add3A_165 = arith.addi %rem3A_157, %select_n3A_156 : i32
      %select_n3A_166 = arith.select %and3A_164, %add3A_165, %rem3A_157 : i32
      %mul3A_167 = arith.constant 16 : i32
      %mul3A_168 = arith.muli %select_n3A_166, %mul3A_167 : i32
      %broadcast_in_dim3A = arith.constant 0.000000e+00 : f32
      %broadcast_in_dim3A_169 = vector.broadcast %broadcast_in_dim3A : f32 to vector<16xf32>
      %swap3A = arith.index_cast %select_n3A : i32 to index
      %swap3A_170 = arith.index_cast %mul3A_168 : i32 to index
      %swap3A_171 = tpu.vector_load %arg10[%swap3A, %swap3A_170] {strides = array<i32>} : memref<128x128xf32, #tpu.memory_space<vmem>>, vector<1x16xf32>,
      %swap3A_172 = vector.shape_cast %swap3A_171 : vector<1x16xf32> to vector<16xf32>
      %swap3A_173 = vector.shape_cast %broadcast_in_dim3A_169 : vector<16xf32> to vector<1x16xf32>
      tpu.vector_store %arg10[%swap3A, %swap3A_170], %swap3A_173 {strides = array<i32>} : memref<128x128xf32, #tpu.memory_space<vmem>>, vector<1x16xf32>,
      %scan3A_174 = arith.constant 0 : i32
      scf.yield %scan3A_174 : i32
    }
    %scan3A_8 = arith.constant 1024 : i32
    %mul3A_9 = arith.constant 640 : i32
    %mul3A_10 = arith.muli %arg1, %mul3A_9 : i32
    %add3A_11 = arith.constant 0 : i32
    %add3A_12 = arith.addi %mul3A_10, %add3A_11 : i32
    "tpu.region"() ({
      %run_scoped3A = tpu.sem_alloc : memref<!tpu.dma_semaphore, #tpu.memory_space<semaphore_mem>>
      %dma_start3A_133 = arith.constant 0 : i32
      %dma_start3A_134 = tpu.memref_slice %arg7[%add3A_12, %dma_start3A_133] : memref<10240x128xf32, #tpu.memory_space<vmem_shared>> -> memref<128x128xf32, #tpu.memory_space<vmem_shared>>
      %dma_start3A_135 = arith.constant 0 : i32
      %dma_start3A_136 = tpu.memref_slice %arg7[%add3A_12, %dma_start3A_135] : memref<10240x128xf32, #tpu.memory_space<vmem_shared>> -> memref<128x128xf32, #tpu.memory_space<vmem_shared>>
      tpu.enqueue_dma source(%arg10 : memref<128x128xf32, #tpu.memory_space<vmem>>) target(%dma_start3A_136 : memref<128x128xf32, #tpu.memory_space<vmem_shared>>) target_semaphore(%run_scoped3A : memref<!tpu.dma_semaphore, #tpu.memory_space<semaphore_mem>>)
      %dma_wait3A_137 = arith.constant 0 : i32
      %dma_wait3A_138 = tpu.memref_slice %arg7[%add3A_12, %dma_wait3A_137] : memref<10240x128xf32, #tpu.memory_space<vmem_shared>> -> memref<128x128xf32, #tpu.memory_space<vmem_shared>>
      %dma_wait3A_139 = arith.constant 0 : i32
      %dma_wait3A_140 = tpu.memref_slice %arg7[%add3A_12, %dma_wait3A_139] : memref<10240x128xf32, #tpu.memory_space<vmem_shared>> -> memref<128x128xf32, #tpu.memory_space<vmem_shared>>
      tpu.wait_dma2 semaphore(%run_scoped3A : memref<!tpu.dma_semaphore, #tpu.memory_space<semaphore_mem>>) src(%arg10 : memref<128x128xf32, #tpu.memory_space<vmem>>) dst(%dma_wait3A_140 : memref<128x128xf32, #tpu.memory_space<vmem_shared>>)
      tpu.yield
    }) : () -> ()
    %mul3A_13 = arith.constant 640 : i32
    %mul3A_14 = arith.muli %arg1, %mul3A_13 : i32
    %add3A_15 = arith.constant 128 : i32
    %add3A_16 = arith.addi %mul3A_14, %add3A_15 : i32
    "tpu.region"() ({
      %run_scoped3A = tpu.sem_alloc : memref<!tpu.dma_semaphore, #tpu.memory_space<semaphore_mem>>
      %dma_start3A_133 = arith.constant 0 : i32
      %dma_start3A_134 = tpu.memref_slice %arg7[%add3A_16, %dma_start3A_133] : memref<10240x128xf32, #tpu.memory_space<vmem_shared>> -> memref<128x128xf32, #tpu.memory_space<vmem_shared>>
      %dma_start3A_135 = arith.constant 0 : i32
      %dma_start3A_136 = tpu.memref_slice %arg7[%add3A_16, %dma_start3A_135] : memref<10240x128xf32, #tpu.memory_space<vmem_shared>> -> memref<128x128xf32, #tpu.memory_space<vmem_shared>>
      tpu.enqueue_dma source(%arg10 : memref<128x128xf32, #tpu.memory_space<vmem>>) target(%dma_start3A_136 : memref<128x128xf32, #tpu.memory_space<vmem_shared>>) target_semaphore(%run_scoped3A : memref<!tpu.dma_semaphore, #tpu.memory_space<semaphore_mem>>)
      %dma_wait3A_137 = arith.constant 0 : i32
      %dma_wait3A_138 = tpu.memref_slice %arg7[%add3A_16, %dma_wait3A_137] : memref<10240x128xf32, #tpu.memory_space<vmem_shared>> -> memref<128x128xf32, #tpu.memory_space<vmem_shared>>
      %dma_wait3A_139 = arith.constant 0 : i32
      %dma_wait3A_140 = tpu.memref_slice %arg7[%add3A_16, %dma_wait3A_139] : memref<10240x128xf32, #tpu.memory_space<vmem_shared>> -> memref<128x128xf32, #tpu.memory_space<vmem_shared>>
      tpu.wait_dma2 semaphore(%run_scoped3A : memref<!tpu.dma_semaphore, #tpu.memory_space<semaphore_mem>>) src(%arg10 : memref<128x128xf32, #tpu.memory_space<vmem>>) dst(%dma_wait3A_140 : memref<128x128xf32, #tpu.memory_space<vmem_shared>>)
      tpu.yield
    }) : () -> ()
    %mul3A_17 = arith.constant 640 : i32
    %mul3A_18 = arith.muli %arg1, %mul3A_17 : i32
    %add3A_19 = arith.constant 256 : i32
    %add3A_20 = arith.addi %mul3A_18, %add3A_19 : i32
    "tpu.region"() ({
      %run_scoped3A = tpu.sem_alloc : memref<!tpu.dma_semaphore, #tpu.memory_space<semaphore_mem>>
      %dma_start3A_133 = arith.constant 0 : i32
      %dma_start3A_134 = tpu.memref_slice %arg7[%add3A_20, %dma_start3A_133] : memref<10240x128xf32, #tpu.memory_space<vmem_shared>> -> memref<128x128xf32, #tpu.memory_space<vmem_shared>>
      %dma_start3A_135 = arith.constant 0 : i32
      %dma_start3A_136 = tpu.memref_slice %arg7[%add3A_20, %dma_start3A_135] : memref<10240x128xf32, #tpu.memory_space<vmem_shared>> -> memref<128x128xf32, #tpu.memory_space<vmem_shared>>
      tpu.enqueue_dma source(%arg10 : memref<128x128xf32, #tpu.memory_space<vmem>>) target(%dma_start3A_136 : memref<128x128xf32, #tpu.memory_space<vmem_shared>>) target_semaphore(%run_scoped3A : memref<!tpu.dma_semaphore, #tpu.memory_space<semaphore_mem>>)
      %dma_wait3A_137 = arith.constant 0 : i32
      %dma_wait3A_138 = tpu.memref_slice %arg7[%add3A_20, %dma_wait3A_137] : memref<10240x128xf32, #tpu.memory_space<vmem_shared>> -> memref<128x128xf32, #tpu.memory_space<vmem_shared>>
      %dma_wait3A_139 = arith.constant 0 : i32
      %dma_wait3A_140 = tpu.memref_slice %arg7[%add3A_20, %dma_wait3A_139] : memref<10240x128xf32, #tpu.memory_space<vmem_shared>> -> memref<128x128xf32, #tpu.memory_space<vmem_shared>>
      tpu.wait_dma2 semaphore(%run_scoped3A : memref<!tpu.dma_semaphore, #tpu.memory_space<semaphore_mem>>) src(%arg10 : memref<128x128xf32, #tpu.memory_space<vmem>>) dst(%dma_wait3A_140 : memref<128x128xf32, #tpu.memory_space<vmem_shared>>)
      tpu.yield
    }) : () -> ()
    %mul3A_21 = arith.constant 640 : i32
    %mul3A_22 = arith.muli %arg1, %mul3A_21 : i32
    %add3A_23 = arith.constant 384 : i32
    %add3A_24 = arith.addi %mul3A_22, %add3A_23 : i32
    "tpu.region"() ({
      %run_scoped3A = tpu.sem_alloc : memref<!tpu.dma_semaphore, #tpu.memory_space<semaphore_mem>>
      %dma_start3A_133 = arith.constant 0 : i32
      %dma_start3A_134 = tpu.memref_slice %arg7[%add3A_24, %dma_start3A_133] : memref<10240x128xf32, #tpu.memory_space<vmem_shared>> -> memref<128x128xf32, #tpu.memory_space<vmem_shared>>
      %dma_start3A_135 = arith.constant 0 : i32
      %dma_start3A_136 = tpu.memref_slice %arg7[%add3A_24, %dma_start3A_135] : memref<10240x128xf32, #tpu.memory_space<vmem_shared>> -> memref<128x128xf32, #tpu.memory_space<vmem_shared>>
      tpu.enqueue_dma source(%arg10 : memref<128x128xf32, #tpu.memory_space<vmem>>) target(%dma_start3A_136 : memref<128x128xf32, #tpu.memory_space<vmem_shared>>) target_semaphore(%run_scoped3A : memref<!tpu.dma_semaphore, #tpu.memory_space<semaphore_mem>>)
      %dma_wait3A_137 = arith.constant 0 : i32
      %dma_wait3A_138 = tpu.memref_slice %arg7[%add3A_24, %dma_wait3A_137] : memref<10240x128xf32, #tpu.memory_space<vmem_shared>> -> memref<128x128xf32, #tpu.memory_space<vmem_shared>>
      %dma_wait3A_139 = arith.constant 0 : i32
      %dma_wait3A_140 = tpu.memref_slice %arg7[%add3A_24, %dma_wait3A_139] : memref<10240x128xf32, #tpu.memory_space<vmem_shared>> -> memref<128x128xf32, #tpu.memory_space<vmem_shared>>
      tpu.wait_dma2 semaphore(%run_scoped3A : memref<!tpu.dma_semaphore, #tpu.memory_space<semaphore_mem>>) src(%arg10 : memref<128x128xf32, #tpu.memory_space<vmem>>) dst(%dma_wait3A_140 : memref<128x128xf32, #tpu.memory_space<vmem_shared>>)
      tpu.yield
    }) : () -> ()
    %mul3A_25 = arith.constant 640 : i32
    %mul3A_26 = arith.muli %arg1, %mul3A_25 : i32
    %add3A_27 = arith.constant 512 : i32
    %add3A_28 = arith.addi %mul3A_26, %add3A_27 : i32
    "tpu.region"() ({
      %run_scoped3A = tpu.sem_alloc : memref<!tpu.dma_semaphore, #tpu.memory_space<semaphore_mem>>
      %dma_start3A_133 = arith.constant 0 : i32
      %dma_start3A_134 = tpu.memref_slice %arg7[%add3A_28, %dma_start3A_133] : memref<10240x128xf32, #tpu.memory_space<vmem_shared>> -> memref<128x128xf32, #tpu.memory_space<vmem_shared>>
      %dma_start3A_135 = arith.constant 0 : i32
      %dma_start3A_136 = tpu.memref_slice %arg7[%add3A_28, %dma_start3A_135] : memref<10240x128xf32, #tpu.memory_space<vmem_shared>> -> memref<128x128xf32, #tpu.memory_space<vmem_shared>>
      tpu.enqueue_dma source(%arg10 : memref<128x128xf32, #tpu.memory_space<vmem>>) target(%dma_start3A_136 : memref<128x128xf32, #tpu.memory_space<vmem_shared>>) target_semaphore(%run_scoped3A : memref<!tpu.dma_semaphore, #tpu.memory_space<semaphore_mem>>)
      %dma_wait3A_137 = arith.constant 0 : i32
      %dma_wait3A_138 = tpu.memref_slice %arg7[%add3A_28, %dma_wait3A_137] : memref<10240x128xf32, #tpu.memory_space<vmem_shared>> -> memref<128x128xf32, #tpu.memory_space<vmem_shared>>
      %dma_wait3A_139 = arith.constant 0 : i32
      %dma_wait3A_140 = tpu.memref_slice %arg7[%add3A_28, %dma_wait3A_139] : memref<10240x128xf32, #tpu.memory_space<vmem_shared>> -> memref<128x128xf32, #tpu.memory_space<vmem_shared>>
      tpu.wait_dma2 semaphore(%run_scoped3A : memref<!tpu.dma_semaphore, #tpu.memory_space<semaphore_mem>>) src(%arg10 : memref<128x128xf32, #tpu.memory_space<vmem>>) dst(%dma_wait3A_140 : memref<128x128xf32, #tpu.memory_space<vmem_shared>>)
      tpu.yield
    }) : () -> ()
    "tpu.trace_stop"() : () -> ()
    %add3A_29 = arith.constant 0 : i32
    %add3A_30 = arith.addi %mul3A_2, %add3A_29 : i32
    %dma_start3A = arith.constant 0 : i32
    %dma_start3A_31 = arith.constant 0 : i32
    %dma_start3A_32 = tpu.memref_slice %arg9[%dma_start3A, %dma_start3A_31] : memref<2x128xi32, #tpu.memory_space<vmem>> -> memref<1x128xi32, #tpu.memory_space<vmem>>
    %dma_start3A_33 = tpu.memref_squeeze %dma_start3A_32 : memref<1x128xi32, #tpu.memory_space<vmem>> -> memref<128xi32, #tpu.memory_space<vmem>>
    %dma_start3A_34 = arith.constant 0 : i32
    %dma_start3A_35 = tpu.memref_slice %arg4[%add3A_30, %dma_start3A_34] : memref<2560x128xi32, #tpu.memory_space<hbm>> -> memref<1x128xi32, #tpu.memory_space<hbm>>
    %dma_start3A_36 = tpu.memref_squeeze %dma_start3A_35 : memref<1x128xi32, #tpu.memory_space<hbm>> -> memref<128xi32, #tpu.memory_space<hbm>>
    %dma_start3A_37 = arith.constant 0 : i32
    %dma_start3A_38 = tpu.memref_slice %arg9[%dma_start3A, %dma_start3A_37] : memref<2x128xi32, #tpu.memory_space<vmem>> -> memref<1x128xi32, #tpu.memory_space<vmem>>
    %dma_start3A_39 = tpu.memref_squeeze %dma_start3A_38 : memref<1x128xi32, #tpu.memory_space<vmem>> -> memref<128xi32, #tpu.memory_space<vmem>>
    %dma_start3A_40 = arith.constant 0 : i32
    %dma_start3A_41 = tpu.memref_slice %arg4[%add3A_30, %dma_start3A_40] : memref<2560x128xi32, #tpu.memory_space<hbm>> -> memref<1x128xi32, #tpu.memory_space<hbm>>
    %dma_start3A_42 = tpu.memref_squeeze %dma_start3A_41 : memref<1x128xi32, #tpu.memory_space<hbm>> -> memref<128xi32, #tpu.memory_space<hbm>>
    tpu.enqueue_dma source(%dma_start3A_42 : memref<128xi32, #tpu.memory_space<hbm>>) target(%dma_start3A_39 : memref<128xi32, #tpu.memory_space<vmem>>) target_semaphore(%arg14 : memref<!tpu.dma_semaphore, #tpu.memory_space<semaphore_mem>>)
    %dma_start3A_43 = arith.constant 0 : i32
    %dma_start3A_44 = arith.constant 0 : i32
    %dma_start3A_45 = tpu.memref_slice %arg8[%dma_start3A_43, %dma_start3A_44] : memref<80x128xi32, #tpu.memory_space<vmem>> -> memref<1x128xi32, #tpu.memory_space<vmem>>
    %dma_start3A_46 = tpu.memref_squeeze %dma_start3A_45 : memref<1x128xi32, #tpu.memory_space<vmem>> -> memref<128xi32, #tpu.memory_space<vmem>>
    %dma_start3A_47 = arith.constant 0 : i32
    %dma_start3A_48 = arith.constant 0 : i32
    %dma_start3A_49 = tpu.memref_slice %arg2[%dma_start3A_47, %dma_start3A_48] : memref<10000x128xf32, #tpu.memory_space<hbm>> -> memref<10000x128xf32, #tpu.memory_space<hbm>>
    tpu.enqueue_indirect_dma source(%dma_start3A_49 : memref<10000x128xf32, #tpu.memory_space<hbm>>) target(%arg10 : memref<128x128xf32, #tpu.memory_space<vmem>>) offsets(%dma_start3A_46 : memref<128xi32, #tpu.memory_space<vmem>>) semaphore(%arg12 : memref<!tpu.dma_semaphore, #tpu.memory_space<semaphore_mem>>)
    %add3A_50 = arith.constant 1 : i32
    %add3A_51 = arith.addi %mul3A_2, %add3A_50 : i32
    %dma_start3A_52 = arith.constant 1 : i32
    %dma_start3A_53 = arith.constant 0 : i32
    %dma_start3A_54 = tpu.memref_slice %arg9[%dma_start3A_52, %dma_start3A_53] : memref<2x128xi32, #tpu.memory_space<vmem>> -> memref<1x128xi32, #tpu.memory_space<vmem>>
    %dma_start3A_55 = tpu.memref_squeeze %dma_start3A_54 : memref<1x128xi32, #tpu.memory_space<vmem>> -> memref<128xi32, #tpu.memory_space<vmem>>
    %dma_start3A_56 = arith.constant 0 : i32
    %dma_start3A_57 = tpu.memref_slice %arg4[%add3A_51, %dma_start3A_56] : memref<2560x128xi32, #tpu.memory_space<hbm>> -> memref<1x128xi32, #tpu.memory_space<hbm>>
    %dma_start3A_58 = tpu.memref_squeeze %dma_start3A_57 : memref<1x128xi32, #tpu.memory_space<hbm>> -> memref<128xi32, #tpu.memory_space<hbm>>
    %dma_start3A_59 = arith.constant 0 : i32
    %dma_start3A_60 = tpu.memref_slice %arg9[%dma_start3A_52, %dma_start3A_59] : memref<2x128xi32, #tpu.memory_space<vmem>> -> memref<1x128xi32, #tpu.memory_space<vmem>>
    %dma_start3A_61 = tpu.memref_squeeze %dma_start3A_60 : memref<1x128xi32, #tpu.memory_space<vmem>> -> memref<128xi32, #tpu.memory_space<vmem>>
    %dma_start3A_62 = arith.constant 0 : i32
    %dma_start3A_63 = tpu.memref_slice %arg4[%add3A_51, %dma_start3A_62] : memref<2560x128xi32, #tpu.memory_space<hbm>> -> memref<1x128xi32, #tpu.memory_space<hbm>>
    %dma_start3A_64 = tpu.memref_squeeze %dma_start3A_63 : memref<1x128xi32, #tpu.memory_space<hbm>> -> memref<128xi32, #tpu.memory_space<hbm>>
    tpu.enqueue_dma source(%dma_start3A_64 : memref<128xi32, #tpu.memory_space<hbm>>) target(%dma_start3A_61 : memref<128xi32, #tpu.memory_space<vmem>>) target_semaphore(%arg15 : memref<!tpu.dma_semaphore, #tpu.memory_space<semaphore_mem>>)
    %dma_start3A_65 = arith.constant 1 : i32
    %dma_start3A_66 = arith.constant 0 : i32
    %dma_start3A_67 = tpu.memref_slice %arg8[%dma_start3A_65, %dma_start3A_66] : memref<80x128xi32, #tpu.memory_space<vmem>> -> memref<1x128xi32, #tpu.memory_space<vmem>>
    %dma_start3A_68 = tpu.memref_squeeze %dma_start3A_67 : memref<1x128xi32, #tpu.memory_space<vmem>> -> memref<128xi32, #tpu.memory_space<vmem>>
    %dma_start3A_69 = arith.constant 0 : i32
    %dma_start3A_70 = arith.constant 0 : i32
    %dma_start3A_71 = tpu.memref_slice %arg2[%dma_start3A_69, %dma_start3A_70] : memref<10000x128xf32, #tpu.memory_space<hbm>> -> memref<10000x128xf32, #tpu.memory_space<hbm>>
    tpu.enqueue_indirect_dma source(%dma_start3A_71 : memref<10000x128xf32, #tpu.memory_space<hbm>>) target(%arg11 : memref<128x128xf32, #tpu.memory_space<vmem>>) offsets(%dma_start3A_68 : memref<128xi32, #tpu.memory_space<vmem>>) semaphore(%arg13 : memref<!tpu.dma_semaphore, #tpu.memory_space<semaphore_mem>>)
    %barrier3A = arith.constant 0 : index
    tpu.barrier barrier_id(%barrier3A)
    "tpu.trace_start"() <{level = 10 : i32, message = "edge_loop"}> : () -> ()
    %scan3A_72 = arith.constant 0 : i32
    %scan3A_73 = arith.constant 0 : i32
    %scan3A_74 = arith.constant 40 : i32
    %scan3A_75 = arith.addi %scan3A_73, %scan3A_74 : i32
    %scan3A_76 = arith.constant 1 : i32
    %scan3A_77 = scf.for %scan3A_133 = %scan3A_73 to %scan3A_75 step %scan3A_76 iter_args(%scan3A_134 = %scan3A_72) -> (i32)  : i32 {
      %mul3A_135 = arith.constant 2 : i32
      %mul3A_136 = arith.muli %scan3A_133, %mul3A_135 : i32
      %add3A_137 = arith.constant 0 : i32
      %add3A_138 = arith.addi %mul3A_136, %add3A_137 : i32
      %dma_wait3A_139 = arith.constant 0 : i32
      %dma_wait3A_140 = tpu.memref_slice %arg8[%add3A_138, %dma_wait3A_139] : memref<80x128xi32, #tpu.memory_space<vmem>> -> memref<1x128xi32, #tpu.memory_space<vmem>>
      %dma_wait3A_141 = tpu.memref_squeeze %dma_wait3A_140 : memref<1x128xi32, #tpu.memory_space<vmem>> -> memref<128xi32, #tpu.memory_space<vmem>>
      %dma_wait3A_142 = arith.constant 0 : i32
      %dma_wait3A_143 = arith.constant 0 : i32
      %dma_wait3A_144 = tpu.memref_slice %arg2[%dma_wait3A_142, %dma_wait3A_143] : memref<10000x128xf32, #tpu.memory_space<hbm>> -> memref<10000x128xf32, #tpu.memory_space<hbm>>
      tpu.wait_indirect_dma semaphore(%arg12 : memref<!tpu.dma_semaphore, #tpu.memory_space<semaphore_mem>>) src(%dma_wait3A_144 : memref<10000x128xf32, #tpu.memory_space<hbm>>) dst(%arg10 : memref<128x128xf32, #tpu.memory_space<vmem>>)
      %add3A_145 = arith.addi %mul3A_2, %add3A_138 : i32
      %dma_wait3A_146 = arith.constant 0 : i32
      %dma_wait3A_147 = arith.constant 0 : i32
      %dma_wait3A_148 = tpu.memref_slice %arg9[%dma_wait3A_146, %dma_wait3A_147] : memref<2x128xi32, #tpu.memory_space<vmem>> -> memref<1x128xi32, #tpu.memory_space<vmem>>
      %dma_wait3A_149 = tpu.memref_squeeze %dma_wait3A_148 : memref<1x128xi32, #tpu.memory_space<vmem>> -> memref<128xi32, #tpu.memory_space<vmem>>
      %dma_wait3A_150 = arith.constant 0 : i32
      %dma_wait3A_151 = tpu.memref_slice %arg4[%add3A_145, %dma_wait3A_150] : memref<2560x128xi32, #tpu.memory_space<hbm>> -> memref<1x128xi32, #tpu.memory_space<hbm>>
      %dma_wait3A_152 = tpu.memref_squeeze %dma_wait3A_151 : memref<1x128xi32, #tpu.memory_space<hbm>> -> memref<128xi32, #tpu.memory_space<hbm>>
      %dma_wait3A_153 = arith.constant 0 : i32
      %dma_wait3A_154 = tpu.memref_slice %arg9[%dma_wait3A_146, %dma_wait3A_153] : memref<2x128xi32, #tpu.memory_space<vmem>> -> memref<1x128xi32, #tpu.memory_space<vmem>>
      %dma_wait3A_155 = tpu.memref_squeeze %dma_wait3A_154 : memref<1x128xi32, #tpu.memory_space<vmem>> -> memref<128xi32, #tpu.memory_space<vmem>>
      %dma_wait3A_156 = arith.constant 0 : i32
      %dma_wait3A_157 = tpu.memref_slice %arg4[%add3A_145, %dma_wait3A_156] : memref<2560x128xi32, #tpu.memory_space<hbm>> -> memref<1x128xi32, #tpu.memory_space<hbm>>
      %dma_wait3A_158 = tpu.memref_squeeze %dma_wait3A_157 : memref<1x128xi32, #tpu.memory_space<hbm>> -> memref<128xi32, #tpu.memory_space<hbm>>
      tpu.wait_dma2 semaphore(%arg14 : memref<!tpu.dma_semaphore, #tpu.memory_space<semaphore_mem>>) src(%dma_wait3A_158 : memref<128xi32, #tpu.memory_space<hbm>>) dst(%dma_wait3A_155 : memref<128xi32, #tpu.memory_space<vmem>>)
      %run_scoped3A = arith.constant 0 : i32
      "tpu.region"() ({
        %run_scoped3A_230 = tpu.sem_alloc : memref<!tpu.dma_semaphore, #tpu.memory_space<semaphore_mem>>
        %dma_start3A_231 = arith.constant 0 : i32
        %dma_start3A_232 = tpu.memref_slice %arg9[%run_scoped3A, %dma_start3A_231] : memref<2x128xi32, #tpu.memory_space<vmem>> -> memref<1x128xi32, #tpu.memory_space<vmem>>
        %dma_start3A_233 = tpu.memref_squeeze %dma_start3A_232 : memref<1x128xi32, #tpu.memory_space<vmem>> -> memref<128xi32, #tpu.memory_space<vmem>>
        %dma_start3A_234 = arith.constant 0 : i32
        %dma_start3A_235 = arith.constant 0 : i32
        %dma_start3A_236 = tpu.memref_slice %arg7[%dma_start3A_234, %dma_start3A_235] : memref<10240x128xf32, #tpu.memory_space<vmem_shared>> -> memref<10240x128xf32, #tpu.memory_space<vmem_shared>>
        tpu.enqueue_indirect_dma source(%arg10 : memref<128x128xf32, #tpu.memory_space<vmem>>) target(%dma_start3A_236 : memref<10240x128xf32, #tpu.memory_space<vmem_shared>>) offsets(%dma_start3A_233 : memref<128xi32, #tpu.memory_space<vmem>>) semaphore(%run_scoped3A_230 : memref<!tpu.dma_semaphore, #tpu.memory_space<semaphore_mem>>) {add = true}
        %dma_wait3A_237 = arith.constant 0 : i32
        %dma_wait3A_238 = tpu.memref_slice %arg9[%run_scoped3A, %dma_wait3A_237] : memref<2x128xi32, #tpu.memory_space<vmem>> -> memref<1x128xi32, #tpu.memory_space<vmem>>
        %dma_wait3A_239 = tpu.memref_squeeze %dma_wait3A_238 : memref<1x128xi32, #tpu.memory_space<vmem>> -> memref<128xi32, #tpu.memory_space<vmem>>
        %dma_wait3A_240 = arith.constant 0 : i32
        %dma_wait3A_241 = arith.constant 0 : i32
        %dma_wait3A_242 = tpu.memref_slice %arg7[%dma_wait3A_240, %dma_wait3A_241] : memref<10240x128xf32, #tpu.memory_space<vmem_shared>> -> memref<10240x128xf32, #tpu.memory_space<vmem_shared>>
        tpu.wait_indirect_dma semaphore(%run_scoped3A_230 : memref<!tpu.dma_semaphore, #tpu.memory_space<semaphore_mem>>) src(%arg10 : memref<128x128xf32, #tpu.memory_space<vmem>>) dst(%dma_wait3A_242 : memref<10240x128xf32, #tpu.memory_space<vmem_shared>>)
        tpu.yield
      }) : () -> ()
      %add3A_159 = arith.constant 2 : i32
      %add3A_160 = arith.addi %add3A_138, %add3A_159 : i32
      %min3A = arith.constant 79 : i32
      %min3A_161 = arith.minsi %add3A_160, %min3A : i32
      %add3A_162 = arith.addi %mul3A_2, %min3A_161 : i32
      %dma_start3A_163 = arith.constant 0 : i32
      %dma_start3A_164 = arith.constant 0 : i32
      %dma_start3A_165 = tpu.memref_slice %arg9[%dma_start3A_163, %dma_start3A_164] : memref<2x128xi32, #tpu.memory_space<vmem>> -> memref<1x128xi32, #tpu.memory_space<vmem>>
      %dma_start3A_166 = tpu.memref_squeeze %dma_start3A_165 : memref<1x128xi32, #tpu.memory_space<vmem>> -> memref<128xi32, #tpu.memory_space<vmem>>
      %dma_start3A_167 = arith.constant 0 : i32
      %dma_start3A_168 = tpu.memref_slice %arg4[%add3A_162, %dma_start3A_167] : memref<2560x128xi32, #tpu.memory_space<hbm>> -> memref<1x128xi32, #tpu.memory_space<hbm>>
      %dma_start3A_169 = tpu.memref_squeeze %dma_start3A_168 : memref<1x128xi32, #tpu.memory_space<hbm>> -> memref<128xi32, #tpu.memory_space<hbm>>
      %dma_start3A_170 = arith.constant 0 : i32
      %dma_start3A_171 = tpu.memref_slice %arg9[%dma_start3A_163, %dma_start3A_170] : memref<2x128xi32, #tpu.memory_space<vmem>> -> memref<1x128xi32, #tpu.memory_space<vmem>>
      %dma_start3A_172 = tpu.memref_squeeze %dma_start3A_171 : memref<1x128xi32, #tpu.memory_space<vmem>> -> memref<128xi32, #tpu.memory_space<vmem>>
      %dma_start3A_173 = arith.constant 0 : i32
      %dma_start3A_174 = tpu.memref_slice %arg4[%add3A_162, %dma_start3A_173] : memref<2560x128xi32, #tpu.memory_space<hbm>> -> memref<1x128xi32, #tpu.memory_space<hbm>>
      %dma_start3A_175 = tpu.memref_squeeze %dma_start3A_174 : memref<1x128xi32, #tpu.memory_space<hbm>> -> memref<128xi32, #tpu.memory_space<hbm>>
      tpu.enqueue_dma source(%dma_start3A_175 : memref<128xi32, #tpu.memory_space<hbm>>) target(%dma_start3A_172 : memref<128xi32, #tpu.memory_space<vmem>>) target_semaphore(%arg14 : memref<!tpu.dma_semaphore, #tpu.memory_space<semaphore_mem>>)
      %dma_start3A_176 = arith.constant 0 : i32
      %dma_start3A_177 = tpu.memref_slice %arg8[%min3A_161, %dma_start3A_176] : memref<80x128xi32, #tpu.memory_space<vmem>> -> memref<1x128xi32, #tpu.memory_space<vmem>>
      %dma_start3A_178 = tpu.memref_squeeze %dma_start3A_177 : memref<1x128xi32, #tpu.memory_space<vmem>> -> memref<128xi32, #tpu.memory_space<vmem>>
      %dma_start3A_179 = arith.constant 0 : i32
      %dma_start3A_180 = arith.constant 0 : i32
      %dma_start3A_181 = tpu.memref_slice %arg2[%dma_start3A_179, %dma_start3A_180] : memref<10000x128xf32, #tpu.memory_space<hbm>> -> memref<10000x128xf32, #tpu.memory_space<hbm>>
      tpu.enqueue_indirect_dma source(%dma_start3A_181 : memref<10000x128xf32, #tpu.memory_space<hbm>>) target(%arg10 : memref<128x128xf32, #tpu.memory_space<vmem>>) offsets(%dma_start3A_178 : memref<128xi32, #tpu.memory_space<vmem>>) semaphore(%arg12 : memref<!tpu.dma_semaphore, #tpu.memory_space<semaphore_mem>>)
      %add3A_182 = arith.constant 1 : i32
      %add3A_183 = arith.addi %mul3A_136, %add3A_182 : i32
      %dma_wait3A_184 = arith.constant 0 : i32
      %dma_wait3A_185 = tpu.memref_slice %arg8[%add3A_183, %dma_wait3A_184] : memref<80x128xi32, #tpu.memory_space<vmem>> -> memref<1x128xi32, #tpu.memory_space<vmem>>
      %dma_wait3A_186 = tpu.memref_squeeze %dma_wait3A_185 : memref<1x128xi32, #tpu.memory_space<vmem>> -> memref<128xi32, #tpu.memory_space<vmem>>
      %dma_wait3A_187 = arith.constant 0 : i32
      %dma_wait3A_188 = arith.constant 0 : i32
      %dma_wait3A_189 = tpu.memref_slice %arg2[%dma_wait3A_187, %dma_wait3A_188] : memref<10000x128xf32, #tpu.memory_space<hbm>> -> memref<10000x128xf32, #tpu.memory_space<hbm>>
      tpu.wait_indirect_dma semaphore(%arg13 : memref<!tpu.dma_semaphore, #tpu.memory_space<semaphore_mem>>) src(%dma_wait3A_189 : memref<10000x128xf32, #tpu.memory_space<hbm>>) dst(%arg11 : memref<128x128xf32, #tpu.memory_space<vmem>>)
      %add3A_190 = arith.addi %mul3A_2, %add3A_183 : i32
      %dma_wait3A_191 = arith.constant 1 : i32
      %dma_wait3A_192 = arith.constant 0 : i32
      %dma_wait3A_193 = tpu.memref_slice %arg9[%dma_wait3A_191, %dma_wait3A_192] : memref<2x128xi32, #tpu.memory_space<vmem>> -> memref<1x128xi32, #tpu.memory_space<vmem>>
      %dma_wait3A_194 = tpu.memref_squeeze %dma_wait3A_193 : memref<1x128xi32, #tpu.memory_space<vmem>> -> memref<128xi32, #tpu.memory_space<vmem>>
      %dma_wait3A_195 = arith.constant 0 : i32
      %dma_wait3A_196 = tpu.memref_slice %arg4[%add3A_190, %dma_wait3A_195] : memref<2560x128xi32, #tpu.memory_space<hbm>> -> memref<1x128xi32, #tpu.memory_space<hbm>>
      %dma_wait3A_197 = tpu.memref_squeeze %dma_wait3A_196 : memref<1x128xi32, #tpu.memory_space<hbm>> -> memref<128xi32, #tpu.memory_space<hbm>>
      %dma_wait3A_198 = arith.constant 0 : i32
      %dma_wait3A_199 = tpu.memref_slice %arg9[%dma_wait3A_191, %dma_wait3A_198] : memref<2x128xi32, #tpu.memory_space<vmem>> -> memref<1x128xi32, #tpu.memory_space<vmem>>
      %dma_wait3A_200 = tpu.memref_squeeze %dma_wait3A_199 : memref<1x128xi32, #tpu.memory_space<vmem>> -> memref<128xi32, #tpu.memory_space<vmem>>
      %dma_wait3A_201 = arith.constant 0 : i32
      %dma_wait3A_202 = tpu.memref_slice %arg4[%add3A_190, %dma_wait3A_201] : memref<2560x128xi32, #tpu.memory_space<hbm>> -> memref<1x128xi32, #tpu.memory_space<hbm>>
      %dma_wait3A_203 = tpu.memref_squeeze %dma_wait3A_202 : memref<1x128xi32, #tpu.memory_space<hbm>> -> memref<128xi32, #tpu.memory_space<hbm>>
      tpu.wait_dma2 semaphore(%arg15 : memref<!tpu.dma_semaphore, #tpu.memory_space<semaphore_mem>>) src(%dma_wait3A_203 : memref<128xi32, #tpu.memory_space<hbm>>) dst(%dma_wait3A_200 : memref<128xi32, #tpu.memory_space<vmem>>)
      %run_scoped3A_204 = arith.constant 1 : i32
      "tpu.region"() ({
        %run_scoped3A_230 = tpu.sem_alloc : memref<!tpu.dma_semaphore, #tpu.memory_space<semaphore_mem>>
        %dma_start3A_231 = arith.constant 0 : i32
        %dma_start3A_232 = tpu.memref_slice %arg9[%run_scoped3A_204, %dma_start3A_231] : memref<2x128xi32, #tpu.memory_space<vmem>> -> memref<1x128xi32, #tpu.memory_space<vmem>>
        %dma_start3A_233 = tpu.memref_squeeze %dma_start3A_232 : memref<1x128xi32, #tpu.memory_space<vmem>> -> memref<128xi32, #tpu.memory_space<vmem>>
        %dma_start3A_234 = arith.constant 0 : i32
        %dma_start3A_235 = arith.constant 0 : i32
        %dma_start3A_236 = tpu.memref_slice %arg7[%dma_start3A_234, %dma_start3A_235] : memref<10240x128xf32, #tpu.memory_space<vmem_shared>> -> memref<10240x128xf32, #tpu.memory_space<vmem_shared>>
        tpu.enqueue_indirect_dma source(%arg11 : memref<128x128xf32, #tpu.memory_space<vmem>>) target(%dma_start3A_236 : memref<10240x128xf32, #tpu.memory_space<vmem_shared>>) offsets(%dma_start3A_233 : memref<128xi32, #tpu.memory_space<vmem>>) semaphore(%run_scoped3A_230 : memref<!tpu.dma_semaphore, #tpu.memory_space<semaphore_mem>>) {add = true}
        %dma_wait3A_237 = arith.constant 0 : i32
        %dma_wait3A_238 = tpu.memref_slice %arg9[%run_scoped3A_204, %dma_wait3A_237] : memref<2x128xi32, #tpu.memory_space<vmem>> -> memref<1x128xi32, #tpu.memory_space<vmem>>
        %dma_wait3A_239 = tpu.memref_squeeze %dma_wait3A_238 : memref<1x128xi32, #tpu.memory_space<vmem>> -> memref<128xi32, #tpu.memory_space<vmem>>
        %dma_wait3A_240 = arith.constant 0 : i32
        %dma_wait3A_241 = arith.constant 0 : i32
        %dma_wait3A_242 = tpu.memref_slice %arg7[%dma_wait3A_240, %dma_wait3A_241] : memref<10240x128xf32, #tpu.memory_space<vmem_shared>> -> memref<10240x128xf32, #tpu.memory_space<vmem_shared>>
        tpu.wait_indirect_dma semaphore(%run_scoped3A_230 : memref<!tpu.dma_semaphore, #tpu.memory_space<semaphore_mem>>) src(%arg11 : memref<128x128xf32, #tpu.memory_space<vmem>>) dst(%dma_wait3A_242 : memref<10240x128xf32, #tpu.memory_space<vmem_shared>>)
        tpu.yield
      }) : () -> ()
      %add3A_205 = arith.constant 2 : i32
      %add3A_206 = arith.addi %add3A_183, %add3A_205 : i32
      %min3A_207 = arith.constant 79 : i32
      %min3A_208 = arith.minsi %add3A_206, %min3A_207 : i32
      %add3A_209 = arith.addi %mul3A_2, %min3A_208 : i32
      %dma_start3A_210 = arith.constant 1 : i32
      %dma_start3A_211 = arith.constant 0 : i32
      %dma_start3A_212 = tpu.memref_slice %arg9[%dma_start3A_210, %dma_start3A_211] : memref<2x128xi32, #tpu.memory_space<vmem>> -> memref<1x128xi32, #tpu.memory_space<vmem>>
      %dma_start3A_213 = tpu.memref_squeeze %dma_start3A_212 : memref<1x128xi32, #tpu.memory_space<vmem>> -> memref<128xi32, #tpu.memory_space<vmem>>
      %dma_start3A_214 = arith.constant 0 : i32
      %dma_start3A_215 = tpu.memref_slice %arg4[%add3A_209, %dma_start3A_214] : memref<2560x128xi32, #tpu.memory_space<hbm>> -> memref<1x128xi32, #tpu.memory_space<hbm>>
      %dma_start3A_216 = tpu.memref_squeeze %dma_start3A_215 : memref<1x128xi32, #tpu.memory_space<hbm>> -> memref<128xi32, #tpu.memory_space<hbm>>
      %dma_start3A_217 = arith.constant 0 : i32
      %dma_start3A_218 = tpu.memref_slice %arg9[%dma_start3A_210, %dma_start3A_217] : memref<2x128xi32, #tpu.memory_space<vmem>> -> memref<1x128xi32, #tpu.memory_space<vmem>>
      %dma_start3A_219 = tpu.memref_squeeze %dma_start3A_218 : memref<1x128xi32, #tpu.memory_space<vmem>> -> memref<128xi32, #tpu.memory_space<vmem>>
      %dma_start3A_220 = arith.constant 0 : i32
      %dma_start3A_221 = tpu.memref_slice %arg4[%add3A_209, %dma_start3A_220] : memref<2560x128xi32, #tpu.memory_space<hbm>> -> memref<1x128xi32, #tpu.memory_space<hbm>>
      %dma_start3A_222 = tpu.memref_squeeze %dma_start3A_221 : memref<1x128xi32, #tpu.memory_space<hbm>> -> memref<128xi32, #tpu.memory_space<hbm>>
      tpu.enqueue_dma source(%dma_start3A_222 : memref<128xi32, #tpu.memory_space<hbm>>) target(%dma_start3A_219 : memref<128xi32, #tpu.memory_space<vmem>>) target_semaphore(%arg15 : memref<!tpu.dma_semaphore, #tpu.memory_space<semaphore_mem>>)
      %dma_start3A_223 = arith.constant 0 : i32
      %dma_start3A_224 = tpu.memref_slice %arg8[%min3A_208, %dma_start3A_223] : memref<80x128xi32, #tpu.memory_space<vmem>> -> memref<1x128xi32, #tpu.memory_space<vmem>>
      %dma_start3A_225 = tpu.memref_squeeze %dma_start3A_224 : memref<1x128xi32, #tpu.memory_space<vmem>> -> memref<128xi32, #tpu.memory_space<vmem>>
      %dma_start3A_226 = arith.constant 0 : i32
      %dma_start3A_227 = arith.constant 0 : i32
      %dma_start3A_228 = tpu.memref_slice %arg2[%dma_start3A_226, %dma_start3A_227] : memref<10000x128xf32, #tpu.memory_space<hbm>> -> memref<10000x128xf32, #tpu.memory_space<hbm>>
      tpu.enqueue_indirect_dma source(%dma_start3A_228 : memref<10000x128xf32, #tpu.memory_space<hbm>>) target(%arg11 : memref<128x128xf32, #tpu.memory_space<vmem>>) offsets(%dma_start3A_225 : memref<128xi32, #tpu.memory_space<vmem>>) semaphore(%arg13 : memref<!tpu.dma_semaphore, #tpu.memory_space<semaphore_mem>>)
      %scan3A_229 = arith.constant 0 : i32
      scf.yield %scan3A_229 : i32
    }
    %scan3A_78 = arith.constant 40 : i32
    %dma_wait3A = arith.constant 79 : i32
    %dma_wait3A_79 = arith.constant 0 : i32
    %dma_wait3A_80 = tpu.memref_slice %arg8[%dma_wait3A, %dma_wait3A_79] : memref<80x128xi32, #tpu.memory_space<vmem>> -> memref<1x128xi32, #tpu.memory_space<vmem>>
    %dma_wait3A_81 = tpu.memref_squeeze %dma_wait3A_80 : memref<1x128xi32, #tpu.memory_space<vmem>> -> memref<128xi32, #tpu.memory_space<vmem>>
    %dma_wait3A_82 = arith.constant 0 : i32
    %dma_wait3A_83 = arith.constant 0 : i32
    %dma_wait3A_84 = tpu.memref_slice %arg2[%dma_wait3A_82, %dma_wait3A_83] : memref<10000x128xf32, #tpu.memory_space<hbm>> -> memref<10000x128xf32, #tpu.memory_space<hbm>>
    tpu.wait_indirect_dma semaphore(%arg12 : memref<!tpu.dma_semaphore, #tpu.memory_space<semaphore_mem>>) src(%dma_wait3A_84 : memref<10000x128xf32, #tpu.memory_space<hbm>>) dst(%arg10 : memref<128x128xf32, #tpu.memory_space<vmem>>)
    %add3A_85 = arith.constant 80 : i32
    %add3A_86 = arith.addi %mul3A_2, %add3A_85 : i32
    %sub3A = arith.constant 1 : i32
    %sub3A_87 = arith.subi %add3A_86, %sub3A : i32
    %dma_wait3A_88 = arith.constant 0 : i32
    %dma_wait3A_89 = arith.constant 0 : i32
    %dma_wait3A_90 = tpu.memref_slice %arg9[%dma_wait3A_88, %dma_wait3A_89] : memref<2x128xi32, #tpu.memory_space<vmem>> -> memref<1x128xi32, #tpu.memory_space<vmem>>
    %dma_wait3A_91 = tpu.memref_squeeze %dma_wait3A_90 : memref<1x128xi32, #tpu.memory_space<vmem>> -> memref<128xi32, #tpu.memory_space<vmem>>
    %dma_wait3A_92 = arith.constant 0 : i32
    %dma_wait3A_93 = tpu.memref_slice %arg4[%sub3A_87, %dma_wait3A_92] : memref<2560x128xi32, #tpu.memory_space<hbm>> -> memref<1x128xi32, #tpu.memory_space<hbm>>
    %dma_wait3A_94 = tpu.memref_squeeze %dma_wait3A_93 : memref<1x128xi32, #tpu.memory_space<hbm>> -> memref<128xi32, #tpu.memory_space<hbm>>
    %dma_wait3A_95 = arith.constant 0 : i32
    %dma_wait3A_96 = tpu.memref_slice %arg9[%dma_wait3A_88, %dma_wait3A_95] : memref<2x128xi32, #tpu.memory_space<vmem>> -> memref<1x128xi32, #tpu.memory_space<vmem>>
    %dma_wait3A_97 = tpu.memref_squeeze %dma_wait3A_96 : memref<1x128xi32, #tpu.memory_space<vmem>> -> memref<128xi32, #tpu.memory_space<vmem>>
    %dma_wait3A_98 = arith.constant 0 : i32
    %dma_wait3A_99 = tpu.memref_slice %arg4[%sub3A_87, %dma_wait3A_98] : memref<2560x128xi32, #tpu.memory_space<hbm>> -> memref<1x128xi32, #tpu.memory_space<hbm>>
    %dma_wait3A_100 = tpu.memref_squeeze %dma_wait3A_99 : memref<1x128xi32, #tpu.memory_space<hbm>> -> memref<128xi32, #tpu.memory_space<hbm>>
    tpu.wait_dma2 semaphore(%arg14 : memref<!tpu.dma_semaphore, #tpu.memory_space<semaphore_mem>>) src(%dma_wait3A_100 : memref<128xi32, #tpu.memory_space<hbm>>) dst(%dma_wait3A_97 : memref<128xi32, #tpu.memory_space<vmem>>)
    %dma_wait3A_101 = arith.constant 79 : i32
    %dma_wait3A_102 = arith.constant 0 : i32
    %dma_wait3A_103 = tpu.memref_slice %arg8[%dma_wait3A_101, %dma_wait3A_102] : memref<80x128xi32, #tpu.memory_space<vmem>> -> memref<1x128xi32, #tpu.memory_space<vmem>>
    %dma_wait3A_104 = tpu.memref_squeeze %dma_wait3A_103 : memref<1x128xi32, #tpu.memory_space<vmem>> -> memref<128xi32, #tpu.memory_space<vmem>>
    %dma_wait3A_105 = arith.constant 0 : i32
    %dma_wait3A_106 = arith.constant 0 : i32
    %dma_wait3A_107 = tpu.memref_slice %arg2[%dma_wait3A_105, %dma_wait3A_106] : memref<10000x128xf32, #tpu.memory_space<hbm>> -> memref<10000x128xf32, #tpu.memory_space<hbm>>
    tpu.wait_indirect_dma semaphore(%arg13 : memref<!tpu.dma_semaphore, #tpu.memory_space<semaphore_mem>>) src(%dma_wait3A_107 : memref<10000x128xf32, #tpu.memory_space<hbm>>) dst(%arg11 : memref<128x128xf32, #tpu.memory_space<vmem>>)
    %add3A_108 = arith.constant 80 : i32
    %add3A_109 = arith.addi %mul3A_2, %add3A_108 : i32
    %sub3A_110 = arith.constant 1 : i32
    %sub3A_111 = arith.subi %add3A_109, %sub3A_110 : i32
    %dma_wait3A_112 = arith.constant 1 : i32
    %dma_wait3A_113 = arith.constant 0 : i32
    %dma_wait3A_114 = tpu.memref_slice %arg9[%dma_wait3A_112, %dma_wait3A_113] : memref<2x128xi32, #tpu.memory_space<vmem>> -> memref<1x128xi32, #tpu.memory_space<vmem>>
    %dma_wait3A_115 = tpu.memref_squeeze %dma_wait3A_114 : memref<1x128xi32, #tpu.memory_space<vmem>> -> memref<128xi32, #tpu.memory_space<vmem>>
    %dma_wait3A_116 = arith.constant 0 : i32
    %dma_wait3A_117 = tpu.memref_slice %arg4[%sub3A_111, %dma_wait3A_116] : memref<2560x128xi32, #tpu.memory_space<hbm>> -> memref<1x128xi32, #tpu.memory_space<hbm>>
    %dma_wait3A_118 = tpu.memref_squeeze %dma_wait3A_117 : memref<1x128xi32, #tpu.memory_space<hbm>> -> memref<128xi32, #tpu.memory_space<hbm>>
    %dma_wait3A_119 = arith.constant 0 : i32
    %dma_wait3A_120 = tpu.memref_slice %arg9[%dma_wait3A_112, %dma_wait3A_119] : memref<2x128xi32, #tpu.memory_space<vmem>> -> memref<1x128xi32, #tpu.memory_space<vmem>>
    %dma_wait3A_121 = tpu.memref_squeeze %dma_wait3A_120 : memref<1x128xi32, #tpu.memory_space<vmem>> -> memref<128xi32, #tpu.memory_space<vmem>>
    %dma_wait3A_122 = arith.constant 0 : i32
    %dma_wait3A_123 = tpu.memref_slice %arg4[%sub3A_111, %dma_wait3A_122] : memref<2560x128xi32, #tpu.memory_space<hbm>> -> memref<1x128xi32, #tpu.memory_space<hbm>>
    %dma_wait3A_124 = tpu.memref_squeeze %dma_wait3A_123 : memref<1x128xi32, #tpu.memory_space<hbm>> -> memref<128xi32, #tpu.memory_space<hbm>>
    tpu.wait_dma2 semaphore(%arg15 : memref<!tpu.dma_semaphore, #tpu.memory_space<semaphore_mem>>) src(%dma_wait3A_124 : memref<128xi32, #tpu.memory_space<hbm>>) dst(%dma_wait3A_121 : memref<128xi32, #tpu.memory_space<vmem>>)
    "tpu.trace_stop"() : () -> ()
    "tpu.trace_start"() <{level = 10 : i32, message = "end_barrier"}> : () -> ()
    %barrier3A_125 = arith.constant 0 : index
    tpu.barrier barrier_id(%barrier3A_125)
    %eq3A = arith.constant 0 : i32
    "tpu.trace_stop"() : () -> ()
    "tpu.trace_start"() <{level = 10 : i32, message = "copy_out"}> : () -> ()
    %eq3A_126 = arith.cmpi eq, %arg0, %eq3A : i32
    %convert_element_type3A = arith.extui %eq3A_126 : i1 to i32
    %cond3A = arith.constant 0 : i32
    %cond3A_127 = arith.cmpi ne, %convert_element_type3A, %cond3A : i32
    scf.if %cond3A_127 {
      %mul3A_133 = arith.constant 640 : i32
      %mul3A_134 = arith.muli %arg1, %mul3A_133 : i32
      %mul3A_135 = arith.constant 640 : i32
      %mul3A_136 = arith.muli %arg1, %mul3A_135 : i32
      "tpu.region"() ({
        %run_scoped3A = tpu.sem_alloc : memref<!tpu.dma_semaphore, #tpu.memory_space<semaphore_mem>>
        %dma_start3A_137 = arith.constant 0 : i32
        %dma_start3A_138 = tpu.memref_slice %arg5[%mul3A_136, %dma_start3A_137] : memref<10240x128xf32, #tpu.memory_space<hbm>> -> memref<640x128xf32, #tpu.memory_space<hbm>>
        %dma_start3A_139 = arith.constant 0 : i32
        %dma_start3A_140 = tpu.memref_slice %arg7[%mul3A_134, %dma_start3A_139] : memref<10240x128xf32, #tpu.memory_space<vmem_shared>> -> memref<640x128xf32, #tpu.memory_space<vmem_shared>>
        tpu.enqueue_dma source(%dma_start3A_140 : memref<640x128xf32, #tpu.memory_space<vmem_shared>>) target(%dma_start3A_138 : memref<640x128xf32, #tpu.memory_space<hbm>>) target_semaphore(%run_scoped3A : memref<!tpu.dma_semaphore, #tpu.memory_space<semaphore_mem>>)
        %dma_wait3A_141 = arith.constant 0 : i32
        %dma_wait3A_142 = tpu.memref_slice %arg5[%mul3A_136, %dma_wait3A_141] : memref<10240x128xf32, #tpu.memory_space<hbm>> -> memref<640x128xf32, #tpu.memory_space<hbm>>
        %dma_wait3A_143 = arith.constant 0 : i32
        %dma_wait3A_144 = tpu.memref_slice %arg7[%mul3A_134, %dma_wait3A_143] : memref<10240x128xf32, #tpu.memory_space<vmem_shared>> -> memref<640x128xf32, #tpu.memory_space<vmem_shared>>
        tpu.wait_dma2 semaphore(%run_scoped3A : memref<!tpu.dma_semaphore, #tpu.memory_space<semaphore_mem>>) src(%dma_wait3A_144 : memref<640x128xf32, #tpu.memory_space<vmem_shared>>) dst(%dma_wait3A_142 : memref<640x128xf32, #tpu.memory_space<hbm>>)
        tpu.yield
      }) : () -> ()
    } else {
    }
    %eq3A_128 = arith.constant 1 : i32
    %eq3A_129 = arith.cmpi eq, %arg0, %eq3A_128 : i32
    %convert_element_type3A_130 = arith.extui %eq3A_129 : i1 to i32
    %cond3A_131 = arith.constant 0 : i32
    %cond3A_132 = arith.cmpi ne, %convert_element_type3A_130, %cond3A_131 : i32
    scf.if %cond3A_132 {
      %mul3A_133 = arith.constant 640 : i32
      %mul3A_134 = arith.muli %arg1, %mul3A_133 : i32
      %mul3A_135 = arith.constant 640 : i32
      %mul3A_136 = arith.muli %arg1, %mul3A_135 : i32
      "tpu.region"() ({
        %run_scoped3A = tpu.sem_alloc : memref<!tpu.dma_semaphore, #tpu.memory_space<semaphore_mem>>
        %dma_start3A_137 = arith.constant 0 : i32
        %dma_start3A_138 = tpu.memref_slice %arg6[%mul3A_136, %dma_start3A_137] : memref<10240x128xf32, #tpu.memory_space<hbm>> -> memref<640x128xf32, #tpu.memory_space<hbm>>
        %dma_start3A_139 = arith.constant 0 : i32
        %dma_start3A_140 = tpu.memref_slice %arg7[%mul3A_134, %dma_start3A_139] : memref<10240x128xf32, #tpu.memory_space<vmem_shared>> -> memref<640x128xf32, #tpu.memory_space<vmem_shared>>
        tpu.enqueue_dma source(%dma_start3A_140 : memref<640x128xf32, #tpu.memory_space<vmem_shared>>) target(%dma_start3A_138 : memref<640x128xf32, #tpu.memory_space<hbm>>) target_semaphore(%run_scoped3A : memref<!tpu.dma_semaphore, #tpu.memory_space<semaphore_mem>>)
        %dma_wait3A_141 = arith.constant 0 : i32
        %dma_wait3A_142 = tpu.memref_slice %arg6[%mul3A_136, %dma_wait3A_141] : memref<10240x128xf32, #tpu.memory_space<hbm>> -> memref<640x128xf32, #tpu.memory_space<hbm>>
        %dma_wait3A_143 = arith.constant 0 : i32
        %dma_wait3A_144 = tpu.memref_slice %arg7[%mul3A_134, %dma_wait3A_143] : memref<10240x128xf32, #tpu.memory_space<vmem_shared>> -> memref<640x128xf32, #tpu.memory_space<vmem_shared>>
        tpu.wait_dma2 semaphore(%run_scoped3A : memref<!tpu.dma_semaphore, #tpu.memory_space<semaphore_mem>>) src(%dma_wait3A_144 : memref<640x128xf32, #tpu.memory_space<vmem_shared>>) dst(%dma_wait3A_142 : memref<640x128xf32, #tpu.memory_space<hbm>>)
        tpu.yield
      }) : () -> ()
    } else {
    }
    "tpu.trace_stop"() : () -> ()
    return
  }
}

#map = affine_map<(d0, d1) -> (0, 0)>
module attributes {stable_mosaic.version = 14 : i64} {
  func.func @_scatter_body(%arg0: i32, %arg1: i32, %arg2: memref<10000x128xf32, #tpu.memory_space<hbm>>, %arg3: memref<2560x128xi32, #tpu.memory_space<hbm>>, %arg4: memref<2560x128xi32, #tpu.memory_space<hbm>>, %arg5: memref<10240x128xf32, #tpu.memory_space<hbm>>, %arg6: memref<10240x128xf32, #tpu.memory_space<hbm>>, %arg7: memref<10240x128xf32, #tpu.memory_space<vmem_shared>>, %arg8: memref<80x128xi32, #tpu.memory_space<vmem>>, %arg9: memref<2x128xi32, #tpu.memory_space<vmem>>, %arg10: memref<128x128xf32, #tpu.memory_space<vmem>>, %arg11: memref<128x128xf32, #tpu.memory_space<vmem>>, %arg12: memref<!tpu.dma_semaphore, #tpu.memory_space<semaphore_mem>>, %arg13: memref<!tpu.dma_semaphore, #tpu.memory_space<semaphore_mem>>, %arg14: memref<!tpu.dma_semaphore, #tpu.memory_space<semaphore_mem>>, %arg15: memref<!tpu.dma_semaphore, #tpu.memory_space<semaphore_mem>>) attributes {dimension_semantics = [#tpu.dimension_semantics<core_parallel>, #tpu.dimension_semantics<subcore_parallel>], iteration_bounds = array<i64: 2, 16>, scalar_prefetch = 0 : i64, scratch_operands = 9 : i64, tpu.core_type = #tpu.core_type<sc_vector_subcore>, window_params = [{transform_indices = #map}, {transform_indices = #map}, {transform_indices = #map}, {transform_indices = #map}, {transform_indices = #map}]} {
    %mul3A = arith.constant 16 : i32
    %mul3A_0 = arith.muli %arg0, %mul3A : i32
    %add3A = arith.addi %mul3A_0, %arg1 : i32
    %mul3A_1 = arith.constant 80 : i32
    %mul3A_2 = arith.muli %add3A, %mul3A_1 : i32
    "tpu.region"() ({
      %run_scoped3A = tpu.sem_alloc : memref<!tpu.dma_semaphore, #tpu.memory_space<semaphore_mem>>
      %dma_start3A_133 = arith.constant 0 : i32
      %dma_start3A_134 = tpu.memref_slice %arg3[%mul3A_2, %dma_start3A_133] : memref<2560x128xi32, #tpu.memory_space<hbm>> -> memref<80x128xi32, #tpu.memory_space<hbm>>
      %dma_start3A_135 = arith.constant 0 : i32
      %dma_start3A_136 = tpu.memref_slice %arg3[%mul3A_2, %dma_start3A_135] : memref<2560x128xi32, #tpu.memory_space<hbm>> -> memref<80x128xi32, #tpu.memory_space<hbm>>
      tpu.enqueue_dma source(%dma_start3A_136 : memref<80x128xi32, #tpu.memory_space<hbm>>) target(%arg8 : memref<80x128xi32, #tpu.memory_space<vmem>>) target_semaphore(%run_scoped3A : memref<!tpu.dma_semaphore, #tpu.memory_space<semaphore_mem>>)
      %dma_wait3A_137 = arith.constant 0 : i32
      %dma_wait3A_138 = tpu.memref_slice %arg3[%mul3A_2, %dma_wait3A_137] : memref<2560x128xi32, #tpu.memory_space<hbm>> -> memref<80x128xi32, #tpu.memory_space<hbm>>
      %dma_wait3A_139 = arith.constant 0 : i32
      %dma_wait3A_140 = tpu.memref_slice %arg3[%mul3A_2, %dma_wait3A_139] : memref<2560x128xi32, #tpu.memory_space<hbm>> -> memref<80x128xi32, #tpu.memory_space<hbm>>
      tpu.wait_dma2 semaphore(%run_scoped3A : memref<!tpu.dma_semaphore, #tpu.memory_space<semaphore_mem>>) src(%dma_wait3A_140 : memref<80x128xi32, #tpu.memory_space<hbm>>) dst(%arg8 : memref<80x128xi32, #tpu.memory_space<vmem>>)
      tpu.yield
    }) : () -> ()
    "tpu.trace_start"() <{level = 10 : i32, message = "zero_acc"}> : () -> ()
    %scan3A = arith.constant 0 : i32
    %scan3A_3 = arith.constant 0 : i32
    %scan3A_4 = arith.constant 1024 : i32
    %scan3A_5 = arith.addi %scan3A_3, %scan3A_4 : i32
    %scan3A_6 = arith.constant 1 : i32
    %scan3A_7 = scf.for %scan3A_133 = %scan3A_3 to %scan3A_5 step %scan3A_6 iter_args(%scan3A_134 = %scan3A) -> (i32)  : i32 {
      %jit3A = arith.constant 8 : i32
      %div3A = arith.divsi %scan3A_133, %jit3A : i32
      %sign3A = arith.constant 0 : i32
      %sign3A_135 = arith.cmpi sgt, %scan3A_133, %sign3A : i32
      %sign3A_136 = arith.extui %sign3A_135 : i1 to i32
      %sign3A_137 = arith.constant 0 : i32
      %sign3A_138 = arith.cmpi slt, %scan3A_133, %sign3A_137 : i32
      %sign3A_139 = arith.extui %sign3A_138 : i1 to i32
      %sign3A_140 = arith.subi %sign3A_136, %sign3A_139 : i32
      %sign3A_141 = arith.constant 0 : i32
      %sign3A_142 = arith.cmpi sgt, %jit3A, %sign3A_141 : i32
      %sign3A_143 = arith.extui %sign3A_142 : i1 to i32
      %sign3A_144 = arith.constant 0 : i32
      %sign3A_145 = arith.cmpi slt, %jit3A, %sign3A_144 : i32
      %sign3A_146 = arith.extui %sign3A_145 : i1 to i32
      %sign3A_147 = arith.subi %sign3A_143, %sign3A_146 : i32
      %ne3A = arith.cmpi ne, %sign3A_140, %sign3A_147 : i32
      %rem3A = arith.remsi %scan3A_133, %jit3A : i32
      %ne3A_148 = arith.constant 0 : i32
      %ne3A_149 = arith.cmpi ne, %rem3A, %ne3A_148 : i32
      %and3A = arith.andi %ne3A, %ne3A_149 : i1
      %sub3A_150 = arith.constant 1 : i32
      %sub3A_151 = arith.subi %div3A, %sub3A_150 : i32
      %select_n3A = arith.select %and3A, %sub3A_151, %div3A : i32
      %jit3A_152 = arith.constant 8 : i32
      %eq3A_153 = arith.constant 0 : i32
      %eq3A_154 = arith.cmpi eq, %jit3A_152, %eq3A_153 : i32
      %jit3A_155 = arith.constant 1 : i32
      %select_n3A_156 = arith.select %eq3A_154, %jit3A_155, %jit3A_152 : i32
      %rem3A_157 = arith.remsi %scan3A_133, %select_n3A_156 : i32
      %ne3A_158 = arith.constant 0 : i32
      %ne3A_159 = arith.cmpi ne, %rem3A_157, %ne3A_158 : i32
      %lt3A = arith.constant 0 : i32
      %lt3A_160 = arith.cmpi slt, %rem3A_157, %lt3A : i32
      %lt3A_161 = arith.constant 0 : i32
      %lt3A_162 = arith.cmpi slt, %select_n3A_156, %lt3A_161 : i32
      %ne3A_163 = arith.xori %lt3A_160, %lt3A_162 : i1
      %and3A_164 = arith.andi %ne3A_163, %ne3A_159 : i1
      %add3A_165 = arith.addi %rem3A_157, %select_n3A_156 : i32
      %select_n3A_166 = arith.select %and3A_164, %add3A_165, %rem3A_157 : i32
      %mul3A_167 = arith.constant 16 : i32
      %mul3A_168 = arith.muli %select_n3A_166, %mul3A_167 : i32
      %broadcast_in_dim3A = arith.constant 0.000000e+00 : f32
      %broadcast_in_dim3A_169 = vector.broadcast %broadcast_in_dim3A : f32 to vector<16xf32>
      %swap3A = arith.index_cast %select_n3A : i32 to index
      %swap3A_170 = arith.index_cast %mul3A_168 : i32 to index
      %swap3A_171 = tpu.vector_load %arg10[%swap3A, %swap3A_170] {strides = array<i32>} : memref<128x128xf32, #tpu.memory_space<vmem>>, vector<1x16xf32>,
      %swap3A_172 = vector.shape_cast %swap3A_171 : vector<1x16xf32> to vector<16xf32>
      %swap3A_173 = vector.shape_cast %broadcast_in_dim3A_169 : vector<16xf32> to vector<1x16xf32>
      tpu.vector_store %arg10[%swap3A, %swap3A_170], %swap3A_173 {strides = array<i32>} : memref<128x128xf32, #tpu.memory_space<vmem>>, vector<1x16xf32>,
      %scan3A_174 = arith.constant 0 : i32
      scf.yield %scan3A_174 : i32
    }
    %scan3A_8 = arith.constant 1024 : i32
    %mul3A_9 = arith.constant 640 : i32
    %mul3A_10 = arith.muli %arg1, %mul3A_9 : i32
    %add3A_11 = arith.constant 0 : i32
    %add3A_12 = arith.addi %mul3A_10, %add3A_11 : i32
    "tpu.region"() ({
      %run_scoped3A = tpu.sem_alloc : memref<!tpu.dma_semaphore, #tpu.memory_space<semaphore_mem>>
      %dma_start3A_133 = arith.constant 0 : i32
      %dma_start3A_134 = tpu.memref_slice %arg7[%add3A_12, %dma_start3A_133] : memref<10240x128xf32, #tpu.memory_space<vmem_shared>> -> memref<128x128xf32, #tpu.memory_space<vmem_shared>>
      %dma_start3A_135 = arith.constant 0 : i32
      %dma_start3A_136 = tpu.memref_slice %arg7[%add3A_12, %dma_start3A_135] : memref<10240x128xf32, #tpu.memory_space<vmem_shared>> -> memref<128x128xf32, #tpu.memory_space<vmem_shared>>
      tpu.enqueue_dma source(%arg10 : memref<128x128xf32, #tpu.memory_space<vmem>>) target(%dma_start3A_136 : memref<128x128xf32, #tpu.memory_space<vmem_shared>>) target_semaphore(%run_scoped3A : memref<!tpu.dma_semaphore, #tpu.memory_space<semaphore_mem>>)
      %dma_wait3A_137 = arith.constant 0 : i32
      %dma_wait3A_138 = tpu.memref_slice %arg7[%add3A_12, %dma_wait3A_137] : memref<10240x128xf32, #tpu.memory_space<vmem_shared>> -> memref<128x128xf32, #tpu.memory_space<vmem_shared>>
      %dma_wait3A_139 = arith.constant 0 : i32
      %dma_wait3A_140 = tpu.memref_slice %arg7[%add3A_12, %dma_wait3A_139] : memref<10240x128xf32, #tpu.memory_space<vmem_shared>> -> memref<128x128xf32, #tpu.memory_space<vmem_shared>>
      tpu.wait_dma2 semaphore(%run_scoped3A : memref<!tpu.dma_semaphore, #tpu.memory_space<semaphore_mem>>) src(%arg10 : memref<128x128xf32, #tpu.memory_space<vmem>>) dst(%dma_wait3A_140 : memref<128x128xf32, #tpu.memory_space<vmem_shared>>)
      tpu.yield
    }) : () -> ()
    %mul3A_13 = arith.constant 640 : i32
    %mul3A_14 = arith.muli %arg1, %mul3A_13 : i32
    %add3A_15 = arith.constant 128 : i32
    %add3A_16 = arith.addi %mul3A_14, %add3A_15 : i32
    "tpu.region"() ({
      %run_scoped3A = tpu.sem_alloc : memref<!tpu.dma_semaphore, #tpu.memory_space<semaphore_mem>>
      %dma_start3A_133 = arith.constant 0 : i32
      %dma_start3A_134 = tpu.memref_slice %arg7[%add3A_16, %dma_start3A_133] : memref<10240x128xf32, #tpu.memory_space<vmem_shared>> -> memref<128x128xf32, #tpu.memory_space<vmem_shared>>
      %dma_start3A_135 = arith.constant 0 : i32
      %dma_start3A_136 = tpu.memref_slice %arg7[%add3A_16, %dma_start3A_135] : memref<10240x128xf32, #tpu.memory_space<vmem_shared>> -> memref<128x128xf32, #tpu.memory_space<vmem_shared>>
      tpu.enqueue_dma source(%arg10 : memref<128x128xf32, #tpu.memory_space<vmem>>) target(%dma_start3A_136 : memref<128x128xf32, #tpu.memory_space<vmem_shared>>) target_semaphore(%run_scoped3A : memref<!tpu.dma_semaphore, #tpu.memory_space<semaphore_mem>>)
      %dma_wait3A_137 = arith.constant 0 : i32
      %dma_wait3A_138 = tpu.memref_slice %arg7[%add3A_16, %dma_wait3A_137] : memref<10240x128xf32, #tpu.memory_space<vmem_shared>> -> memref<128x128xf32, #tpu.memory_space<vmem_shared>>
      %dma_wait3A_139 = arith.constant 0 : i32
      %dma_wait3A_140 = tpu.memref_slice %arg7[%add3A_16, %dma_wait3A_139] : memref<10240x128xf32, #tpu.memory_space<vmem_shared>> -> memref<128x128xf32, #tpu.memory_space<vmem_shared>>
      tpu.wait_dma2 semaphore(%run_scoped3A : memref<!tpu.dma_semaphore, #tpu.memory_space<semaphore_mem>>) src(%arg10 : memref<128x128xf32, #tpu.memory_space<vmem>>) dst(%dma_wait3A_140 : memref<128x128xf32, #tpu.memory_space<vmem_shared>>)
      tpu.yield
    }) : () -> ()
    %mul3A_17 = arith.constant 640 : i32
    %mul3A_18 = arith.muli %arg1, %mul3A_17 : i32
    %add3A_19 = arith.constant 256 : i32
    %add3A_20 = arith.addi %mul3A_18, %add3A_19 : i32
    "tpu.region"() ({
      %run_scoped3A = tpu.sem_alloc : memref<!tpu.dma_semaphore, #tpu.memory_space<semaphore_mem>>
      %dma_start3A_133 = arith.constant 0 : i32
      %dma_start3A_134 = tpu.memref_slice %arg7[%add3A_20, %dma_start3A_133] : memref<10240x128xf32, #tpu.memory_space<vmem_shared>> -> memref<128x128xf32, #tpu.memory_space<vmem_shared>>
      %dma_start3A_135 = arith.constant 0 : i32
      %dma_start3A_136 = tpu.memref_slice %arg7[%add3A_20, %dma_start3A_135] : memref<10240x128xf32, #tpu.memory_space<vmem_shared>> -> memref<128x128xf32, #tpu.memory_space<vmem_shared>>
      tpu.enqueue_dma source(%arg10 : memref<128x128xf32, #tpu.memory_space<vmem>>) target(%dma_start3A_136 : memref<128x128xf32, #tpu.memory_space<vmem_shared>>) target_semaphore(%run_scoped3A : memref<!tpu.dma_semaphore, #tpu.memory_space<semaphore_mem>>)
      %dma_wait3A_137 = arith.constant 0 : i32
      %dma_wait3A_138 = tpu.memref_slice %arg7[%add3A_20, %dma_wait3A_137] : memref<10240x128xf32, #tpu.memory_space<vmem_shared>> -> memref<128x128xf32, #tpu.memory_space<vmem_shared>>
      %dma_wait3A_139 = arith.constant 0 : i32
      %dma_wait3A_140 = tpu.memref_slice %arg7[%add3A_20, %dma_wait3A_139] : memref<10240x128xf32, #tpu.memory_space<vmem_shared>> -> memref<128x128xf32, #tpu.memory_space<vmem_shared>>
      tpu.wait_dma2 semaphore(%run_scoped3A : memref<!tpu.dma_semaphore, #tpu.memory_space<semaphore_mem>>) src(%arg10 : memref<128x128xf32, #tpu.memory_space<vmem>>) dst(%dma_wait3A_140 : memref<128x128xf32, #tpu.memory_space<vmem_shared>>)
      tpu.yield
    }) : () -> ()
    %mul3A_21 = arith.constant 640 : i32
    %mul3A_22 = arith.muli %arg1, %mul3A_21 : i32
    %add3A_23 = arith.constant 384 : i32
    %add3A_24 = arith.addi %mul3A_22, %add3A_23 : i32
    "tpu.region"() ({
      %run_scoped3A = tpu.sem_alloc : memref<!tpu.dma_semaphore, #tpu.memory_space<semaphore_mem>>
      %dma_start3A_133 = arith.constant 0 : i32
      %dma_start3A_134 = tpu.memref_slice %arg7[%add3A_24, %dma_start3A_133] : memref<10240x128xf32, #tpu.memory_space<vmem_shared>> -> memref<128x128xf32, #tpu.memory_space<vmem_shared>>
      %dma_start3A_135 = arith.constant 0 : i32
      %dma_start3A_136 = tpu.memref_slice %arg7[%add3A_24, %dma_start3A_135] : memref<10240x128xf32, #tpu.memory_space<vmem_shared>> -> memref<128x128xf32, #tpu.memory_space<vmem_shared>>
      tpu.enqueue_dma source(%arg10 : memref<128x128xf32, #tpu.memory_space<vmem>>) target(%dma_start3A_136 : memref<128x128xf32, #tpu.memory_space<vmem_shared>>) target_semaphore(%run_scoped3A : memref<!tpu.dma_semaphore, #tpu.memory_space<semaphore_mem>>)
      %dma_wait3A_137 = arith.constant 0 : i32
      %dma_wait3A_138 = tpu.memref_slice %arg7[%add3A_24, %dma_wait3A_137] : memref<10240x128xf32, #tpu.memory_space<vmem_shared>> -> memref<128x128xf32, #tpu.memory_space<vmem_shared>>
      %dma_wait3A_139 = arith.constant 0 : i32
      %dma_wait3A_140 = tpu.memref_slice %arg7[%add3A_24, %dma_wait3A_139] : memref<10240x128xf32, #tpu.memory_space<vmem_shared>> -> memref<128x128xf32, #tpu.memory_space<vmem_shared>>
      tpu.wait_dma2 semaphore(%run_scoped3A : memref<!tpu.dma_semaphore, #tpu.memory_space<semaphore_mem>>) src(%arg10 : memref<128x128xf32, #tpu.memory_space<vmem>>) dst(%dma_wait3A_140 : memref<128x128xf32, #tpu.memory_space<vmem_shared>>)
      tpu.yield
    }) : () -> ()
    %mul3A_25 = arith.constant 640 : i32
    %mul3A_26 = arith.muli %arg1, %mul3A_25 : i32
    %add3A_27 = arith.constant 512 : i32
    %add3A_28 = arith.addi %mul3A_26, %add3A_27 : i32
    "tpu.region"() ({
      %run_scoped3A = tpu.sem_alloc : memref<!tpu.dma_semaphore, #tpu.memory_space<semaphore_mem>>
      %dma_start3A_133 = arith.constant 0 : i32
      %dma_start3A_134 = tpu.memref_slice %arg7[%add3A_28, %dma_start3A_133] : memref<10240x128xf32, #tpu.memory_space<vmem_shared>> -> memref<128x128xf32, #tpu.memory_space<vmem_shared>>
      %dma_start3A_135 = arith.constant 0 : i32
      %dma_start3A_136 = tpu.memref_slice %arg7[%add3A_28, %dma_start3A_135] : memref<10240x128xf32, #tpu.memory_space<vmem_shared>> -> memref<128x128xf32, #tpu.memory_space<vmem_shared>>
      tpu.enqueue_dma source(%arg10 : memref<128x128xf32, #tpu.memory_space<vmem>>) target(%dma_start3A_136 : memref<128x128xf32, #tpu.memory_space<vmem_shared>>) target_semaphore(%run_scoped3A : memref<!tpu.dma_semaphore, #tpu.memory_space<semaphore_mem>>)
      %dma_wait3A_137 = arith.constant 0 : i32
      %dma_wait3A_138 = tpu.memref_slice %arg7[%add3A_28, %dma_wait3A_137] : memref<10240x128xf32, #tpu.memory_space<vmem_shared>> -> memref<128x128xf32, #tpu.memory_space<vmem_shared>>
      %dma_wait3A_139 = arith.constant 0 : i32
      %dma_wait3A_140 = tpu.memref_slice %arg7[%add3A_28, %dma_wait3A_139] : memref<10240x128xf32, #tpu.memory_space<vmem_shared>> -> memref<128x128xf32, #tpu.memory_space<vmem_shared>>
      tpu.wait_dma2 semaphore(%run_scoped3A : memref<!tpu.dma_semaphore, #tpu.memory_space<semaphore_mem>>) src(%arg10 : memref<128x128xf32, #tpu.memory_space<vmem>>) dst(%dma_wait3A_140 : memref<128x128xf32, #tpu.memory_space<vmem_shared>>)
      tpu.yield
    }) : () -> ()
    "tpu.trace_stop"() : () -> ()
    %add3A_29 = arith.constant 0 : i32
    %add3A_30 = arith.addi %mul3A_2, %add3A_29 : i32
    %dma_start3A = arith.constant 0 : i32
    %dma_start3A_31 = arith.constant 0 : i32
    %dma_start3A_32 = tpu.memref_slice %arg9[%dma_start3A, %dma_start3A_31] : memref<2x128xi32, #tpu.memory_space<vmem>> -> memref<1x128xi32, #tpu.memory_space<vmem>>
    %dma_start3A_33 = tpu.memref_squeeze %dma_start3A_32 : memref<1x128xi32, #tpu.memory_space<vmem>> -> memref<128xi32, #tpu.memory_space<vmem>>
    %dma_start3A_34 = arith.constant 0 : i32
    %dma_start3A_35 = tpu.memref_slice %arg4[%add3A_30, %dma_start3A_34] : memref<2560x128xi32, #tpu.memory_space<hbm>> -> memref<1x128xi32, #tpu.memory_space<hbm>>
    %dma_start3A_36 = tpu.memref_squeeze %dma_start3A_35 : memref<1x128xi32, #tpu.memory_space<hbm>> -> memref<128xi32, #tpu.memory_space<hbm>>
    %dma_start3A_37 = arith.constant 0 : i32
    %dma_start3A_38 = tpu.memref_slice %arg9[%dma_start3A, %dma_start3A_37] : memref<2x128xi32, #tpu.memory_space<vmem>> -> memref<1x128xi32, #tpu.memory_space<vmem>>
    %dma_start3A_39 = tpu.memref_squeeze %dma_start3A_38 : memref<1x128xi32, #tpu.memory_space<vmem>> -> memref<128xi32, #tpu.memory_space<vmem>>
    %dma_start3A_40 = arith.constant 0 : i32
    %dma_start3A_41 = tpu.memref_slice %arg4[%add3A_30, %dma_start3A_40] : memref<2560x128xi32, #tpu.memory_space<hbm>> -> memref<1x128xi32, #tpu.memory_space<hbm>>
    %dma_start3A_42 = tpu.memref_squeeze %dma_start3A_41 : memref<1x128xi32, #tpu.memory_space<hbm>> -> memref<128xi32, #tpu.memory_space<hbm>>
    tpu.enqueue_dma source(%dma_start3A_42 : memref<128xi32, #tpu.memory_space<hbm>>) target(%dma_start3A_39 : memref<128xi32, #tpu.memory_space<vmem>>) target_semaphore(%arg14 : memref<!tpu.dma_semaphore, #tpu.memory_space<semaphore_mem>>)
    %dma_start3A_43 = arith.constant 0 : i32
    %dma_start3A_44 = arith.constant 0 : i32
    %dma_start3A_45 = tpu.memref_slice %arg8[%dma_start3A_43, %dma_start3A_44] : memref<80x128xi32, #tpu.memory_space<vmem>> -> memref<1x128xi32, #tpu.memory_space<vmem>>
    %dma_start3A_46 = tpu.memref_squeeze %dma_start3A_45 : memref<1x128xi32, #tpu.memory_space<vmem>> -> memref<128xi32, #tpu.memory_space<vmem>>
    %dma_start3A_47 = arith.constant 0 : i32
    %dma_start3A_48 = arith.constant 0 : i32
    %dma_start3A_49 = tpu.memref_slice %arg2[%dma_start3A_47, %dma_start3A_48] : memref<10000x128xf32, #tpu.memory_space<hbm>> -> memref<10000x128xf32, #tpu.memory_space<hbm>>
    tpu.enqueue_indirect_dma source(%dma_start3A_49 : memref<10000x128xf32, #tpu.memory_space<hbm>>) target(%arg10 : memref<128x128xf32, #tpu.memory_space<vmem>>) offsets(%dma_start3A_46 : memref<128xi32, #tpu.memory_space<vmem>>) semaphore(%arg12 : memref<!tpu.dma_semaphore, #tpu.memory_space<semaphore_mem>>)
    %add3A_50 = arith.constant 1 : i32
    %add3A_51 = arith.addi %mul3A_2, %add3A_50 : i32
    %dma_start3A_52 = arith.constant 1 : i32
    %dma_start3A_53 = arith.constant 0 : i32
    %dma_start3A_54 = tpu.memref_slice %arg9[%dma_start3A_52, %dma_start3A_53] : memref<2x128xi32, #tpu.memory_space<vmem>> -> memref<1x128xi32, #tpu.memory_space<vmem>>
    %dma_start3A_55 = tpu.memref_squeeze %dma_start3A_54 : memref<1x128xi32, #tpu.memory_space<vmem>> -> memref<128xi32, #tpu.memory_space<vmem>>
    %dma_start3A_56 = arith.constant 0 : i32
    %dma_start3A_57 = tpu.memref_slice %arg4[%add3A_51, %dma_start3A_56] : memref<2560x128xi32, #tpu.memory_space<hbm>> -> memref<1x128xi32, #tpu.memory_space<hbm>>
    %dma_start3A_58 = tpu.memref_squeeze %dma_start3A_57 : memref<1x128xi32, #tpu.memory_space<hbm>> -> memref<128xi32, #tpu.memory_space<hbm>>
    %dma_start3A_59 = arith.constant 0 : i32
    %dma_start3A_60 = tpu.memref_slice %arg9[%dma_start3A_52, %dma_start3A_59] : memref<2x128xi32, #tpu.memory_space<vmem>> -> memref<1x128xi32, #tpu.memory_space<vmem>>
    %dma_start3A_61 = tpu.memref_squeeze %dma_start3A_60 : memref<1x128xi32, #tpu.memory_space<vmem>> -> memref<128xi32, #tpu.memory_space<vmem>>
    %dma_start3A_62 = arith.constant 0 : i32
    %dma_start3A_63 = tpu.memref_slice %arg4[%add3A_51, %dma_start3A_62] : memref<2560x128xi32, #tpu.memory_space<hbm>> -> memref<1x128xi32, #tpu.memory_space<hbm>>
    %dma_start3A_64 = tpu.memref_squeeze %dma_start3A_63 : memref<1x128xi32, #tpu.memory_space<hbm>> -> memref<128xi32, #tpu.memory_space<hbm>>
    tpu.enqueue_dma source(%dma_start3A_64 : memref<128xi32, #tpu.memory_space<hbm>>) target(%dma_start3A_61 : memref<128xi32, #tpu.memory_space<vmem>>) target_semaphore(%arg15 : memref<!tpu.dma_semaphore, #tpu.memory_space<semaphore_mem>>)
    %dma_start3A_65 = arith.constant 1 : i32
    %dma_start3A_66 = arith.constant 0 : i32
    %dma_start3A_67 = tpu.memref_slice %arg8[%dma_start3A_65, %dma_start3A_66] : memref<80x128xi32, #tpu.memory_space<vmem>> -> memref<1x128xi32, #tpu.memory_space<vmem>>
    %dma_start3A_68 = tpu.memref_squeeze %dma_start3A_67 : memref<1x128xi32, #tpu.memory_space<vmem>> -> memref<128xi32, #tpu.memory_space<vmem>>
    %dma_start3A_69 = arith.constant 0 : i32
    %dma_start3A_70 = arith.constant 0 : i32
    %dma_start3A_71 = tpu.memref_slice %arg2[%dma_start3A_69, %dma_start3A_70] : memref<10000x128xf32, #tpu.memory_space<hbm>> -> memref<10000x128xf32, #tpu.memory_space<hbm>>
    tpu.enqueue_indirect_dma source(%dma_start3A_71 : memref<10000x128xf32, #tpu.memory_space<hbm>>) target(%arg11 : memref<128x128xf32, #tpu.memory_space<vmem>>) offsets(%dma_start3A_68 : memref<128xi32, #tpu.memory_space<vmem>>) semaphore(%arg13 : memref<!tpu.dma_semaphore, #tpu.memory_space<semaphore_mem>>)
    %barrier3A = arith.constant 0 : index
    tpu.barrier barrier_id(%barrier3A)
    "tpu.trace_start"() <{level = 10 : i32, message = "edge_loop"}> : () -> ()
    %scan3A_72 = arith.constant 0 : i32
    %scan3A_73 = arith.constant 0 : i32
    %scan3A_74 = arith.constant 40 : i32
    %scan3A_75 = arith.addi %scan3A_73, %scan3A_74 : i32
    %scan3A_76 = arith.constant 1 : i32
    %scan3A_77 = scf.for %scan3A_133 = %scan3A_73 to %scan3A_75 step %scan3A_76 iter_args(%scan3A_134 = %scan3A_72) -> (i32)  : i32 {
      %mul3A_135 = arith.constant 2 : i32
      %mul3A_136 = arith.muli %scan3A_133, %mul3A_135 : i32
      %add3A_137 = arith.constant 0 : i32
      %add3A_138 = arith.addi %mul3A_136, %add3A_137 : i32
      %dma_wait3A_139 = arith.constant 0 : i32
      %dma_wait3A_140 = tpu.memref_slice %arg8[%add3A_138, %dma_wait3A_139] : memref<80x128xi32, #tpu.memory_space<vmem>> -> memref<1x128xi32, #tpu.memory_space<vmem>>
      %dma_wait3A_141 = tpu.memref_squeeze %dma_wait3A_140 : memref<1x128xi32, #tpu.memory_space<vmem>> -> memref<128xi32, #tpu.memory_space<vmem>>
      %dma_wait3A_142 = arith.constant 0 : i32
      %dma_wait3A_143 = arith.constant 0 : i32
      %dma_wait3A_144 = tpu.memref_slice %arg2[%dma_wait3A_142, %dma_wait3A_143] : memref<10000x128xf32, #tpu.memory_space<hbm>> -> memref<10000x128xf32, #tpu.memory_space<hbm>>
      tpu.wait_indirect_dma semaphore(%arg12 : memref<!tpu.dma_semaphore, #tpu.memory_space<semaphore_mem>>) src(%dma_wait3A_144 : memref<10000x128xf32, #tpu.memory_space<hbm>>) dst(%arg10 : memref<128x128xf32, #tpu.memory_space<vmem>>)
      %add3A_145 = arith.addi %mul3A_2, %add3A_138 : i32
      %dma_wait3A_146 = arith.constant 0 : i32
      %dma_wait3A_147 = arith.constant 0 : i32
      %dma_wait3A_148 = tpu.memref_slice %arg9[%dma_wait3A_146, %dma_wait3A_147] : memref<2x128xi32, #tpu.memory_space<vmem>> -> memref<1x128xi32, #tpu.memory_space<vmem>>
      %dma_wait3A_149 = tpu.memref_squeeze %dma_wait3A_148 : memref<1x128xi32, #tpu.memory_space<vmem>> -> memref<128xi32, #tpu.memory_space<vmem>>
      %dma_wait3A_150 = arith.constant 0 : i32
      %dma_wait3A_151 = tpu.memref_slice %arg4[%add3A_145, %dma_wait3A_150] : memref<2560x128xi32, #tpu.memory_space<hbm>> -> memref<1x128xi32, #tpu.memory_space<hbm>>
      %dma_wait3A_152 = tpu.memref_squeeze %dma_wait3A_151 : memref<1x128xi32, #tpu.memory_space<hbm>> -> memref<128xi32, #tpu.memory_space<hbm>>
      %dma_wait3A_153 = arith.constant 0 : i32
      %dma_wait3A_154 = tpu.memref_slice %arg9[%dma_wait3A_146, %dma_wait3A_153] : memref<2x128xi32, #tpu.memory_space<vmem>> -> memref<1x128xi32, #tpu.memory_space<vmem>>
      %dma_wait3A_155 = tpu.memref_squeeze %dma_wait3A_154 : memref<1x128xi32, #tpu.memory_space<vmem>> -> memref<128xi32, #tpu.memory_space<vmem>>
      %dma_wait3A_156 = arith.constant 0 : i32
      %dma_wait3A_157 = tpu.memref_slice %arg4[%add3A_145, %dma_wait3A_156] : memref<2560x128xi32, #tpu.memory_space<hbm>> -> memref<1x128xi32, #tpu.memory_space<hbm>>
      %dma_wait3A_158 = tpu.memref_squeeze %dma_wait3A_157 : memref<1x128xi32, #tpu.memory_space<hbm>> -> memref<128xi32, #tpu.memory_space<hbm>>
      tpu.wait_dma2 semaphore(%arg14 : memref<!tpu.dma_semaphore, #tpu.memory_space<semaphore_mem>>) src(%dma_wait3A_158 : memref<128xi32, #tpu.memory_space<hbm>>) dst(%dma_wait3A_155 : memref<128xi32, #tpu.memory_space<vmem>>)
      %run_scoped3A = arith.constant 0 : i32
      "tpu.region"() ({
        %run_scoped3A_230 = tpu.sem_alloc : memref<!tpu.dma_semaphore, #tpu.memory_space<semaphore_mem>>
        %dma_start3A_231 = arith.constant 0 : i32
        %dma_start3A_232 = tpu.memref_slice %arg9[%run_scoped3A, %dma_start3A_231] : memref<2x128xi32, #tpu.memory_space<vmem>> -> memref<1x128xi32, #tpu.memory_space<vmem>>
        %dma_start3A_233 = tpu.memref_squeeze %dma_start3A_232 : memref<1x128xi32, #tpu.memory_space<vmem>> -> memref<128xi32, #tpu.memory_space<vmem>>
        %dma_start3A_234 = arith.constant 0 : i32
        %dma_start3A_235 = arith.constant 0 : i32
        %dma_start3A_236 = tpu.memref_slice %arg7[%dma_start3A_234, %dma_start3A_235] : memref<10240x128xf32, #tpu.memory_space<vmem_shared>> -> memref<10240x128xf32, #tpu.memory_space<vmem_shared>>
        tpu.enqueue_indirect_dma source(%arg10 : memref<128x128xf32, #tpu.memory_space<vmem>>) target(%dma_start3A_236 : memref<10240x128xf32, #tpu.memory_space<vmem_shared>>) offsets(%dma_start3A_233 : memref<128xi32, #tpu.memory_space<vmem>>) semaphore(%run_scoped3A_230 : memref<!tpu.dma_semaphore, #tpu.memory_space<semaphore_mem>>) {add = true}
        %dma_wait3A_237 = arith.constant 0 : i32
        %dma_wait3A_238 = tpu.memref_slice %arg9[%run_scoped3A, %dma_wait3A_237] : memref<2x128xi32, #tpu.memory_space<vmem>> -> memref<1x128xi32, #tpu.memory_space<vmem>>
        %dma_wait3A_239 = tpu.memref_squeeze %dma_wait3A_238 : memref<1x128xi32, #tpu.memory_space<vmem>> -> memref<128xi32, #tpu.memory_space<vmem>>
        %dma_wait3A_240 = arith.constant 0 : i32
        %dma_wait3A_241 = arith.constant 0 : i32
        %dma_wait3A_242 = tpu.memref_slice %arg7[%dma_wait3A_240, %dma_wait3A_241] : memref<10240x128xf32, #tpu.memory_space<vmem_shared>> -> memref<10240x128xf32, #tpu.memory_space<vmem_shared>>
        tpu.wait_indirect_dma semaphore(%run_scoped3A_230 : memref<!tpu.dma_semaphore, #tpu.memory_space<semaphore_mem>>) src(%arg10 : memref<128x128xf32, #tpu.memory_space<vmem>>) dst(%dma_wait3A_242 : memref<10240x128xf32, #tpu.memory_space<vmem_shared>>)
        tpu.yield
      }) : () -> ()
      %add3A_159 = arith.constant 2 : i32
      %add3A_160 = arith.addi %add3A_138, %add3A_159 : i32
      %min3A = arith.constant 79 : i32
      %min3A_161 = arith.minsi %add3A_160, %min3A : i32
      %add3A_162 = arith.addi %mul3A_2, %min3A_161 : i32
      %dma_start3A_163 = arith.constant 0 : i32
      %dma_start3A_164 = arith.constant 0 : i32
      %dma_start3A_165 = tpu.memref_slice %arg9[%dma_start3A_163, %dma_start3A_164] : memref<2x128xi32, #tpu.memory_space<vmem>> -> memref<1x128xi32, #tpu.memory_space<vmem>>
      %dma_start3A_166 = tpu.memref_squeeze %dma_start3A_165 : memref<1x128xi32, #tpu.memory_space<vmem>> -> memref<128xi32, #tpu.memory_space<vmem>>
      %dma_start3A_167 = arith.constant 0 : i32
      %dma_start3A_168 = tpu.memref_slice %arg4[%add3A_162, %dma_start3A_167] : memref<2560x128xi32, #tpu.memory_space<hbm>> -> memref<1x128xi32, #tpu.memory_space<hbm>>
      %dma_start3A_169 = tpu.memref_squeeze %dma_start3A_168 : memref<1x128xi32, #tpu.memory_space<hbm>> -> memref<128xi32, #tpu.memory_space<hbm>>
      %dma_start3A_170 = arith.constant 0 : i32
      %dma_start3A_171 = tpu.memref_slice %arg9[%dma_start3A_163, %dma_start3A_170] : memref<2x128xi32, #tpu.memory_space<vmem>> -> memref<1x128xi32, #tpu.memory_space<vmem>>
      %dma_start3A_172 = tpu.memref_squeeze %dma_start3A_171 : memref<1x128xi32, #tpu.memory_space<vmem>> -> memref<128xi32, #tpu.memory_space<vmem>>
      %dma_start3A_173 = arith.constant 0 : i32
      %dma_start3A_174 = tpu.memref_slice %arg4[%add3A_162, %dma_start3A_173] : memref<2560x128xi32, #tpu.memory_space<hbm>> -> memref<1x128xi32, #tpu.memory_space<hbm>>
      %dma_start3A_175 = tpu.memref_squeeze %dma_start3A_174 : memref<1x128xi32, #tpu.memory_space<hbm>> -> memref<128xi32, #tpu.memory_space<hbm>>
      tpu.enqueue_dma source(%dma_start3A_175 : memref<128xi32, #tpu.memory_space<hbm>>) target(%dma_start3A_172 : memref<128xi32, #tpu.memory_space<vmem>>) target_semaphore(%arg14 : memref<!tpu.dma_semaphore, #tpu.memory_space<semaphore_mem>>)
      %dma_start3A_176 = arith.constant 0 : i32
      %dma_start3A_177 = tpu.memref_slice %arg8[%min3A_161, %dma_start3A_176] : memref<80x128xi32, #tpu.memory_space<vmem>> -> memref<1x128xi32, #tpu.memory_space<vmem>>
      %dma_start3A_178 = tpu.memref_squeeze %dma_start3A_177 : memref<1x128xi32, #tpu.memory_space<vmem>> -> memref<128xi32, #tpu.memory_space<vmem>>
      %dma_start3A_179 = arith.constant 0 : i32
      %dma_start3A_180 = arith.constant 0 : i32
      %dma_start3A_181 = tpu.memref_slice %arg2[%dma_start3A_179, %dma_start3A_180] : memref<10000x128xf32, #tpu.memory_space<hbm>> -> memref<10000x128xf32, #tpu.memory_space<hbm>>
      tpu.enqueue_indirect_dma source(%dma_start3A_181 : memref<10000x128xf32, #tpu.memory_space<hbm>>) target(%arg10 : memref<128x128xf32, #tpu.memory_space<vmem>>) offsets(%dma_start3A_178 : memref<128xi32, #tpu.memory_space<vmem>>) semaphore(%arg12 : memref<!tpu.dma_semaphore, #tpu.memory_space<semaphore_mem>>)
      %add3A_182 = arith.constant 1 : i32
      %add3A_183 = arith.addi %mul3A_136, %add3A_182 : i32
      %dma_wait3A_184 = arith.constant 0 : i32
      %dma_wait3A_185 = tpu.memref_slice %arg8[%add3A_183, %dma_wait3A_184] : memref<80x128xi32, #tpu.memory_space<vmem>> -> memref<1x128xi32, #tpu.memory_space<vmem>>
      %dma_wait3A_186 = tpu.memref_squeeze %dma_wait3A_185 : memref<1x128xi32, #tpu.memory_space<vmem>> -> memref<128xi32, #tpu.memory_space<vmem>>
      %dma_wait3A_187 = arith.constant 0 : i32
      %dma_wait3A_188 = arith.constant 0 : i32
      %dma_wait3A_189 = tpu.memref_slice %arg2[%dma_wait3A_187, %dma_wait3A_188] : memref<10000x128xf32, #tpu.memory_space<hbm>> -> memref<10000x128xf32, #tpu.memory_space<hbm>>
      tpu.wait_indirect_dma semaphore(%arg13 : memref<!tpu.dma_semaphore, #tpu.memory_space<semaphore_mem>>) src(%dma_wait3A_189 : memref<10000x128xf32, #tpu.memory_space<hbm>>) dst(%arg11 : memref<128x128xf32, #tpu.memory_space<vmem>>)
      %add3A_190 = arith.addi %mul3A_2, %add3A_183 : i32
      %dma_wait3A_191 = arith.constant 1 : i32
      %dma_wait3A_192 = arith.constant 0 : i32
      %dma_wait3A_193 = tpu.memref_slice %arg9[%dma_wait3A_191, %dma_wait3A_192] : memref<2x128xi32, #tpu.memory_space<vmem>> -> memref<1x128xi32, #tpu.memory_space<vmem>>
      %dma_wait3A_194 = tpu.memref_squeeze %dma_wait3A_193 : memref<1x128xi32, #tpu.memory_space<vmem>> -> memref<128xi32, #tpu.memory_space<vmem>>
      %dma_wait3A_195 = arith.constant 0 : i32
      %dma_wait3A_196 = tpu.memref_slice %arg4[%add3A_190, %dma_wait3A_195] : memref<2560x128xi32, #tpu.memory_space<hbm>> -> memref<1x128xi32, #tpu.memory_space<hbm>>
      %dma_wait3A_197 = tpu.memref_squeeze %dma_wait3A_196 : memref<1x128xi32, #tpu.memory_space<hbm>> -> memref<128xi32, #tpu.memory_space<hbm>>
      %dma_wait3A_198 = arith.constant 0 : i32
      %dma_wait3A_199 = tpu.memref_slice %arg9[%dma_wait3A_191, %dma_wait3A_198] : memref<2x128xi32, #tpu.memory_space<vmem>> -> memref<1x128xi32, #tpu.memory_space<vmem>>
      %dma_wait3A_200 = tpu.memref_squeeze %dma_wait3A_199 : memref<1x128xi32, #tpu.memory_space<vmem>> -> memref<128xi32, #tpu.memory_space<vmem>>
      %dma_wait3A_201 = arith.constant 0 : i32
      %dma_wait3A_202 = tpu.memref_slice %arg4[%add3A_190, %dma_wait3A_201] : memref<2560x128xi32, #tpu.memory_space<hbm>> -> memref<1x128xi32, #tpu.memory_space<hbm>>
      %dma_wait3A_203 = tpu.memref_squeeze %dma_wait3A_202 : memref<1x128xi32, #tpu.memory_space<hbm>> -> memref<128xi32, #tpu.memory_space<hbm>>
      tpu.wait_dma2 semaphore(%arg15 : memref<!tpu.dma_semaphore, #tpu.memory_space<semaphore_mem>>) src(%dma_wait3A_203 : memref<128xi32, #tpu.memory_space<hbm>>) dst(%dma_wait3A_200 : memref<128xi32, #tpu.memory_space<vmem>>)
      %run_scoped3A_204 = arith.constant 1 : i32
      "tpu.region"() ({
        %run_scoped3A_230 = tpu.sem_alloc : memref<!tpu.dma_semaphore, #tpu.memory_space<semaphore_mem>>
        %dma_start3A_231 = arith.constant 0 : i32
        %dma_start3A_232 = tpu.memref_slice %arg9[%run_scoped3A_204, %dma_start3A_231] : memref<2x128xi32, #tpu.memory_space<vmem>> -> memref<1x128xi32, #tpu.memory_space<vmem>>
        %dma_start3A_233 = tpu.memref_squeeze %dma_start3A_232 : memref<1x128xi32, #tpu.memory_space<vmem>> -> memref<128xi32, #tpu.memory_space<vmem>>
        %dma_start3A_234 = arith.constant 0 : i32
        %dma_start3A_235 = arith.constant 0 : i32
        %dma_start3A_236 = tpu.memref_slice %arg7[%dma_start3A_234, %dma_start3A_235] : memref<10240x128xf32, #tpu.memory_space<vmem_shared>> -> memref<10240x128xf32, #tpu.memory_space<vmem_shared>>
        tpu.enqueue_indirect_dma source(%arg11 : memref<128x128xf32, #tpu.memory_space<vmem>>) target(%dma_start3A_236 : memref<10240x128xf32, #tpu.memory_space<vmem_shared>>) offsets(%dma_start3A_233 : memref<128xi32, #tpu.memory_space<vmem>>) semaphore(%run_scoped3A_230 : memref<!tpu.dma_semaphore, #tpu.memory_space<semaphore_mem>>) {add = true}
        %dma_wait3A_237 = arith.constant 0 : i32
        %dma_wait3A_238 = tpu.memref_slice %arg9[%run_scoped3A_204, %dma_wait3A_237] : memref<2x128xi32, #tpu.memory_space<vmem>> -> memref<1x128xi32, #tpu.memory_space<vmem>>
        %dma_wait3A_239 = tpu.memref_squeeze %dma_wait3A_238 : memref<1x128xi32, #tpu.memory_space<vmem>> -> memref<128xi32, #tpu.memory_space<vmem>>
        %dma_wait3A_240 = arith.constant 0 : i32
        %dma_wait3A_241 = arith.constant 0 : i32
        %dma_wait3A_242 = tpu.memref_slice %arg7[%dma_wait3A_240, %dma_wait3A_241] : memref<10240x128xf32, #tpu.memory_space<vmem_shared>> -> memref<10240x128xf32, #tpu.memory_space<vmem_shared>>
        tpu.wait_indirect_dma semaphore(%run_scoped3A_230 : memref<!tpu.dma_semaphore, #tpu.memory_space<semaphore_mem>>) src(%arg11 : memref<128x128xf32, #tpu.memory_space<vmem>>) dst(%dma_wait3A_242 : memref<10240x128xf32, #tpu.memory_space<vmem_shared>>)
        tpu.yield
      }) : () -> ()
      %add3A_205 = arith.constant 2 : i32
      %add3A_206 = arith.addi %add3A_183, %add3A_205 : i32
      %min3A_207 = arith.constant 79 : i32
      %min3A_208 = arith.minsi %add3A_206, %min3A_207 : i32
      %add3A_209 = arith.addi %mul3A_2, %min3A_208 : i32
      %dma_start3A_210 = arith.constant 1 : i32
      %dma_start3A_211 = arith.constant 0 : i32
      %dma_start3A_212 = tpu.memref_slice %arg9[%dma_start3A_210, %dma_start3A_211] : memref<2x128xi32, #tpu.memory_space<vmem>> -> memref<1x128xi32, #tpu.memory_space<vmem>>
      %dma_start3A_213 = tpu.memref_squeeze %dma_start3A_212 : memref<1x128xi32, #tpu.memory_space<vmem>> -> memref<128xi32, #tpu.memory_space<vmem>>
      %dma_start3A_214 = arith.constant 0 : i32
      %dma_start3A_215 = tpu.memref_slice %arg4[%add3A_209, %dma_start3A_214] : memref<2560x128xi32, #tpu.memory_space<hbm>> -> memref<1x128xi32, #tpu.memory_space<hbm>>
      %dma_start3A_216 = tpu.memref_squeeze %dma_start3A_215 : memref<1x128xi32, #tpu.memory_space<hbm>> -> memref<128xi32, #tpu.memory_space<hbm>>
      %dma_start3A_217 = arith.constant 0 : i32
      %dma_start3A_218 = tpu.memref_slice %arg9[%dma_start3A_210, %dma_start3A_217] : memref<2x128xi32, #tpu.memory_space<vmem>> -> memref<1x128xi32, #tpu.memory_space<vmem>>
      %dma_start3A_219 = tpu.memref_squeeze %dma_start3A_218 : memref<1x128xi32, #tpu.memory_space<vmem>> -> memref<128xi32, #tpu.memory_space<vmem>>
      %dma_start3A_220 = arith.constant 0 : i32
      %dma_start3A_221 = tpu.memref_slice %arg4[%add3A_209, %dma_start3A_220] : memref<2560x128xi32, #tpu.memory_space<hbm>> -> memref<1x128xi32, #tpu.memory_space<hbm>>
      %dma_start3A_222 = tpu.memref_squeeze %dma_start3A_221 : memref<1x128xi32, #tpu.memory_space<hbm>> -> memref<128xi32, #tpu.memory_space<hbm>>
      tpu.enqueue_dma source(%dma_start3A_222 : memref<128xi32, #tpu.memory_space<hbm>>) target(%dma_start3A_219 : memref<128xi32, #tpu.memory_space<vmem>>) target_semaphore(%arg15 : memref<!tpu.dma_semaphore, #tpu.memory_space<semaphore_mem>>)
      %dma_start3A_223 = arith.constant 0 : i32
      %dma_start3A_224 = tpu.memref_slice %arg8[%min3A_208, %dma_start3A_223] : memref<80x128xi32, #tpu.memory_space<vmem>> -> memref<1x128xi32, #tpu.memory_space<vmem>>
      %dma_start3A_225 = tpu.memref_squeeze %dma_start3A_224 : memref<1x128xi32, #tpu.memory_space<vmem>> -> memref<128xi32, #tpu.memory_space<vmem>>
      %dma_start3A_226 = arith.constant 0 : i32
      %dma_start3A_227 = arith.constant 0 : i32
      %dma_start3A_228 = tpu.memref_slice %arg2[%dma_start3A_226, %dma_start3A_227] : memref<10000x128xf32, #tpu.memory_space<hbm>> -> memref<10000x128xf32, #tpu.memory_space<hbm>>
      tpu.enqueue_indirect_dma source(%dma_start3A_228 : memref<10000x128xf32, #tpu.memory_space<hbm>>) target(%arg11 : memref<128x128xf32, #tpu.memory_space<vmem>>) offsets(%dma_start3A_225 : memref<128xi32, #tpu.memory_space<vmem>>) semaphore(%arg13 : memref<!tpu.dma_semaphore, #tpu.memory_space<semaphore_mem>>)
      %scan3A_229 = arith.constant 0 : i32
      scf.yield %scan3A_229 : i32
    }
    %scan3A_78 = arith.constant 40 : i32
    %dma_wait3A = arith.constant 79 : i32
    %dma_wait3A_79 = arith.constant 0 : i32
    %dma_wait3A_80 = tpu.memref_slice %arg8[%dma_wait3A, %dma_wait3A_79] : memref<80x128xi32, #tpu.memory_space<vmem>> -> memref<1x128xi32, #tpu.memory_space<vmem>>
    %dma_wait3A_81 = tpu.memref_squeeze %dma_wait3A_80 : memref<1x128xi32, #tpu.memory_space<vmem>> -> memref<128xi32, #tpu.memory_space<vmem>>
    %dma_wait3A_82 = arith.constant 0 : i32
    %dma_wait3A_83 = arith.constant 0 : i32
    %dma_wait3A_84 = tpu.memref_slice %arg2[%dma_wait3A_82, %dma_wait3A_83] : memref<10000x128xf32, #tpu.memory_space<hbm>> -> memref<10000x128xf32, #tpu.memory_space<hbm>>
    tpu.wait_indirect_dma semaphore(%arg12 : memref<!tpu.dma_semaphore, #tpu.memory_space<semaphore_mem>>) src(%dma_wait3A_84 : memref<10000x128xf32, #tpu.memory_space<hbm>>) dst(%arg10 : memref<128x128xf32, #tpu.memory_space<vmem>>)
    %add3A_85 = arith.constant 80 : i32
    %add3A_86 = arith.addi %mul3A_2, %add3A_85 : i32
    %sub3A = arith.constant 1 : i32
    %sub3A_87 = arith.subi %add3A_86, %sub3A : i32
    %dma_wait3A_88 = arith.constant 0 : i32
    %dma_wait3A_89 = arith.constant 0 : i32
    %dma_wait3A_90 = tpu.memref_slice %arg9[%dma_wait3A_88, %dma_wait3A_89] : memref<2x128xi32, #tpu.memory_space<vmem>> -> memref<1x128xi32, #tpu.memory_space<vmem>>
    %dma_wait3A_91 = tpu.memref_squeeze %dma_wait3A_90 : memref<1x128xi32, #tpu.memory_space<vmem>> -> memref<128xi32, #tpu.memory_space<vmem>>
    %dma_wait3A_92 = arith.constant 0 : i32
    %dma_wait3A_93 = tpu.memref_slice %arg4[%sub3A_87, %dma_wait3A_92] : memref<2560x128xi32, #tpu.memory_space<hbm>> -> memref<1x128xi32, #tpu.memory_space<hbm>>
    %dma_wait3A_94 = tpu.memref_squeeze %dma_wait3A_93 : memref<1x128xi32, #tpu.memory_space<hbm>> -> memref<128xi32, #tpu.memory_space<hbm>>
    %dma_wait3A_95 = arith.constant 0 : i32
    %dma_wait3A_96 = tpu.memref_slice %arg9[%dma_wait3A_88, %dma_wait3A_95] : memref<2x128xi32, #tpu.memory_space<vmem>> -> memref<1x128xi32, #tpu.memory_space<vmem>>
    %dma_wait3A_97 = tpu.memref_squeeze %dma_wait3A_96 : memref<1x128xi32, #tpu.memory_space<vmem>> -> memref<128xi32, #tpu.memory_space<vmem>>
    %dma_wait3A_98 = arith.constant 0 : i32
    %dma_wait3A_99 = tpu.memref_slice %arg4[%sub3A_87, %dma_wait3A_98] : memref<2560x128xi32, #tpu.memory_space<hbm>> -> memref<1x128xi32, #tpu.memory_space<hbm>>
    %dma_wait3A_100 = tpu.memref_squeeze %dma_wait3A_99 : memref<1x128xi32, #tpu.memory_space<hbm>> -> memref<128xi32, #tpu.memory_space<hbm>>
    tpu.wait_dma2 semaphore(%arg14 : memref<!tpu.dma_semaphore, #tpu.memory_space<semaphore_mem>>) src(%dma_wait3A_100 : memref<128xi32, #tpu.memory_space<hbm>>) dst(%dma_wait3A_97 : memref<128xi32, #tpu.memory_space<vmem>>)
    %dma_wait3A_101 = arith.constant 79 : i32
    %dma_wait3A_102 = arith.constant 0 : i32
    %dma_wait3A_103 = tpu.memref_slice %arg8[%dma_wait3A_101, %dma_wait3A_102] : memref<80x128xi32, #tpu.memory_space<vmem>> -> memref<1x128xi32, #tpu.memory_space<vmem>>
    %dma_wait3A_104 = tpu.memref_squeeze %dma_wait3A_103 : memref<1x128xi32, #tpu.memory_space<vmem>> -> memref<128xi32, #tpu.memory_space<vmem>>
    %dma_wait3A_105 = arith.constant 0 : i32
    %dma_wait3A_106 = arith.constant 0 : i32
    %dma_wait3A_107 = tpu.memref_slice %arg2[%dma_wait3A_105, %dma_wait3A_106] : memref<10000x128xf32, #tpu.memory_space<hbm>> -> memref<10000x128xf32, #tpu.memory_space<hbm>>
    tpu.wait_indirect_dma semaphore(%arg13 : memref<!tpu.dma_semaphore, #tpu.memory_space<semaphore_mem>>) src(%dma_wait3A_107 : memref<10000x128xf32, #tpu.memory_space<hbm>>) dst(%arg11 : memref<128x128xf32, #tpu.memory_space<vmem>>)
    %add3A_108 = arith.constant 80 : i32
    %add3A_109 = arith.addi %mul3A_2, %add3A_108 : i32
    %sub3A_110 = arith.constant 1 : i32
    %sub3A_111 = arith.subi %add3A_109, %sub3A_110 : i32
    %dma_wait3A_112 = arith.constant 1 : i32
    %dma_wait3A_113 = arith.constant 0 : i32
    %dma_wait3A_114 = tpu.memref_slice %arg9[%dma_wait3A_112, %dma_wait3A_113] : memref<2x128xi32, #tpu.memory_space<vmem>> -> memref<1x128xi32, #tpu.memory_space<vmem>>
    %dma_wait3A_115 = tpu.memref_squeeze %dma_wait3A_114 : memref<1x128xi32, #tpu.memory_space<vmem>> -> memref<128xi32, #tpu.memory_space<vmem>>
    %dma_wait3A_116 = arith.constant 0 : i32
    %dma_wait3A_117 = tpu.memref_slice %arg4[%sub3A_111, %dma_wait3A_116] : memref<2560x128xi32, #tpu.memory_space<hbm>> -> memref<1x128xi32, #tpu.memory_space<hbm>>
    %dma_wait3A_118 = tpu.memref_squeeze %dma_wait3A_117 : memref<1x128xi32, #tpu.memory_space<hbm>> -> memref<128xi32, #tpu.memory_space<hbm>>
    %dma_wait3A_119 = arith.constant 0 : i32
    %dma_wait3A_120 = tpu.memref_slice %arg9[%dma_wait3A_112, %dma_wait3A_119] : memref<2x128xi32, #tpu.memory_space<vmem>> -> memref<1x128xi32, #tpu.memory_space<vmem>>
    %dma_wait3A_121 = tpu.memref_squeeze %dma_wait3A_120 : memref<1x128xi32, #tpu.memory_space<vmem>> -> memref<128xi32, #tpu.memory_space<vmem>>
    %dma_wait3A_122 = arith.constant 0 : i32
    %dma_wait3A_123 = tpu.memref_slice %arg4[%sub3A_111, %dma_wait3A_122] : memref<2560x128xi32, #tpu.memory_space<hbm>> -> memref<1x128xi32, #tpu.memory_space<hbm>>
    %dma_wait3A_124 = tpu.memref_squeeze %dma_wait3A_123 : memref<1x128xi32, #tpu.memory_space<hbm>> -> memref<128xi32, #tpu.memory_space<hbm>>
    tpu.wait_dma2 semaphore(%arg15 : memref<!tpu.dma_semaphore, #tpu.memory_space<semaphore_mem>>) src(%dma_wait3A_124 : memref<128xi32, #tpu.memory_space<hbm>>) dst(%dma_wait3A_121 : memref<128xi32, #tpu.memory_space<vmem>>)
    "tpu.trace_stop"() : () -> ()
    "tpu.trace_start"() <{level = 10 : i32, message = "end_barrier"}> : () -> ()
    %barrier3A_125 = arith.constant 0 : index
    tpu.barrier barrier_id(%barrier3A_125)
    %eq3A = arith.constant 0 : i32
    "tpu.trace_stop"() : () -> ()
    "tpu.trace_start"() <{level = 10 : i32, message = "copy_out"}> : () -> ()
    %eq3A_126 = arith.cmpi eq, %arg0, %eq3A : i32
    %convert_element_type3A = arith.extui %eq3A_126 : i1 to i32
    %cond3A = arith.constant 0 : i32
    %cond3A_127 = arith.cmpi ne, %convert_element_type3A, %cond3A : i32
    scf.if %cond3A_127 {
      %mul3A_133 = arith.constant 640 : i32
      %mul3A_134 = arith.muli %arg1, %mul3A_133 : i32
      %mul3A_135 = arith.constant 640 : i32
      %mul3A_136 = arith.muli %arg1, %mul3A_135 : i32
      "tpu.region"() ({
        %run_scoped3A = tpu.sem_alloc : memref<!tpu.dma_semaphore, #tpu.memory_space<semaphore_mem>>
        %dma_start3A_137 = arith.constant 0 : i32
        %dma_start3A_138 = tpu.memref_slice %arg5[%mul3A_136, %dma_start3A_137] : memref<10240x128xf32, #tpu.memory_space<hbm>> -> memref<640x128xf32, #tpu.memory_space<hbm>>
        %dma_start3A_139 = arith.constant 0 : i32
        %dma_start3A_140 = tpu.memref_slice %arg7[%mul3A_134, %dma_start3A_139] : memref<10240x128xf32, #tpu.memory_space<vmem_shared>> -> memref<640x128xf32, #tpu.memory_space<vmem_shared>>
        tpu.enqueue_dma source(%dma_start3A_140 : memref<640x128xf32, #tpu.memory_space<vmem_shared>>) target(%dma_start3A_138 : memref<640x128xf32, #tpu.memory_space<hbm>>) target_semaphore(%run_scoped3A : memref<!tpu.dma_semaphore, #tpu.memory_space<semaphore_mem>>)
        %dma_wait3A_141 = arith.constant 0 : i32
        %dma_wait3A_142 = tpu.memref_slice %arg5[%mul3A_136, %dma_wait3A_141] : memref<10240x128xf32, #tpu.memory_space<hbm>> -> memref<640x128xf32, #tpu.memory_space<hbm>>
        %dma_wait3A_143 = arith.constant 0 : i32
        %dma_wait3A_144 = tpu.memref_slice %arg7[%mul3A_134, %dma_wait3A_143] : memref<10240x128xf32, #tpu.memory_space<vmem_shared>> -> memref<640x128xf32, #tpu.memory_space<vmem_shared>>
        tpu.wait_dma2 semaphore(%run_scoped3A : memref<!tpu.dma_semaphore, #tpu.memory_space<semaphore_mem>>) src(%dma_wait3A_144 : memref<640x128xf32, #tpu.memory_space<vmem_shared>>) dst(%dma_wait3A_142 : memref<640x128xf32, #tpu.memory_space<hbm>>)
        tpu.yield
      }) : () -> ()
    } else {
    }
    %eq3A_128 = arith.constant 1 : i32
    %eq3A_129 = arith.cmpi eq, %arg0, %eq3A_128 : i32
    %convert_element_type3A_130 = arith.extui %eq3A_129 : i1 to i32
    %cond3A_131 = arith.constant 0 : i32
    %cond3A_132 = arith.cmpi ne, %convert_element_type3A_130, %cond3A_131 : i32
    scf.if %cond3A_132 {
      %mul3A_133 = arith.constant 640 : i32
      %mul3A_134 = arith.muli %arg1, %mul3A_133 : i32
      %mul3A_135 = arith.constant 640 : i32
      %mul3A_136 = arith.muli %arg1, %mul3A_135 : i32
      "tpu.region"() ({
        %run_scoped3A = tpu.sem_alloc : memref<!tpu.dma_semaphore, #tpu.memory_space<semaphore_mem>>
        %dma_start3A_137 = arith.constant 0 : i32
        %dma_start3A_138 = tpu.memref_slice %arg6[%mul3A_136, %dma_start3A_137] : memref<10240x128xf32, #tpu.memory_space<hbm>> -> memref<640x128xf32, #tpu.memory_space<hbm>>
        %dma_start3A_139 = arith.constant 0 : i32
        %dma_start3A_140 = tpu.memref_slice %arg7[%mul3A_134, %dma_start3A_139] : memref<10240x128xf32, #tpu.memory_space<vmem_shared>> -> memref<640x128xf32, #tpu.memory_space<vmem_shared>>
        tpu.enqueue_dma source(%dma_start3A_140 : memref<640x128xf32, #tpu.memory_space<vmem_shared>>) target(%dma_start3A_138 : memref<640x128xf32, #tpu.memory_space<hbm>>) target_semaphore(%run_scoped3A : memref<!tpu.dma_semaphore, #tpu.memory_space<semaphore_mem>>)
        %dma_wait3A_141 = arith.constant 0 : i32
        %dma_wait3A_142 = tpu.memref_slice %arg6[%mul3A_136, %dma_wait3A_141] : memref<10240x128xf32, #tpu.memory_space<hbm>> -> memref<640x128xf32, #tpu.memory_space<hbm>>
        %dma_wait3A_143 = arith.constant 0 : i32
        %dma_wait3A_144 = tpu.memref_slice %arg7[%mul3A_134, %dma_wait3A_143] : memref<10240x128xf32, #tpu.memory_space<vmem_shared>> -> memref<640x128xf32, #tpu.memory_space<vmem_shared>>
        tpu.wait_dma2 semaphore(%run_scoped3A : memref<!tpu.dma_semaphore, #tpu.memory_space<semaphore_mem>>) src(%dma_wait3A_144 : memref<640x128xf32, #tpu.memory_space<vmem_shared>>) dst(%dma_wait3A_142 : memref<640x128xf32, #tpu.memory_space<hbm>>)
        tpu.yield
      }) : () -> ()
    } else {
    }
    "tpu.trace_stop"() : () -> ()
    return
  }
}

module attributes {stable_mosaic.version = 14 : i64} {
  func.func @_k1a_body(%arg0: i32, %arg1: memref<1000x128xf32, #tpu.memory_space<vmem>>, %arg2: memref<128x128xf32, #tpu.memory_space<vmem>>, %arg3: memref<1000x128xf32, #tpu.memory_space<vmem>>) attributes {dimension_semantics = [#tpu.dimension_semantics<arbitrary>], iteration_bounds = array<i64: 10>, scalar_prefetch = 0 : i64, scratch_operands = 0 : i64, tpu.core_type = #tpu.core_type<tc>, window_params = [{transform_indices = @transform_0, window_bounds = array<i64: 1000, 128>}, {pipeline_mode = #tpu.pipeline_mode<synchronous>, transform_indices = @transform_1, window_bounds = array<i64: 128, 128>}, {transform_indices = @transform_2, window_bounds = array<i64: 1000, 128>}]} {
    %get3A = arith.constant 0 : index
    %get3A_0 = arith.constant 0 : index
    %get3A_1 = vector.load %arg1[%get3A, %get3A_0] : memref<1000x128xf32, #tpu.memory_space<vmem>>, vector<1000x128xf32>
    %get3A_2 = arith.constant 0 : index
    %get3A_3 = arith.constant 0 : index
    %get3A_4 = vector.load %arg2[%get3A_2, %get3A_3] : memref<128x128xf32, #tpu.memory_space<vmem>>, vector<128x128xf32>
    %dot_general3A = arith.constant dense<0.000000e+00> : vector<1000x128xf32>
    %dot_general3A_5 = tpu.matmul %get3A_1, %get3A_4, %dot_general3A {dimension_numbers = #tpu.dot_dimension_numbers<[1], [0], [0], [1], [0, 0, 1, 1], [], []>, transpose_lhs_hint = false} : vector<1000x128xf32>, vector<128x128xf32>, vector<1000x128xf32> -> vector<1000x128xf32>
    %swap3A = arith.constant 0 : index
    %swap3A_6 = arith.constant 0 : index
    %swap3A_7 = vector.load %arg3[%swap3A, %swap3A_6] : memref<1000x128xf32, #tpu.memory_space<vmem>>, vector<1000x128xf32>
    tpu.vector_store %arg3[%swap3A, %swap3A_6], %dot_general3A_5 {strides = array<i32>} : memref<1000x128xf32, #tpu.memory_space<vmem>>, vector<1000x128xf32>,
    return
  }
  func.func @transform_0(%arg0: i32) -> (i32, i32) {
    %c0_i32 = arith.constant 0 : i32
    %c0_i32_0 = arith.constant 0 : i32
    return %arg0, %c0_i32 : i32, i32
  }
  func.func @transform_1(%arg0: i32) -> (i32, i32) {
    %c0_i32 = arith.constant 0 : i32
    %c0_i32_0 = arith.constant 0 : i32
    %c0_i32_1 = arith.constant 0 : i32
    return %c0_i32, %c0_i32_0 : i32, i32
  }
  func.func @transform_2(%arg0: i32) -> (i32, i32) {
    %c0_i32 = arith.constant 0 : i32
    %c0_i32_0 = arith.constant 0 : i32
    return %arg0, %c0_i32 : i32, i32
  }
}

module attributes {stable_mosaic.version = 14 : i64} {
  func.func @_k1b_body(%arg0: i32, %arg1: memref<1000x128xf32, #tpu.memory_space<vmem>>, %arg2: memref<1000x2xf32, #tpu.memory_space<vmem>>, %arg3: memref<1000x128xf32, #tpu.memory_space<vmem>>) attributes {dimension_semantics = [#tpu.dimension_semantics<arbitrary>], iteration_bounds = array<i64: 10>, scalar_prefetch = 0 : i64, scratch_operands = 0 : i64, tpu.core_type = #tpu.core_type<tc>, window_params = [{transform_indices = @transform_0, window_bounds = array<i64: 1000, 128>}, {transform_indices = @transform_1, window_bounds = array<i64: 1000, 2>}, {transform_indices = @transform_2, window_bounds = array<i64: 1000, 128>}]} {
    %get3A = arith.constant 0 : index
    %get3A_0 = arith.constant 0 : index
    %get3A_1 = vector.load %arg2[%get3A, %get3A_0] : memref<1000x2xf32, #tpu.memory_space<vmem>>, vector<1000x1xf32>
    %get3A_2 = arith.constant 0 : index
    %get3A_3 = arith.constant 1 : index
    %get3A_4 = vector.load %arg2[%get3A_2, %get3A_3] : memref<1000x2xf32, #tpu.memory_space<vmem>>, vector<1000x1xf32>
    %add3A = arith.addf %get3A_1, %get3A_4 : vector<1000x1xf32>
    %add3A_5 = arith.constant 1.000000e+00 : f32
    %add3A_6 = vector.broadcast %add3A_5 : f32 to vector<1000x1xf32>
    %add3A_7 = arith.addf %add3A, %add3A_6 : vector<1000x1xf32>
    %rsqrt3A = math.rsqrt %add3A_7 : vector<1000x1xf32>
    %get3A_8 = arith.constant 0 : index
    %get3A_9 = arith.constant 0 : index
    %get3A_10 = vector.load %arg1[%get3A_8, %get3A_9] : memref<1000x128xf32, #tpu.memory_space<vmem>>, vector<1000x128xf32>
    %mul3A = vector.broadcast %rsqrt3A : vector<1000x1xf32> to vector<1000x128xf32>
    %mul3A_11 = arith.mulf %get3A_10, %mul3A : vector<1000x128xf32>
    %swap3A = arith.constant 0 : index
    %swap3A_12 = arith.constant 0 : index
    %swap3A_13 = vector.load %arg3[%swap3A, %swap3A_12] : memref<1000x128xf32, #tpu.memory_space<vmem>>, vector<1000x128xf32>
    tpu.vector_store %arg3[%swap3A, %swap3A_12], %mul3A_11 {strides = array<i32>} : memref<1000x128xf32, #tpu.memory_space<vmem>>, vector<1000x128xf32>,
    return
  }
  func.func @transform_0(%arg0: i32) -> (i32, i32) {
    %c0_i32 = arith.constant 0 : i32
    %c0_i32_0 = arith.constant 0 : i32
    return %arg0, %c0_i32 : i32, i32
  }
  func.func @transform_1(%arg0: i32) -> (i32, i32) {
    %c0_i32 = arith.constant 0 : i32
    %c0_i32_0 = arith.constant 0 : i32
    return %arg0, %c0_i32 : i32, i32
  }
  func.func @transform_2(%arg0: i32) -> (i32, i32) {
    %c0_i32 = arith.constant 0 : i32
    %c0_i32_0 = arith.constant 0 : i32
    return %arg0, %c0_i32 : i32, i32
  }
}

module attributes {stable_mosaic.version = 14 : i64} {
  func.func @_k3_body(%arg0: i32, %arg1: memref<1000x128xf32, #tpu.memory_space<vmem>>, %arg2: memref<1000x128xf32, #tpu.memory_space<vmem>>, %arg3: memref<1000x128xf32, #tpu.memory_space<vmem>>, %arg4: memref<1000x2xf32, #tpu.memory_space<vmem>>, %arg5: memref<1x128xf32, #tpu.memory_space<vmem>>, %arg6: memref<128x128xf32, #tpu.memory_space<vmem>>, %arg7: memref<1000x128xf32, #tpu.memory_space<vmem>>) attributes {dimension_semantics = [#tpu.dimension_semantics<arbitrary>], iteration_bounds = array<i64: 10>, scalar_prefetch = 0 : i64, scratch_operands = 0 : i64, tpu.core_type = #tpu.core_type<tc>, window_params = [{transform_indices = @transform_0, window_bounds = array<i64: 1000, 128>}, {transform_indices = @transform_1, window_bounds = array<i64: 1000, 128>}, {transform_indices = @transform_2, window_bounds = array<i64: 1000, 128>}, {transform_indices = @transform_3, window_bounds = array<i64: 1000, 2>}, {pipeline_mode = #tpu.pipeline_mode<synchronous>, transform_indices = @transform_4, window_bounds = array<i64: 1, 128>}, {pipeline_mode = #tpu.pipeline_mode<synchronous>, transform_indices = @transform_5, window_bounds = array<i64: 128, 128>}, {transform_indices = @transform_6, window_bounds = array<i64: 1000, 128>}]} {
    %get3A = arith.constant 0 : index
    %get3A_0 = arith.constant 0 : index
    %get3A_1 = vector.load %arg4[%get3A, %get3A_0] : memref<1000x2xf32, #tpu.memory_space<vmem>>, vector<1000x1xf32>
    %get3A_2 = arith.constant 0 : index
    %get3A_3 = arith.constant 1 : index
    %get3A_4 = vector.load %arg4[%get3A_2, %get3A_3] : memref<1000x2xf32, #tpu.memory_space<vmem>>, vector<1000x1xf32>
    %add3A = arith.addf %get3A_1, %get3A_4 : vector<1000x1xf32>
    %add3A_5 = arith.constant 1.000000e+00 : f32
    %add3A_6 = vector.broadcast %add3A_5 : f32 to vector<1000x1xf32>
    %add3A_7 = arith.addf %add3A, %add3A_6 : vector<1000x1xf32>
    %rsqrt3A = math.rsqrt %add3A_7 : vector<1000x1xf32>
    %get3A_8 = arith.constant 0 : index
    %get3A_9 = arith.constant 0 : index
    %get3A_10 = vector.load %arg1[%get3A_8, %get3A_9] : memref<1000x128xf32, #tpu.memory_space<vmem>>, vector<1000x128xf32>
    %get3A_11 = arith.constant 0 : index
    %get3A_12 = arith.constant 0 : index
    %get3A_13 = vector.load %arg2[%get3A_11, %get3A_12] : memref<1000x128xf32, #tpu.memory_space<vmem>>, vector<1000x128xf32>
    %add3A_14 = arith.addf %get3A_10, %get3A_13 : vector<1000x128xf32>
    %get3A_15 = arith.constant 0 : index
    %get3A_16 = arith.constant 0 : index
    %get3A_17 = vector.load %arg3[%get3A_15, %get3A_16] : memref<1000x128xf32, #tpu.memory_space<vmem>>, vector<1000x128xf32>
    %add3A_18 = arith.addf %add3A_14, %get3A_17 : vector<1000x128xf32>
    %mul3A = vector.broadcast %rsqrt3A : vector<1000x1xf32> to vector<1000x128xf32>
    %mul3A_19 = arith.mulf %add3A_18, %mul3A : vector<1000x128xf32>
    %get3A_20 = arith.constant 0 : index
    %get3A_21 = arith.constant 0 : index
    %get3A_22 = vector.load %arg5[%get3A_20, %get3A_21] : memref<1x128xf32, #tpu.memory_space<vmem>>, vector<1x128xf32>
    %add3A_23 = vector.broadcast %get3A_22 : vector<1x128xf32> to vector<1000x128xf32>
    %add3A_24 = arith.addf %mul3A_19, %add3A_23 : vector<1000x128xf32>
    %max3A = arith.constant 0.000000e+00 : f32
    %max3A_25 = vector.broadcast %max3A : f32 to vector<1000x128xf32>
    %max3A_26 = arith.maximumf %add3A_24, %max3A_25 : vector<1000x128xf32>
    %get3A_27 = arith.constant 0 : index
    %get3A_28 = arith.constant 0 : index
    %get3A_29 = vector.load %arg6[%get3A_27, %get3A_28] : memref<128x128xf32, #tpu.memory_space<vmem>>, vector<128x128xf32>
    %dot_general3A = arith.constant dense<0.000000e+00> : vector<1000x128xf32>
    %dot_general3A_30 = tpu.matmul %max3A_26, %get3A_29, %dot_general3A {dimension_numbers = #tpu.dot_dimension_numbers<[1], [0], [0], [1], [0, 0, 1, 1], [], []>, transpose_lhs_hint = false} : vector<1000x128xf32>, vector<128x128xf32>, vector<1000x128xf32> -> vector<1000x128xf32>
    %mul3A_31 = vector.broadcast %rsqrt3A : vector<1000x1xf32> to vector<1000x128xf32>
    %mul3A_32 = arith.mulf %dot_general3A_30, %mul3A_31 : vector<1000x128xf32>
    %swap3A = arith.constant 0 : index
    %swap3A_33 = arith.constant 0 : index
    %swap3A_34 = vector.load %arg7[%swap3A, %swap3A_33] : memref<1000x128xf32, #tpu.memory_space<vmem>>, vector<1000x128xf32>
    tpu.vector_store %arg7[%swap3A, %swap3A_33], %mul3A_32 {strides = array<i32>} : memref<1000x128xf32, #tpu.memory_space<vmem>>, vector<1000x128xf32>,
    return
  }
  func.func @transform_0(%arg0: i32) -> (i32, i32) {
    %c0_i32 = arith.constant 0 : i32
    %c0_i32_0 = arith.constant 0 : i32
    return %arg0, %c0_i32 : i32, i32
  }
  func.func @transform_1(%arg0: i32) -> (i32, i32) {
    %c0_i32 = arith.constant 0 : i32
    %c0_i32_0 = arith.constant 0 : i32
    return %arg0, %c0_i32 : i32, i32
  }
  func.func @transform_2(%arg0: i32) -> (i32, i32) {
    %c0_i32 = arith.constant 0 : i32
    %c0_i32_0 = arith.constant 0 : i32
    return %arg0, %c0_i32 : i32, i32
  }
  func.func @transform_3(%arg0: i32) -> (i32, i32) {
    %c0_i32 = arith.constant 0 : i32
    %c0_i32_0 = arith.constant 0 : i32
    return %arg0, %c0_i32 : i32, i32
  }
  func.func @transform_4(%arg0: i32) -> (i32, i32) {
    %c0_i32 = arith.constant 0 : i32
    %c0_i32_0 = arith.constant 0 : i32
    %c0_i32_1 = arith.constant 0 : i32
    return %c0_i32, %c0_i32_0 : i32, i32
  }
  func.func @transform_5(%arg0: i32) -> (i32, i32) {
    %c0_i32 = arith.constant 0 : i32
    %c0_i32_0 = arith.constant 0 : i32
    %c0_i32_1 = arith.constant 0 : i32
    return %c0_i32, %c0_i32_0 : i32, i32
  }
  func.func @transform_6(%arg0: i32) -> (i32, i32) {
    %c0_i32 = arith.constant 0 : i32
    %c0_i32_0 = arith.constant 0 : i32
    return %arg0, %c0_i32 : i32, i32
  }
}

module attributes {stable_mosaic.version = 14 : i64} {
  func.func @_k5_body(%arg0: i32, %arg1: memref<1000x128xf32, #tpu.memory_space<vmem>>, %arg2: memref<1000x128xf32, #tpu.memory_space<vmem>>, %arg3: memref<1000x128xf32, #tpu.memory_space<vmem>>, %arg4: memref<1000x2xf32, #tpu.memory_space<vmem>>, %arg5: memref<1x128xf32, #tpu.memory_space<vmem>>, %arg6: memref<1000x1xi32, #tpu.memory_space<vmem>>, %arg7: memref<256x128xf32, #tpu.memory_space<vmem>>, %arg8: memref<128x128xf32, #tpu.memory_space<vmem>>, %arg9: memref<1x128xf32, #tpu.memory_space<vmem>>, %arg10: memref<128x128xf32, #tpu.memory_space<vmem>>, %arg11: memref<1x128xf32, #tpu.memory_space<vmem>>, %arg12: memref<128x128xf32, #tpu.memory_space<vmem>>, %arg13: memref<128x128xf32, #tpu.memory_space<vmem>>, %arg14: memref<1x128xf32, #tpu.memory_space<vmem>>, %arg15: memref<256x128xf32, #tpu.memory_space<vmem>>, %arg16: memref<256x128xf32, #tpu.memory_space<vmem>>, %arg17: memref<256x128xf32, #tpu.memory_space<vmem>>) attributes {dimension_semantics = [#tpu.dimension_semantics<arbitrary>], iteration_bounds = array<i64: 10>, scalar_prefetch = 0 : i64, scratch_operands = 2 : i64, tpu.core_type = #tpu.core_type<tc>, window_params = [{transform_indices = @transform_0, window_bounds = array<i64: 1000, 128>}, {transform_indices = @transform_1, window_bounds = array<i64: 1000, 128>}, {transform_indices = @transform_2, window_bounds = array<i64: 1000, 128>}, {transform_indices = @transform_3, window_bounds = array<i64: 1000, 2>}, {pipeline_mode = #tpu.pipeline_mode<synchronous>, transform_indices = @transform_4, window_bounds = array<i64: 1, 128>}, {transform_indices = @transform_5, window_bounds = array<i64: 1000, 1>}, {pipeline_mode = #tpu.pipeline_mode<synchronous>, transform_indices = @transform_6, window_bounds = array<i64: 256, 128>}, {pipeline_mode = #tpu.pipeline_mode<synchronous>, transform_indices = @transform_7, window_bounds = array<i64: 128, 128>}, {pipeline_mode = #tpu.pipeline_mode<synchronous>, transform_indices = @transform_8, window_bounds = array<i64: 1, 128>}, {pipeline_mode = #tpu.pipeline_mode<synchronous>, transform_indices = @transform_9, window_bounds = array<i64: 128, 128>}, {pipeline_mode = #tpu.pipeline_mode<synchronous>, transform_indices = @transform_10, window_bounds = array<i64: 1, 128>}, {pipeline_mode = #tpu.pipeline_mode<synchronous>, transform_indices = @transform_11, window_bounds = array<i64: 128, 128>}, {pipeline_mode = #tpu.pipeline_mode<synchronous>, transform_indices = @transform_12, window_bounds = array<i64: 128, 128>}, {pipeline_mode = #tpu.pipeline_mode<synchronous>, transform_indices = @transform_13, window_bounds = array<i64: 1, 128>}, {pipeline_mode = #tpu.pipeline_mode<synchronous>, transform_indices = @transform_14, window_bounds = array<i64: 256, 128>}]} {
    %eq3A = arith.constant 0 : i32
    %eq3A_0 = arith.cmpi eq, %arg0, %eq3A : i32
    %convert_element_type3A = arith.extui %eq3A_0 : i1 to i32
    %cond3A = arith.constant 0 : i32
    %cond3A_1 = arith.cmpi ne, %convert_element_type3A, %cond3A : i32
    scf.if %cond3A_1 {
      %broadcast_in_dim3A_59 = arith.constant 0.000000e+00 : f32
      %broadcast_in_dim3A_60 = vector.broadcast %broadcast_in_dim3A_59 : f32 to vector<256x128xf32>
      %swap3A_61 = arith.constant 0 : index
      %swap3A_62 = arith.constant 0 : index
      %swap3A_63 = vector.load %arg16[%swap3A_61, %swap3A_62] : memref<256x128xf32, #tpu.memory_space<vmem>>, vector<256x128xf32>
      tpu.vector_store %arg16[%swap3A_61, %swap3A_62], %broadcast_in_dim3A_60 {strides = array<i32>} : memref<256x128xf32, #tpu.memory_space<vmem>>, vector<256x128xf32>,
      %broadcast_in_dim3A_64 = arith.constant 0.000000e+00 : f32
      %broadcast_in_dim3A_65 = vector.broadcast %broadcast_in_dim3A_64 : f32 to vector<256x128xf32>
      %swap3A_66 = arith.constant 0 : index
      %swap3A_67 = arith.constant 0 : index
      %swap3A_68 = vector.load %arg17[%swap3A_66, %swap3A_67] : memref<256x128xf32, #tpu.memory_space<vmem>>, vector<256x128xf32>
      tpu.vector_store %arg17[%swap3A_66, %swap3A_67], %broadcast_in_dim3A_65 {strides = array<i32>} : memref<256x128xf32, #tpu.memory_space<vmem>>, vector<256x128xf32>,
    } else {
    }
    %get3A = arith.constant 0 : index
    %get3A_2 = arith.constant 0 : index
    %get3A_3 = vector.load %arg4[%get3A, %get3A_2] : memref<1000x2xf32, #tpu.memory_space<vmem>>, vector<1000x1xf32>
    %get3A_4 = arith.constant 0 : index
    %get3A_5 = arith.constant 1 : index
    %get3A_6 = vector.load %arg4[%get3A_4, %get3A_5] : memref<1000x2xf32, #tpu.memory_space<vmem>>, vector<1000x1xf32>
    %add3A = arith.addf %get3A_3, %get3A_6 : vector<1000x1xf32>
    %add3A_7 = arith.constant 1.000000e+00 : f32
    %add3A_8 = vector.broadcast %add3A_7 : f32 to vector<1000x1xf32>
    %add3A_9 = arith.addf %add3A, %add3A_8 : vector<1000x1xf32>
    %rsqrt3A = math.rsqrt %add3A_9 : vector<1000x1xf32>
    %get3A_10 = arith.constant 0 : index
    %get3A_11 = arith.constant 0 : index
    %get3A_12 = vector.load %arg1[%get3A_10, %get3A_11] : memref<1000x128xf32, #tpu.memory_space<vmem>>, vector<1000x128xf32>
    %get3A_13 = arith.constant 0 : index
    %get3A_14 = arith.constant 0 : index
    %get3A_15 = vector.load %arg2[%get3A_13, %get3A_14] : memref<1000x128xf32, #tpu.memory_space<vmem>>, vector<1000x128xf32>
    %add3A_16 = arith.addf %get3A_12, %get3A_15 : vector<1000x128xf32>
    %get3A_17 = arith.constant 0 : index
    %get3A_18 = arith.constant 0 : index
    %get3A_19 = vector.load %arg3[%get3A_17, %get3A_18] : memref<1000x128xf32, #tpu.memory_space<vmem>>, vector<1000x128xf32>
    %add3A_20 = arith.addf %add3A_16, %get3A_19 : vector<1000x128xf32>
    %mul3A = vector.broadcast %rsqrt3A : vector<1000x1xf32> to vector<1000x128xf32>
    %mul3A_21 = arith.mulf %add3A_20, %mul3A : vector<1000x128xf32>
    %get3A_22 = arith.constant 0 : index
    %get3A_23 = arith.constant 0 : index
    %get3A_24 = vector.load %arg5[%get3A_22, %get3A_23] : memref<1x128xf32, #tpu.memory_space<vmem>>, vector<1x128xf32>
    %add3A_25 = vector.broadcast %get3A_24 : vector<1x128xf32> to vector<1000x128xf32>
    %add3A_26 = arith.addf %mul3A_21, %add3A_25 : vector<1000x128xf32>
    %max3A = arith.constant 0.000000e+00 : f32
    %max3A_27 = vector.broadcast %max3A : f32 to vector<1000x128xf32>
    %max3A_28 = arith.maximumf %add3A_26, %max3A_27 : vector<1000x128xf32>
    %iota3A = tpu.iota {dimensions = array<i32: 1>} : vector<1000x256xi32>
    %get3A_29 = arith.constant 0 : index
    %get3A_30 = arith.constant 0 : index
    %get3A_31 = vector.load %arg6[%get3A_29, %get3A_30] : memref<1000x1xi32, #tpu.memory_space<vmem>>, vector<1000x1xi32>
    %eq3A_32 = vector.broadcast %get3A_31 : vector<1000x1xi32> to vector<1000x256xi32>
    %eq3A_33 = arith.cmpi eq, %eq3A_32, %iota3A : vector<1000x256xi32>
    %jit3A = arith.constant 1.000000e+00 : f32
    %jit3A_34 = arith.constant 0.000000e+00 : f32
    %broadcast_in_dim3A = vector.broadcast %jit3A : f32 to vector<1000x256xf32>
    %broadcast_in_dim3A_35 = vector.broadcast %jit3A_34 : f32 to vector<1000x256xf32>
    %select_n3A = arith.select %eq3A_33, %broadcast_in_dim3A, %broadcast_in_dim3A_35 : vector<1000x256xi1>, vector<1000x256xf32>
    %get3A_36 = arith.constant 0 : index
    %get3A_37 = arith.constant 0 : index
    %get3A_38 = vector.load %arg16[%get3A_36, %get3A_37] : memref<256x128xf32, #tpu.memory_space<vmem>>, vector<256x128xf32>
    %dot_general3A = arith.constant dense<0.000000e+00> : vector<256x128xf32>
    %dot_general3A_39 = tpu.matmul %select_n3A, %max3A_28, %dot_general3A {dimension_numbers = #tpu.dot_dimension_numbers<[0], [0], [1], [1], [0, 1, 1, 1], [], []>, transpose_lhs_hint = false} : vector<1000x256xf32>, vector<1000x128xf32>, vector<256x128xf32> -> vector<256x128xf32>
    %add3A_40 = arith.addf %get3A_38, %dot_general3A_39 : vector<256x128xf32>
    %swap3A = arith.constant 0 : index
    %swap3A_41 = arith.constant 0 : index
    %swap3A_42 = vector.load %arg16[%swap3A, %swap3A_41] : memref<256x128xf32, #tpu.memory_space<vmem>>, vector<256x128xf32>
    tpu.vector_store %arg16[%swap3A, %swap3A_41], %add3A_40 {strides = array<i32>} : memref<256x128xf32, #tpu.memory_space<vmem>>, vector<256x128xf32>,
    %get3A_43 = arith.constant 0 : index
    %get3A_44 = arith.constant 0 : index
    %get3A_45 = vector.load %arg17[%get3A_43, %get3A_44] : memref<256x128xf32, #tpu.memory_space<vmem>>, vector<256x128xf32>
    %broadcast_in_dim3A_46 = arith.constant 1.000000e+00 : f32
    %broadcast_in_dim3A_47 = vector.broadcast %broadcast_in_dim3A_46 : f32 to vector<1000x128xf32>
    %dot_general3A_48 = arith.constant dense<0.000000e+00> : vector<256x128xf32>
    %dot_general3A_49 = tpu.matmul %select_n3A, %broadcast_in_dim3A_47, %dot_general3A_48 {dimension_numbers = #tpu.dot_dimension_numbers<[0], [0], [1], [1], [0, 1, 1, 1], [], []>, transpose_lhs_hint = false} : vector<1000x256xf32>, vector<1000x128xf32>, vector<256x128xf32> -> vector<256x128xf32>
    %add3A_50 = arith.addf %get3A_45, %dot_general3A_49 : vector<256x128xf32>
    %swap3A_51 = arith.constant 0 : index
    %swap3A_52 = arith.constant 0 : index
    %swap3A_53 = vector.load %arg17[%swap3A_51, %swap3A_52] : memref<256x128xf32, #tpu.memory_space<vmem>>, vector<256x128xf32>
    tpu.vector_store %arg17[%swap3A_51, %swap3A_52], %add3A_50 {strides = array<i32>} : memref<256x128xf32, #tpu.memory_space<vmem>>, vector<256x128xf32>,
    %eq3A_54 = arith.constant 9 : i32
    %eq3A_55 = arith.cmpi eq, %arg0, %eq3A_54 : i32
    %convert_element_type3A_56 = arith.extui %eq3A_55 : i1 to i32
    %cond3A_57 = arith.constant 0 : i32
    %cond3A_58 = arith.cmpi ne, %convert_element_type3A_56, %cond3A_57 : i32
    scf.if %cond3A_58 {
      %get3A_59 = arith.constant 0 : index
      %get3A_60 = arith.constant 0 : index
      %get3A_61 = vector.load %arg16[%get3A_59, %get3A_60] : memref<256x128xf32, #tpu.memory_space<vmem>>, vector<256x128xf32>
      %get3A_62 = arith.constant 0 : index
      %get3A_63 = arith.constant 0 : index
      %get3A_64 = vector.load %arg17[%get3A_62, %get3A_63] : memref<256x128xf32, #tpu.memory_space<vmem>>, vector<256x128xf32>
      %max3A_65 = arith.constant 1.000000e+00 : f32
      %max3A_66 = vector.broadcast %max3A_65 : f32 to vector<256x128xf32>
      %max3A_67 = arith.maximumf %get3A_64, %max3A_66 : vector<256x128xf32>
      %div3A = arith.divf %get3A_61, %max3A_67 : vector<256x128xf32>
      %get3A_68 = arith.constant 0 : index
      %get3A_69 = arith.constant 0 : index
      %get3A_70 = vector.load %arg8[%get3A_68, %get3A_69] : memref<128x128xf32, #tpu.memory_space<vmem>>, vector<128x128xf32>
      %dot_general3A_71 = arith.constant dense<0.000000e+00> : vector<256x128xf32>
      %dot_general3A_72 = tpu.matmul %div3A, %get3A_70, %dot_general3A_71 {dimension_numbers = #tpu.dot_dimension_numbers<[1], [0], [0], [1], [0, 0, 1, 1], [], []>, transpose_lhs_hint = false} : vector<256x128xf32>, vector<128x128xf32>, vector<256x128xf32> -> vector<256x128xf32>
      %get3A_73 = arith.constant 0 : index
      %get3A_74 = arith.constant 0 : index
      %get3A_75 = vector.load %arg9[%get3A_73, %get3A_74] : memref<1x128xf32, #tpu.memory_space<vmem>>, vector<1x128xf32>
      %add3A_76 = vector.broadcast %get3A_75 : vector<1x128xf32> to vector<256x128xf32>
      %add3A_77 = arith.addf %dot_general3A_72, %add3A_76 : vector<256x128xf32>
      %get3A_78 = arith.constant 0 : index
      %get3A_79 = arith.constant 0 : index
      %get3A_80 = vector.load %arg7[%get3A_78, %get3A_79] : memref<256x128xf32, #tpu.memory_space<vmem>>, vector<256x128xf32>
      %get3A_81 = arith.constant 0 : index
      %get3A_82 = arith.constant 0 : index
      %get3A_83 = vector.load %arg10[%get3A_81, %get3A_82] : memref<128x128xf32, #tpu.memory_space<vmem>>, vector<128x128xf32>
      %dot_general3A_84 = arith.constant dense<0.000000e+00> : vector<256x128xf32>
      %dot_general3A_85 = tpu.matmul %get3A_80, %get3A_83, %dot_general3A_84 {dimension_numbers = #tpu.dot_dimension_numbers<[1], [0], [0], [1], [0, 0, 1, 1], [], []>, transpose_lhs_hint = false} : vector<256x128xf32>, vector<128x128xf32>, vector<256x128xf32> -> vector<256x128xf32>
      %get3A_86 = arith.constant 0 : index
      %get3A_87 = arith.constant 0 : index
      %get3A_88 = vector.load %arg11[%get3A_86, %get3A_87] : memref<1x128xf32, #tpu.memory_space<vmem>>, vector<1x128xf32>
      %add3A_89 = vector.broadcast %get3A_88 : vector<1x128xf32> to vector<256x128xf32>
      %add3A_90 = arith.addf %dot_general3A_85, %add3A_89 : vector<256x128xf32>
      %get3A_91 = arith.constant 0 : index
      %get3A_92 = arith.constant 0 : index
      %get3A_93 = vector.load %arg12[%get3A_91, %get3A_92] : memref<128x128xf32, #tpu.memory_space<vmem>>, vector<128x128xf32>
      %dot_general3A_94 = arith.constant dense<0.000000e+00> : vector<256x128xf32>
      %dot_general3A_95 = tpu.matmul %add3A_77, %get3A_93, %dot_general3A_94 {dimension_numbers = #tpu.dot_dimension_numbers<[1], [0], [0], [1], [0, 0, 1, 1], [], []>, transpose_lhs_hint = false} : vector<256x128xf32>, vector<128x128xf32>, vector<256x128xf32> -> vector<256x128xf32>
      %get3A_96 = arith.constant 0 : index
      %get3A_97 = arith.constant 0 : index
      %get3A_98 = vector.load %arg13[%get3A_96, %get3A_97] : memref<128x128xf32, #tpu.memory_space<vmem>>, vector<128x128xf32>
      %dot_general3A_99 = arith.constant dense<0.000000e+00> : vector<256x128xf32>
      %dot_general3A_100 = tpu.matmul %add3A_90, %get3A_98, %dot_general3A_99 {dimension_numbers = #tpu.dot_dimension_numbers<[1], [0], [0], [1], [0, 0, 1, 1], [], []>, transpose_lhs_hint = false} : vector<256x128xf32>, vector<128x128xf32>, vector<256x128xf32> -> vector<256x128xf32>
      %add3A_101 = arith.addf %dot_general3A_95, %dot_general3A_100 : vector<256x128xf32>
      %get3A_102 = arith.constant 0 : index
      %get3A_103 = arith.constant 0 : index
      %get3A_104 = vector.load %arg14[%get3A_102, %get3A_103] : memref<1x128xf32, #tpu.memory_space<vmem>>, vector<1x128xf32>
      %add3A_105 = vector.broadcast %get3A_104 : vector<1x128xf32> to vector<256x128xf32>
      %add3A_106 = arith.addf %add3A_101, %add3A_105 : vector<256x128xf32>
      %swap3A_107 = arith.constant 0 : index
      %swap3A_108 = arith.constant 0 : index
      %swap3A_109 = vector.load %arg15[%swap3A_107, %swap3A_108] : memref<256x128xf32, #tpu.memory_space<vmem>>, vector<256x128xf32>
      tpu.vector_store %arg15[%swap3A_107, %swap3A_108], %add3A_106 {strides = array<i32>} : memref<256x128xf32, #tpu.memory_space<vmem>>, vector<256x128xf32>,
    } else {
    }
    return
  }
  func.func @transform_0(%arg0: i32) -> (i32, i32) {
    %c0_i32 = arith.constant 0 : i32
    %c0_i32_0 = arith.constant 0 : i32
    return %arg0, %c0_i32 : i32, i32
  }
  func.func @transform_1(%arg0: i32) -> (i32, i32) {
    %c0_i32 = arith.constant 0 : i32
    %c0_i32_0 = arith.constant 0 : i32
    return %arg0, %c0_i32 : i32, i32
  }
  func.func @transform_2(%arg0: i32) -> (i32, i32) {
    %c0_i32 = arith.constant 0 : i32
    %c0_i32_0 = arith.constant 0 : i32
    return %arg0, %c0_i32 : i32, i32
  }
  func.func @transform_3(%arg0: i32) -> (i32, i32) {
    %c0_i32 = arith.constant 0 : i32
    %c0_i32_0 = arith.constant 0 : i32
    return %arg0, %c0_i32 : i32, i32
  }
  func.func @transform_4(%arg0: i32) -> (i32, i32) {
    %c0_i32 = arith.constant 0 : i32
    %c0_i32_0 = arith.constant 0 : i32
    %c0_i32_1 = arith.constant 0 : i32
    return %c0_i32, %c0_i32_0 : i32, i32
  }
  func.func @transform_5(%arg0: i32) -> (i32, i32) {
    %c0_i32 = arith.constant 0 : i32
    %c0_i32_0 = arith.constant 0 : i32
    return %arg0, %c0_i32 : i32, i32
  }
  func.func @transform_6(%arg0: i32) -> (i32, i32) {
    %c0_i32 = arith.constant 0 : i32
    %c0_i32_0 = arith.constant 0 : i32
    %c0_i32_1 = arith.constant 0 : i32
    return %c0_i32, %c0_i32_0 : i32, i32
  }
  func.func @transform_7(%arg0: i32) -> (i32, i32) {
    %c0_i32 = arith.constant 0 : i32
    %c0_i32_0 = arith.constant 0 : i32
    %c0_i32_1 = arith.constant 0 : i32
    return %c0_i32, %c0_i32_0 : i32, i32
  }
  func.func @transform_8(%arg0: i32) -> (i32, i32) {
    %c0_i32 = arith.constant 0 : i32
    %c0_i32_0 = arith.constant 0 : i32
    %c0_i32_1 = arith.constant 0 : i32
    return %c0_i32, %c0_i32_0 : i32, i32
  }
  func.func @transform_9(%arg0: i32) -> (i32, i32) {
    %c0_i32 = arith.constant 0 : i32
    %c0_i32_0 = arith.constant 0 : i32
    %c0_i32_1 = arith.constant 0 : i32
    return %c0_i32, %c0_i32_0 : i32, i32
  }
  func.func @transform_10(%arg0: i32) -> (i32, i32) {
    %c0_i32 = arith.constant 0 : i32
    %c0_i32_0 = arith.constant 0 : i32
    %c0_i32_1 = arith.constant 0 : i32
    return %c0_i32, %c0_i32_0 : i32, i32
  }
  func.func @transform_11(%arg0: i32) -> (i32, i32) {
    %c0_i32 = arith.constant 0 : i32
    %c0_i32_0 = arith.constant 0 : i32
    %c0_i32_1 = arith.constant 0 : i32
    return %c0_i32, %c0_i32_0 : i32, i32
  }
  func.func @transform_12(%arg0: i32) -> (i32, i32) {
    %c0_i32 = arith.constant 0 : i32
    %c0_i32_0 = arith.constant 0 : i32
    %c0_i32_1 = arith.constant 0 : i32
    return %c0_i32, %c0_i32_0 : i32, i32
  }
  func.func @transform_13(%arg0: i32) -> (i32, i32) {
    %c0_i32 = arith.constant 0 : i32
    %c0_i32_0 = arith.constant 0 : i32
    %c0_i32_1 = arith.constant 0 : i32
    return %c0_i32, %c0_i32_0 : i32, i32
  }
  func.func @transform_14(%arg0: i32) -> (i32, i32) {
    %c0_i32 = arith.constant 0 : i32
    %c0_i32_0 = arith.constant 0 : i32
    %c0_i32_1 = arith.constant 0 : i32
    return %c0_i32, %c0_i32_0 : i32, i32
  }
}

</mosaic_0001>

<sc_bundles>
// kernel: kernel.12.cloned.1.call-start
scs
__scs_entry_jumppad:
0x0: {  	(pc) =	sbr.rel $0x88, $3  }
0x1: {  	(tag) =	ssettag $0x0;
	lr =	simm.s32 $0x1  }
0x2: {  	[smem:$0x3F93] =	sst lr;
	_ =	strace $0xD0000000  }
0x3: {  	_ = 	snop  }
0x4: {  	_ = 	snop  }
0x5: {  	_ = 	snop  }
0x6: {  	_ = 	snop  }
0x7: {  	_ = 	snop  }
__scs_overlays_trampoline_lowered:
0x8: {  	[smem:$0x3FA2] =	sst s0  }
0x9: {  	[smem:$0x3FA3] =	sst s1  }
0xa: {  	[smem:$0x3FA4] =	sst s2  }
0xb: {  	[smem:$0x3FA5] =	sst s3  }
0xc: {  	[smem:$0x3FA6] =	sst s4  }
0xd: {  	[smem:$0x3FA7] =	sst s5  }
0xe: {  	[smem:$0x3FA8] =	sst s6  }
0xf: {  	[smem:$0x3FA9] =	sst s7  }
0x10: {  	[smem:$0x3FAA] =	sst s8  }
0x11: {  	[smem:$0x3FAB] =	sst s9;
	s0 =	simm.s32 @!p0 $0x0  }
0x12: {  	s1 =	sld [smem:$0x3F91];
	s0 =	simm.s32 @p0 $0x1  }
0x13: {  	[smem:$0x3FAC] =	sst s0;
	s0 =	simm.s32 @!p1 $0x0  }
0x14: {  	s2 =	sld [smem:$0x3F90];
	s0 =	simm.s32 @p1 $0x1  }
0x15: {  	[smem:$0x3FAD] =	sst s0;
	s0 =	simm.s32 @!p2 $0x0  }
0x16: {  	s3 =	sld [smem:$0x3FDB];
	s0 =	simm.s32 @p2 $0x1  }
0x17: {  	s4 =	simm.s32 $0x1BF5;
	[smem:$0x3FAF] =	sst s0  }
0x18: {  	s0 =	sld [smem:$0x3F92];
	_ =	swait.ge [sflag:s4], $0x0  }
0x19: {  	s7 =	sld [smem:$0x3F93]  }
0x1a: {  	s8 =	sadd.s32 $0xFFFFE003, lr  }
0x1b: {  	s9 =	sadd.s32 $0xFFFFFEF7, lr;
	s5 =	simm.s32 $0xFFFFFFFF;
	p2 =	slt.u32 s8, $0xFFFFF086  }
0x1c: {  	p1 =	slt.u32 s9, $0xF7A;
	s5 =	simm.s32 @!p2 $0x0  }
0x1d: {  	s5 =	simm.s32 @p1 $0x1;
	p0 =	seq.s32 s7, s2  }
0x1e: {  	s7 =	smul.u32 @!p0 $0xF7A, s2;
	p2 =	seq.s32 @!p0 s5, $0x0  }
0x1f: {  	s9 =	smul.u32 $0xF7A, s1;
	s8 =	simm.s32 @!p0 $0x1BF5;
	p2 =	por !p2, p0  }
0x20: {  	[sflag:s8] =	ssyncset.s32 @!p0 $0xFFFFF086;
	s6 =	sadd.s32 @!p0 s3, s7;
	s7 =	simm.s32 @!p0 $0x108  }
0x21: {  	s3 =	sadd.s32 s3, s9;
	s6 =	sadd.s32 @!p0 $0x88, s6;
	s7 =	simm.s32 @p2 $0x1082  }
0x22: {  	[simem:s7], [sflag:s8] =	dma.local @!p0 [hbm:s6], $0xF7A  }
0x23: {  	s9 =	sor.u32 $0xD0000000, s2;
	s6 =	simm.s32 $0x108;
	_ =	swait.ge @!p0 [sflag:s8], $0x0  }
0x24: {  	s3 =	sadd.s32 $0x88, s3;
	s6 =	simm.s32 @!p1 $0x1082;
	[sflag:s4] =	ssyncset.s32 $0xFFFFF086  }
0x25: {  	[simem:s6], [sflag:s4] =	dma.local [hbm:s3], $0xF7A  }
0x26: {  	[smem:$0x3F93] =	sst s1;
	(tag) =	ssettag s2;
	_ =	strace s9  }
0x27: {  	s1 =	sld [smem:$0x3FA3]  }
0x28: {  	s2 =	sld [smem:$0x3FA4]  }
0x29: {  	s4 =	sld [smem:$0x3FA6]  }
0x2a: {  	p0 =	seq.s32 s5, $0x0;
	s5 =	sld [smem:$0x3FA7]  }
0x2b: {  	s6 =	sld [smem:$0x3FA8]  }
0x2c: {  	s7 =	sld [smem:$0x3FA9]  }
0x2d: {  	s3 =	simm.s32 $0x108;
	s8 =	sld [smem:$0x3FAA]  }
0x2e: {  	s3 =	simm.s32 @!p0 $0x1082;
	s9 =	sld [smem:$0x3FAB]  }
0x2f: {  	lr =	sadd.s32 s0, s3;
	s0 =	sld [smem:$0x3FA2]  }
0x30: {  	s3 =	sld [smem:$0x3FA5]  }
0x31: {  	[smem:$0x3FAE] =	sst s10  }
0x32: {  	s10 =	sld [smem:$0x3FAC];
	_ =	sdelay $0x3  }
0x33: {  	p0 =	seq.s32 s10, $0x1;
	s10 =	sld [smem:$0x3FAE];
	_ =	sdelay $0x3  }
0x34: {  	[smem:$0x3FAE] =	sst s10  }
0x35: {  	s10 =	sld [smem:$0x3FAD];
	_ =	sdelay $0x3  }
0x36: {  	p1 =	seq.s32 s10, $0x1;
	s10 =	sld [smem:$0x3FAE];
	_ =	sdelay $0x3  }
0x37: {  	[smem:$0x3FAE] =	sst s10  }
0x38: {  	s10 =	sld [smem:$0x3FAF]  }
0x39: {  	_ = 	snop;
	(pc) =	sbr.ind lr, $3  }
0x3a: {  	_ = 	snop  }
0x3b: {  	_ = 	snop  }
0x3c: {  	p2 =	seq.s32 s10, $0x1;
	s10 =	sld [smem:$0x3FAE]  }
0x3d: {  	_ =	shalt  }
0x3e: {  	_ =	shalt  }
0x3f: {  	_ =	shalt  }
0x40: {  	_ =	shalt  }
0x41: {  	_ =	shalt  }
0x42: {  	_ =	shalt  }
0x43: {  	_ =	shalt  }
0x44: {  	_ =	shalt  }
0x45: {  	_ =	shalt  }
0x46: {  	_ =	shalt  }
0x47: {  	_ =	shalt  }
0x48: {  	_ =	shalt  }
0x49: {  	_ =	shalt  }
0x4a: {  	_ =	shalt  }
0x4b: {  	_ =	shalt  }
0x4c: {  	_ =	shalt  }
0x4d: {  	_ =	shalt  }
0x4e: {  	_ =	shalt  }
0x4f: {  	_ =	shalt  }
0x50: {  	_ =	shalt  }
0x51: {  	_ =	shalt  }
0x52: {  	_ =	shalt  }
0x53: {  	_ =	shalt  }
0x54: {  	_ =	shalt  }
0x55: {  	_ =	shalt  }
0x56: {  	_ =	shalt  }
0x57: {  	_ =	shalt  }
0x58: {  	_ =	shalt  }
0x59: {  	_ =	shalt  }
0x5a: {  	_ =	shalt  }
0x5b: {  	_ =	shalt  }
0x5c: {  	_ =	shalt  }
0x5d: {  	_ =	shalt  }
0x5e: {  	_ =	shalt  }
0x5f: {  	_ =	shalt  }
0x60: {  	_ =	shalt  }
0x61: {  	_ =	shalt  }
0x62: {  	_ =	shalt  }
0x63: {  	_ =	shalt  }
0x64: {  	_ =	shalt  }
0x65: {  	_ =	shalt  }
0x66: {  	_ =	shalt  }
0x67: {  	_ =	shalt  }
0x68: {  	_ =	shalt  }
0x69: {  	_ =	shalt  }
0x6a: {  	_ =	shalt  }
0x6b: {  	_ =	shalt  }
0x6c: {  	_ =	shalt  }
0x6d: {  	_ =	shalt  }
0x6e: {  	_ =	shalt  }
0x6f: {  	_ =	shalt  }
0x70: {  	_ =	shalt  }
0x71: {  	_ =	shalt  }
0x72: {  	_ =	shalt  }
0x73: {  	_ =	shalt  }
0x74: {  	_ =	shalt  }
0x75: {  	_ =	shalt  }
0x76: {  	_ =	shalt  }
0x77: {  	_ =	shalt  }
0x78: {  	_ =	shalt  }
0x79: {  	_ =	shalt  }
0x7a: {  	_ =	shalt  }
0x7b: {  	_ =	shalt  }
0x7c: {  	_ =	shalt  }
0x7d: {  	_ =	shalt  }
0x7e: {  	_ =	shalt  }
0x7f: {  	_ =	shalt  }
0x80: {  	_ =	shalt  }
0x81: {  	_ =	shalt  }
0x82: {  	_ =	shalt  }
0x83: {  	_ =	shalt  }
0x84: {  	_ =	shalt  }
0x85: {  	_ =	shalt  }
0x86: {  	_ =	shalt  }
0x87: {  	_ =	shalt  }
.Lfunc_end0:
.L_simem_size_0:
called_computation.1_lowered:
.L_overlay_start_0:
0x88: {  	s2 =	sld [smem:$0x3FD9]  }
0x89: {  	s3 =	sld [smem:$0x3FFE];
	_ =	sdelay $0x1  }
0x8a: {  	s1 =	srdreg.scid  }
0x8b: {  	s0 =	sand.u32 $0x1, s1  }
0x8c: {  	s16 =	sshll.u32 s0, $0xA;
	s2 =	sadd.s32 s3, s2  }
0x8d: {  	s2 =	sadd.s32 s2, s16  }
0x8e: {  	[smem:$0x3FBA] =	sst s2  }
0x8f: {  	_ = 	snop  }
0x90: {  	(tm) =	ssettm $0x1  }
0x91: {  	s17 =	sld [smem:$0x3FFB];
	_ =	sdelay $0x3  }
0x92: {  	_ =	strace s17  }
0x93: {  	s2 =	sld [smem:$0x3FFC];
	_ =	sdelay $0x3  }
0x94: {  	_ =	strace s2  }
0x95: {  	s2 =	sld [smem:$0x3FFD];
	_ =	sdelay $0x3  }
0x96: {  	_ =	strace s2  }
0x97: {  	_ =	strace $0x8FFFFFFF  }
0x98: {  	s18 =	sld [smem:$0x3FDB];
	_ =	sdelay $0x1  }
0x99: {  	s19 =	simm.s32 $_scs_section_size  }
0x9a: {  	s4 =	simm.s32 $_size__tile_overlayer_lowered;
	s5 =	simm.s32 $_tile_overlayer_lowered  }
0x9b: {  	s22 =	simm.s32 $0x1BFF;
	s21 =	sshll.u32 s5, $0x1;
	s2 =	sadd.s32 s19, s18  }
0x9c: {  	s6 =	simm.s32 $0x0;
	s20 =	sshll.u32 s4, $0x1;
	s4 =	sadd.s32 s21, s2  }
0x9d: {  	[timem:s6], [sflag:s22] =	dma.local [hbm:s4], s20  }
0x9e: {  	_ =	swait.ge [sflag:s22], s20  }
0x9f: {  	s3 =	ssub.s32 $0x0, s20;
	[sflag:s22] =	ssyncset.done $0x0  }
0xa0: {  	[sflag:s22] =	ssyncadd.s32 s3;
	_ =	sdelay $0x1  }
0xa1: {  	s23 =	simm.s32 $0x1B8B  }
0xa2: {  	_ =	swait.ge [sflag:s23], $0x1  }
0xa3: {  	[sflag:s23] =	ssyncset.done $0x0  }
0xa4: {  	s25 =	simm.s32 $0x1B8E;
	s24 =	sld [smem:$0x3FFE];
	[sflag:s23] =	ssyncadd.s32 $0xFFFFFFFF  }
0xa5: {  	s26 =	simm.s32 $execute0_lowered;
	[smem:$0x3FD2] =	sst s25  }
0xa6: {  	s4 =	sshll.u32 s26, $0x1;
	_ =	strace $0x80000049;
	[dreg:$0x1] =	wrdreg $0xFFFFFFFF  }
0xa7: {  	s28 =	simm.s32 $_size_execute0_lowered;
	s2 =	sadd.s32 s2, s4;
	[dreg:$0x0] =	wrdreg $0x0  }
0xa8: {  	s4 =	sshll.u32 s28, $0x1;
	[dreg:$0x2] =	wrdreg s2  }
0xa9: {  	[dreg:$0x3] =	wrdreg s4  }
0xaa: {  	[dreg:$0x4] =	wrdreg $0xC0  }
0xab: {  	_ =	task [dreg:s6], $0x5FFFF  }
0xac: {  	[dreg:$0x1] =	wrdreg $0xFFFFFFFF  }
0xad: {  	[dreg:$0x0] =	wrdreg $0x60  }
0xae: {  	[dreg:$0x2] =	wrdreg s24  }
0xaf: {  	[dreg:$0x3] =	wrdreg $0x0  }
0xb0: {  	[dreg:$0x4] =	wrdreg $0x9  }
0xb1: {  	_ =	task.clear_ibuf [dreg:s6], $0x5FFFF;
	_ =	strace $0x90000049  }
0xb2: {  	s29 =	simm.s32 $0x9;
	_ =	strace $0x8000004F  }
0xb3: {  	_ =	swait.ge [sflag:s29], $0x1  }
0xb4: {  	[sflag:s29] =	ssyncadd.s32 $0xFFFFFFFF  }
0xb5: {  	_ =	strace $0x9000004F  }
0xb6: {  	_ =	sfence  }
0xb7: {  	s30 =	sld [smem:$0x0];
	_ =	sdelay $0x2  }
0xb8: {  	s31 =	sshll.u32 s1, $0xD;
	s1 =	sshrl.u32 s1, $0x2  }
0xb9: {  	s3 =	sand.u32 $0x4000, s31;
	s1 =	sadd.s32 s1, s30  }
0xba: {  	s0 =	sor.u32 s3, s0;
	s1 =	sshll.u32 s1, $0x11  }
0xbb: {  	s0 =	sor.u32 s1, s0  }
0xbc: {  	s0 =	sadd.s32 $0x8F2B, s0  }
0xbd: {  	[sflag:s0] =	ssyncadd.remote.s32 $0x1  }
0xbe: {  	_ =	sfence.sel $0xFFFF  }
0xbf: {  	[dreg:$0x0] =	wrdreg $0xFFFFFFFF;
	(pc) =	sbr.abs _section_cstart, $3  }
0xc0: {  	[dreg:$0x1] =	wrdreg $0xFFFFFFFF  }
0xc1: {  	_ =	task.clear_ibuf [dreg:s6], $0x2FFFF;
	_ =	strace $0x9FFFFFFF  }
0xc2: {  	(tm) =	ssettm $0x7FFFFFFF  }
0xc3: {  	_ =	shalt  }
tec
execute0_lowered:
.L_overlay_start_1:
0x0: {  	(tag) =	ssettag $0x1  }
0x1: {  	s0 =	srdreg.scid;
	s1 =	rddreg [dreg:$0x0]  }
0x2: {  	s2 =	rddreg [dreg:$0x1];
	s11 =	stileid.u32  }
0x3: {  	s3 =	simm.s32 $0x0;
	s19 =	simm.s32 $0x14000;
	s20 =	simm.s32 $0x5  }
0x4: {  	s28 =	simm.s32 $0x1;
	s29 =	simm.s32 $0x3;
	s30 =	simm.s32 $0x2  }
0x5: {  	s31 =	simm.s32 $0x4;
	s0 =	sand.u32 $0x1, s0;
	s7 =	smul.u32 $0x50000, s11  }
0x6: {  	[smem:$0x7FF] =	sst s3;
	s5 =	sadd.s32 $0x4E00, s1;
	s25 =	smul.u32 $0x2800, s11  }
0x7: {  	s18 =	smul.u32 $0x500, s11;
	s4 =	sshll.u32 s0, $0x4;
	_ =	strace $0x8000004A  }
0x8: {  	s9 =	ssub.s32 $0x2, s0;
	p0 =	seq.s32 s0, $0x1;
	s7 =	sshrl.u32 s7, $0x2  }
0x9: {  	s0 =	smul.u32 $0x5000, s0;
	s4 =	sor.u32 s11, s4;
	s7 =	sadd.s32 s7, s2  }
0xa: {  	s10 =	sshrl.u32 s9, $0x1;
	s6 =	smul.u32 $0x500, s4;
	s21 =	sadd.s32 $0x4000, s7  }
0xb: {  	s4 =	sadd.s32 $0x40E00, s1;
	s22 =	sadd.s32 $0x8000, s7;
	[dreg:$0x4] =	wrdreg s21  }
0xc: {  	s14 =	ssub.s32 s9, s10;
	s23 =	sadd.s32 $0xC000, s7;
	[dreg:$0x5] =	wrdreg s22  }
0xd: {  	s18 =	sadd.s32 s18, s0;
	s24 =	sadd.s32 $0x10000, s7;
	[dreg:$0x6] =	wrdreg s23  }
0xe: {  	s14 =	smax.u32 s14, $0x1;
	s8 =	sadd.s32 s6, s1;
	[dreg:$0x7] =	wrdreg s24  }
0xf: {  	s12 =	sadd.s32 s5, s6;
	s21 =	simm.s32 $0x16900;
	s22 =	simm.s32 $0x16800  }
0x10: {  	s23 =	simm.s32 $0x80;
	s24 =	simm.s32 $0x16880;
	s8 =	sadd.s32 $0xEE00, s8  }
0x11: {  	s26 =	sadd.s32 $0x10, s12;
	[dreg:$0x3] =	wrdreg s8;
	s8 =	simm.s32 $0x90000  }
0x12: {  	s15 =	sadd.s32 $0x4F0, s12;
	s16 =	sadd.s32 $0x4E0, s12;
	s8 =	simm.s32 @!p0 $0x68000  }
0x13: {  	[dreg:$0x8] =	wrdreg s26;
	s26 =	simm.s32 $0x1A900;
	s1 =	sadd.s32 s8, s1  }
0x14: {  	v0 =	vimm.f32 $0.0e+00;
	s17 =	sadd.s32 s1, s25;
	s1 =	simm.s32 $0x16780;
	s25 =	simm.s32 $0x0  }
.LBB2_1:
0x15: {  	s0 =	rddreg [dreg:$0x3]  }
0x16: {  	[tilespmem:s19], [sflag:$0x5] =	stream.linear.gather [hbm4b:s0+s3], $0x2800, $0x38;
	[tilespmem:$0x1E900] =	vst v63  }
0x17: {  	_ =	swait.ge [sflag:s20], $0x2800  }
0x18: {  	s13 =	sand.u32 $0xFE00, s3;
	s6 =	sand.u32 $0x70, s3;
	[sflag:s20] =	ssyncset.done $0x0  }
0x19: {  	s8 =	sshrl.u32 s13, $0x2;
	s0 =	simm.s32 $0x40;
	[sflag:s20] =	ssyncadd.s32 $0xFFFFD800  }
0x1a: {  	s8 =	sor.u32 s6, s8;
	s6 =	simm.s32 $0x0;
	_ =	strace $0x8000004B  }
.LBB2_2:
0x1b: {  	p0 =	sne.s32 s0, $0xFFC0  }
0x1c: {  	[tilespmem:s8+$0x16900] =	vst v0;
	s6 =	sadd.s32 $0x10, s6;
	s8 =	smov.u32 s0;
	s0 =	sadd.s32 $0x40, s0  }
.Ltmp0:
0x1d: {  	(pc) =	sbr.rel @p0 .LBB2_2-.Ltmp0, $4  }
0x1e: {  	_ = 	snop  }
0x1f: {  	s8 =	sand.u32 $0xFE00, s8  }
0x20: {  	s9 =	sand.u32 $0x70, s6;
	s8 =	sshrl.u32 s8, $0x2  }
0x21: {  	s8 =	sor.u32 s9, s8  }
0x22: {  	[tilespmem:s8+$0x16900] =	vst v0  }
0x23: {  	[spmem:s7] =	stream.linear.scatter [tilespmem:s21], [sflag:$0x5], $0x4000, $0x200038;
	[tilespmem:$0x1E900] =	vst v63  }
0x24: {  	_ =	swait.ge [sflag:s20], $0x4000  }
0x25: {  	[sflag:s20] =	ssyncset.done $0x0  }
0x26: {  	s0 =	rddreg [dreg:$0x4];
	[sflag:s20] =	ssyncadd.s32 $0xFFFFC000  }
0x27: {  	[spmem:s0] =	stream.linear.scatter [tilespmem:s21], [sflag:$0x5], $0x4000, $0x200038;
	[tilespmem:$0x1E900] =	vst v63  }
0x28: {  	_ =	swait.ge [sflag:s20], $0x4000  }
0x29: {  	[sflag:s20] =	ssyncset.done $0x0  }
0x2a: {  	s10 =	rddreg [dreg:$0x5];
	[sflag:s20] =	ssyncadd.s32 $0xFFFFC000  }
0x2b: {  	[spmem:s10] =	stream.linear.scatter [tilespmem:s21], [sflag:$0x5], $0x4000, $0x200038;
	[tilespmem:$0x1E900] =	vst v63  }
0x2c: {  	_ =	swait.ge [sflag:s20], $0x4000  }
0x2d: {  	[sflag:s20] =	ssyncset.done $0x0  }
0x2e: {  	s11 =	rddreg [dreg:$0x6];
	[sflag:s20] =	ssyncadd.s32 $0xFFFFC000  }
0x2f: {  	[spmem:s11] =	stream.linear.scatter [tilespmem:s21], [sflag:$0x5], $0x4000, $0x200038;
	[tilespmem:$0x1E900] =	vst v63  }
0x30: {  	_ =	swait.ge [sflag:s20], $0x4000  }
0x31: {  	[sflag:s20] =	ssyncset.done $0x0  }
0x32: {  	s13 =	rddreg [dreg:$0x7];
	[sflag:s20] =	ssyncadd.s32 $0xFFFFC000  }
0x33: {  	[spmem:s13] =	stream.linear.scatter [tilespmem:s21], [sflag:$0x5], $0x4000, $0x200038;
	[tilespmem:$0x1E900] =	vst v63  }
0x34: {  	_ =	swait.ge [sflag:s20], $0x4000  }
0x35: {  	[sflag:s20] =	ssyncset.done $0x0  }
0x36: {  	[sflag:s20] =	ssyncadd.s32 $0xFFFFC000  }
0x37: {  	_ =	strace $0x9000004B  }
0x38: {  	[tilespmem:s22], [sflag:$0x3] =	stream.linear.gather [hbm4b:s12+s3], $0x80, $0x38;
	[tilespmem:$0x1E900] =	vst v63  }
0x39: {  	_ = 	snop  }
0x3a: {  	[tilespmem:s21], [sflag:$0x1] =	stream.indirect.gather [hbm4b:s4+s23], $0x80, s19, s23, $0xb8;
	[tilespmem:$0x1E900] =	vst v63  }
0x3b: {  	s6 =	rddreg [dreg:$0x8]  }
0x3c: {  	[tilespmem:s24], [sflag:$0x4] =	stream.linear.gather [hbm4b:s6+s3], $0x80, $0x38;
	[tilespmem:$0x1E900] =	vst v63  }
0x3d: {  	s8 =	simm.s32 $0x14080  }
0x3e: {  	[tilespmem:s26], [sflag:$0x2] =	stream.indirect.gather [hbm4b:s4+s23], $0x80, s8, s23, $0xb8;
	[tilespmem:$0x1E900] =	vst v63  }
0x3f: {  	[bflag:$0x0] =	sbarrier.arrive $0xFFFF  }
0x40: {  	_ =	strace $0x8000004C  }
0x41: {  	_ =	swait.ge [sflag:s28], $0x4000  }
0x42: {  	[sflag:s28] =	ssyncset.done $0x0  }
0x43: {  	[sflag:s28] =	ssyncadd.s32 $0xFFFFC000  }
0x44: {  	_ =	swait.ge [sflag:s29], $0x80  }
0x45: {  	[sflag:s29] =	ssyncset.done $0x0  }
0x46: {  	s9 =	sadd.s32 $0x30, s18;
	s6 =	simm.s32 $0x20;
	[sflag:s29] =	ssyncadd.s32 $0xFFFFFF80  }
0x47: {  	[spmem:s2] =	stream.indirect.scatter.add.f32 [tilespmem:s21], [sflag:$0x5], $0x80, s22, s23, $0x2000b8;
	[tilespmem:$0x1E900] =	vst v63  }
0x48: {  	s10 =	sadd.s32 $0xFFFFFFF0, s9;
	s6 =	sand.u32 $0x60, s6;
	_ =	swait.ge [sflag:s20], $0x4000  }
0x49: {  	s8 =	sand.u32 $0xFFFFF80, s10;
	s6 =	sadd.s32 s5, s6;
	[sflag:s20] =	ssyncset.done $0x0  }
0x4a: {  	s6 =	sadd.s32 s8, s6;
	[sflag:s20] =	ssyncadd.s32 $0xFFFFC000  }
0x4b: {  	[tilespmem:s22], [sflag:$0x3] =	stream.linear.gather [hbm4b:s6+s3], $0x80, $0x200038;
	[tilespmem:$0x1E900] =	vst v63  }
0x4c: {  	s11 =	simm.s32 $0x14100  }
0x4d: {  	[tilespmem:s21], [sflag:$0x1] =	stream.indirect.gather [hbm4b:s4+s23], $0x80, s11, s23, $0x2000b8;
	[tilespmem:$0x1E900] =	vst v63  }
0x4e: {  	_ =	swait.ge [sflag:s30], $0x4000  }
0x4f: {  	[sflag:s30] =	ssyncset.done $0x0  }
0x50: {  	[sflag:s30] =	ssyncadd.s32 $0xFFFFC000  }
0x51: {  	_ =	swait.ge [sflag:s31], $0x80  }
0x52: {  	[sflag:s31] =	ssyncset.done $0x0  }
0x53: {  	s13 =	simm.s32 $0x30;
	[sflag:s31] =	ssyncadd.s32 $0xFFFFFF80  }
0x54: {  	[spmem:s2] =	stream.indirect.scatter.add.f32 [tilespmem:s26], [sflag:$0x5], $0x80, s24, s23, $0x2000b8;
	[tilespmem:$0x1E900] =	vst v63  }
0x55: {  	s6 =	sand.u32 $0x70, s13;
	_ =	swait.ge [sflag:s20], $0x4000  }
0x56: {  	s0 =	sand.u32 $0xFFFFF80, s9;
	s6 =	sadd.s32 s5, s6;
	[sflag:s20] =	ssyncset.done $0x0  }
0x57: {  	s0 =	sadd.s32 s0, s6;
	[sflag:s20] =	ssyncadd.s32 $0xFFFFC000  }
0x58: {  	[tilespmem:s24], [sflag:$0x4] =	stream.linear.gather [hbm4b:s0+s3], $0x80, $0x200038;
	[tilespmem:$0x1E900] =	vst v63  }
0x59: {  	s8 =	simm.s32 $0x14280;
	s6 =	simm.s32 $0x50;
	s0 =	simm.s32 $0x14180  }
.LBB2_4:
0x5a: {  	[tilespmem:s26], [sflag:$0x2] =	stream.indirect.gather [hbm4b:s4+s23], $0x80, s0, s23, $0x2000b8;
	[tilespmem:$0x1E900] =	vst v63  }
0x5b: {  	s9 =	smov.u32 s6;
	s0 =	smov.u32 s8  }
0x5c: {  	p0 =	sne.s32 s6, $0x4D0;
	s6 =	sadd.s32 $0x20, s6;
	_ =	swait.ge [sflag:s28], $0x4000  }
0x5d: {  	[sflag:s28] =	ssyncset.done $0x0  }
0x5e: {  	[sflag:s28] =	ssyncadd.s32 $0xFFFFC000  }
0x5f: {  	_ =	swait.ge [sflag:s29], $0x80  }
0x60: {  	[sflag:s29] =	ssyncset.done $0x0  }
0x61: {  	s10 =	sadd.s32 s9, s18;
	s11 =	sadd.s32 $0xFFFFFFF0, s9;
	[sflag:s29] =	ssyncadd.s32 $0xFFFFFF80  }
0x62: {  	[spmem:s2] =	stream.indirect.scatter.add.f32 [tilespmem:s21], [sflag:$0x5], $0x80, s22, s23, $0x2000b8;
	[tilespmem:$0x1E900] =	vst v63  }
0x63: {  	s13 =	sadd.s32 $0xFFFFFFF0, s10;
	s11 =	sand.u32 $0x60, s11;
	_ =	swait.ge [sflag:s20], $0x4000  }
0x64: {  	s13 =	sand.u32 $0xFFFFF80, s13;
	s11 =	sadd.s32 s5, s11;
	[sflag:s20] =	ssyncset.done $0x0  }
0x65: {  	s10 =	sand.u32 $0xFFFFF80, s10;
	s11 =	sadd.s32 s13, s11;
	[sflag:s20] =	ssyncadd.s32 $0xFFFFC000  }
0x66: {  	[tilespmem:s22], [sflag:$0x3] =	stream.linear.gather [hbm4b:s11+s3], $0x80, $0x200038;
	[tilespmem:$0x1E900] =	vst v63  }
0x67: {  	s11 =	sadd.s32 $0xFFFFFF80, s8  }
0x68: {  	[tilespmem:s21], [sflag:$0x1] =	stream.indirect.gather [hbm4b:s4+s23], $0x80, s11, s23, $0x2000b8;
	[tilespmem:$0x1E900] =	vst v63  }
0x69: {  	_ =	swait.ge [sflag:s30], $0x4000  }
0x6a: {  	[sflag:s30] =	ssyncset.done $0x0  }
0x6b: {  	[sflag:s30] =	ssyncadd.s32 $0xFFFFC000  }
0x6c: {  	_ =	swait.ge [sflag:s31], $0x80  }
0x6d: {  	[sflag:s31] =	ssyncset.done $0x0  }
0x6e: {  	[sflag:s31] =	ssyncadd.s32 $0xFFFFFF80  }
0x6f: {  	[spmem:s2] =	stream.indirect.scatter.add.f32 [tilespmem:s26], [sflag:$0x5], $0x80, s24, s23, $0x2000b8;
	[tilespmem:$0x1E900] =	vst v63  }
.Ltmp1:
0x70: {  	s9 =	sand.u32 $0x70, s9;
	_ =	swait.ge [sflag:s20], $0x4000;
	(pc) =	sbr.rel @p0 .LBB2_4-.Ltmp1, $4  }
0x71: {  	s9 =	sadd.s32 s5, s9;
	[sflag:s20] =	ssyncset.done $0x0  }
0x72: {  	s9 =	sadd.s32 s10, s9;
	[sflag:s20] =	ssyncadd.s32 $0xFFFFC000  }
0x73: {  	[tilespmem:s24], [sflag:$0x4] =	stream.linear.gather [hbm4b:s9+s3], $0x80, $0x200038;
	[tilespmem:$0x1E900] =	vst v63  }
0x74: {  	s8 =	sadd.s32 $0x100, s8  }
0x75: {  	[tilespmem:s26], [sflag:$0x2] =	stream.indirect.gather [hbm4b:s4+s23], $0x80, s0, s23, $0x2000b8;
	[tilespmem:$0x1E900] =	vst v63  }
0x76: {  	_ =	swait.ge [sflag:s28], $0x4000  }
0x77: {  	[sflag:s28] =	ssyncset.done $0x0  }
0x78: {  	[sflag:s28] =	ssyncadd.s32 $0xFFFFC000  }
0x79: {  	_ =	swait.ge [sflag:s29], $0x80  }
0x7a: {  	[sflag:s29] =	ssyncset.done $0x0  }
0x7b: {  	[sflag:s29] =	ssyncadd.s32 $0xFFFFFF80  }
0x7c: {  	[spmem:s2] =	stream.indirect.scatter.add.f32 [tilespmem:s21], [sflag:$0x5], $0x80, s22, s23, $0x2000b8;
	[tilespmem:$0x1E900] =	vst v63  }
0x7d: {  	_ =	swait.ge [sflag:s20], $0x4000  }
0x7e: {  	[sflag:s20] =	ssyncset.done $0x0  }
0x7f: {  	[sflag:s20] =	ssyncadd.s32 $0xFFFFC000  }
0x80: {  	[tilespmem:s22], [sflag:$0x3] =	stream.linear.gather [hbm4b:s16+s3], $0x80, $0x200038;
	[tilespmem:$0x1E900] =	vst v63  }
0x81: {  	s11 =	simm.s32 $0x16700  }
0x82: {  	[tilespmem:s21], [sflag:$0x1] =	stream.indirect.gather [hbm4b:s4+s23], $0x80, s11, s23, $0x2000b8;
	[tilespmem:$0x1E900] =	vst v63  }
0x83: {  	_ =	swait.ge [sflag:s30], $0x4000  }
0x84: {  	[sflag:s30] =	ssyncset.done $0x0  }
0x85: {  	[sflag:s30] =	ssyncadd.s32 $0xFFFFC000  }
0x86: {  	_ =	swait.ge [sflag:s31], $0x80  }
0x87: {  	[sflag:s31] =	ssyncset.done $0x0  }
0x88: {  	[sflag:s31] =	ssyncadd.s32 $0xFFFFFF80  }
0x89: {  	[spmem:s2] =	stream.indirect.scatter.add.f32 [tilespmem:s26], [sflag:$0x5], $0x80, s24, s23, $0x2000b8;
	[tilespmem:$0x1E900] =	vst v63  }
0x8a: {  	_ =	swait.ge [sflag:s20], $0x4000  }
0x8b: {  	[sflag:s20] =	ssyncset.done $0x0  }
0x8c: {  	[sflag:s20] =	ssyncadd.s32 $0xFFFFC000  }
0x8d: {  	[tilespmem:s24], [sflag:$0x4] =	stream.linear.gather [hbm4b:s15+s3], $0x80, $0x200038;
	[tilespmem:$0x1E900] =	vst v63  }
0x8e: {  	_ = 	snop  }
0x8f: {  	[tilespmem:s26], [sflag:$0x2] =	stream.indirect.gather [hbm4b:s4+s23], $0x80, s1, s23, $0x2000b8;
	[tilespmem:$0x1E900] =	vst v63  }
0x90: {  	_ =	swait.ge [sflag:s28], $0x4000  }
0x91: {  	[sflag:s28] =	ssyncset.done $0x0  }
0x92: {  	[sflag:s28] =	ssyncadd.s32 $0xFFFFC000  }
0x93: {  	_ =	swait.ge [sflag:s29], $0x80  }
0x94: {  	[sflag:s29] =	ssyncset.done $0x0  }
0x95: {  	[sflag:s29] =	ssyncadd.s32 $0xFFFFFF80  }
0x96: {  	[spmem:s2] =	stream.indirect.scatter.add.f32 [tilespmem:s21], [sflag:$0x5], $0x80, s22, s23, $0x2000b8;
	[tilespmem:$0x1E900] =	vst v63  }
0x97: {  	_ =	swait.ge [sflag:s20], $0x4000  }
0x98: {  	[sflag:s20] =	ssyncset.done $0x0  }
0x99: {  	[sflag:s20] =	ssyncadd.s32 $0xFFFFC000  }
0x9a: {  	[tilespmem:s22], [sflag:$0x3] =	stream.linear.gather [hbm4b:s15+s3], $0x80, $0x200038;
	[tilespmem:$0x1E900] =	vst v63  }
0x9b: {  	_ = 	snop  }
0x9c: {  	[tilespmem:s21], [sflag:$0x1] =	stream.indirect.gather [hbm4b:s4+s23], $0x80, s1, s23, $0x2000b8;
	[tilespmem:$0x1E900] =	vst v63  }
0x9d: {  	_ =	swait.ge [sflag:s30], $0x4000  }
0x9e: {  	[sflag:s30] =	ssyncset.done $0x0  }
0x9f: {  	[sflag:s30] =	ssyncadd.s32 $0xFFFFC000  }
0xa0: {  	_ =	swait.ge [sflag:s31], $0x80  }
0xa1: {  	[sflag:s31] =	ssyncset.done $0x0  }
0xa2: {  	[sflag:s31] =	ssyncadd.s32 $0xFFFFFF80  }
0xa3: {  	[spmem:s2] =	stream.indirect.scatter.add.f32 [tilespmem:s26], [sflag:$0x5], $0x80, s24, s23, $0x2000b8;
	[tilespmem:$0x1E900] =	vst v63  }
0xa4: {  	_ =	swait.ge [sflag:s20], $0x4000  }
0xa5: {  	[sflag:s20] =	ssyncset.done $0x0  }
0xa6: {  	[sflag:s20] =	ssyncadd.s32 $0xFFFFC000  }
0xa7: {  	[tilespmem:s24], [sflag:$0x4] =	stream.linear.gather [hbm4b:s15+s3], $0x80, $0x200038;
	[tilespmem:$0x1E900] =	vst v63  }
0xa8: {  	_ = 	snop  }
0xa9: {  	[tilespmem:s26], [sflag:$0x2] =	stream.indirect.gather [hbm4b:s4+s23], $0x80, s1, s23, $0x2000b8;
	[tilespmem:$0x1E900] =	vst v63  }
0xaa: {  	_ =	swait.ge [sflag:s28], $0x4000  }
0xab: {  	[sflag:s28] =	ssyncset.done $0x0  }
0xac: {  	[sflag:s28] =	ssyncadd.s32 $0xFFFFC000  }
0xad: {  	_ =	swait.ge [sflag:s29], $0x80  }
0xae: {  	[sflag:s29] =	ssyncset.done $0x0  }
0xaf: {  	[sflag:s29] =	ssyncadd.s32 $0xFFFFFF80  }
0xb0: {  	_ =	swait.ge [sflag:s30], $0x4000  }
0xb1: {  	[sflag:s30] =	ssyncset.done $0x0  }
0xb2: {  	[sflag:s30] =	ssyncadd.s32 $0xFFFFC000  }
0xb3: {  	_ =	swait.ge [sflag:s31], $0x80  }
0xb4: {  	[sflag:s31] =	ssyncset.done $0x0  }
0xb5: {  	[sflag:s31] =	ssyncadd.s32 $0xFFFFFF80  }
0xb6: {  	_ =	strace $0x9000004C  }
0xb7: {  	_ =	strace $0x8000004D  }
0xb8: {  	s13 =	stileid.u32;
	s6 =	sshrl.u32 s7, $0x3;
	[bflag:$0x0] =	sbarrier.arrive $0xFFFF  }
0xb9: {  	s25 =	sadd.s32 $0x1, s25;
	s0 =	sshll.u32 s13, $0x6;
	_ =	strace $0x9000004D  }
0xba: {  	p0 =	sne.s32 s25, s14;
	s0 =	sor.u32 $0x1C05, s0;
	_ =	strace $0x8000004E  }
0xbb: {  	[hbm:s17], [sflag:s0] =	dma.local [spmem:s6], $0x2800  }
.Ltmp2:
0xbc: {  	_ = 	snop;
	(pc) =	sbr.rel @p0 .LBB2_1-.Ltmp2, $4  }
0xbd: {  	_ =	swait.ge [sflag:s20], $0x2800  }
0xbe: {  	[sflag:s20] =	ssyncset.done $0x0  }
0xbf: {  	[sflag:s20] =	ssyncadd.s32 $0xFFFFD800  }
0xc0: {  	_ =	strace $0x9000004E  }
0xc1: {  	_ =	sfence.sel $0x180000  }
0xc2: {  	[bflag:$0x0] =	sbarrier.arrive $0xFFFF  }
0xc3: {  	_ =	strace $0x9000004A  }
0xc4: {  	s0 =	stileid.u32;
	[bflag:$0x2] =	sbarrier.arrive $0xFFFF  }
0xc5: {  	p0 =	sne.s32 s0, $0x0;
	s0 =	rddreg [dreg:$0x2]  }
0xc6: {  	s0 =	sadd.s32 @!p0 $0x100000, s0  }
0xc7: {  	[sflag:s0] =	ssyncadd.tile.s32 @!p0 $0x1;
	_ =	shalt  }
.Lfunc_end2:
_tile_overlayer_lowered:
.L_overlay_start_2:
0xc8: {  	(tag) =	ssettag $0x2  }
0xc9: {  	s0 =	rddreg [dreg:$0x0];
	s2 =	stileid.u32  }
0xca: {  	s1 =	rddreg [dreg:$0x1];
	p0 =	sne.s32 s2, $0x0  }
0xcb: {  	s3 =	rddreg [dreg:$0x2];
	[bflag:$0x3] =	sbarrier.arrive $0xFFFF;
	s2 =	simm.s32 @!p0 $0x1C05  }
0xcc: {  	[timem:s3], [sflag:s2] =	dma.local @!p0 [hbm:s0], s1  }
0xcd: {  	s0 =	simm.s32 @!p0 $0x5  }
0xce: {  	_ =	swait.ge @!p0 [sflag:s0], s1  }
0xcf: {  	s1 =	ssub.s32 @!p0 $0x0, s1;
	[sflag:s0] =	ssyncset.done @!p0 $0x0  }
0xd0: {  	[sflag:s0] =	ssyncadd.s32 @!p0 s1  }
0xd1: {  	[bflag:$0x3] =	sbarrier.arrive $0xFFFF  }
0xd2: {  	_ =	shalt  }

// kernel: kernel.15.cloned.1.call-start
scs
__scs_entry_jumppad:
0x0: {  	(pc) =	sbr.rel $0x88, $3  }
0x1: {  	(tag) =	ssettag $0x0;
	lr =	simm.s32 $0x1  }
0x2: {  	[smem:$0x3F93] =	sst lr;
	_ =	strace $0xD0000000  }
0x3: {  	_ = 	snop  }
0x4: {  	_ = 	snop  }
0x5: {  	_ = 	snop  }
0x6: {  	_ = 	snop  }
0x7: {  	_ = 	snop  }
__scs_overlays_trampoline_lowered:
0x8: {  	[smem:$0x3FA2] =	sst s0  }
0x9: {  	[smem:$0x3FA3] =	sst s1  }
0xa: {  	[smem:$0x3FA4] =	sst s2  }
0xb: {  	[smem:$0x3FA5] =	sst s3  }
0xc: {  	[smem:$0x3FA6] =	sst s4  }
0xd: {  	[smem:$0x3FA7] =	sst s5  }
0xe: {  	[smem:$0x3FA8] =	sst s6  }
0xf: {  	[smem:$0x3FA9] =	sst s7  }
0x10: {  	[smem:$0x3FAA] =	sst s8  }
0x11: {  	[smem:$0x3FAB] =	sst s9;
	s0 =	simm.s32 @!p0 $0x0  }
0x12: {  	s1 =	sld [smem:$0x3F91];
	s0 =	simm.s32 @p0 $0x1  }
0x13: {  	[smem:$0x3FAC] =	sst s0;
	s0 =	simm.s32 @!p1 $0x0  }
0x14: {  	s2 =	sld [smem:$0x3F90];
	s0 =	simm.s32 @p1 $0x1  }
0x15: {  	[smem:$0x3FAD] =	sst s0;
	s0 =	simm.s32 @!p2 $0x0  }
0x16: {  	s3 =	sld [smem:$0x3FDB];
	s0 =	simm.s32 @p2 $0x1  }
0x17: {  	s4 =	simm.s32 $0x1BF5;
	[smem:$0x3FAF] =	sst s0  }
0x18: {  	s0 =	sld [smem:$0x3F92];
	_ =	swait.ge [sflag:s4], $0x0  }
0x19: {  	s7 =	sld [smem:$0x3F93]  }
0x1a: {  	s8 =	sadd.s32 $0xFFFFE003, lr  }
0x1b: {  	s9 =	sadd.s32 $0xFFFFFEF7, lr;
	s5 =	simm.s32 $0xFFFFFFFF;
	p2 =	slt.u32 s8, $0xFFFFF086  }
0x1c: {  	p1 =	slt.u32 s9, $0xF7A;
	s5 =	simm.s32 @!p2 $0x0  }
0x1d: {  	s5 =	simm.s32 @p1 $0x1;
	p0 =	seq.s32 s7, s2  }
0x1e: {  	s7 =	smul.u32 @!p0 $0xF7A, s2;
	p2 =	seq.s32 @!p0 s5, $0x0  }
0x1f: {  	s9 =	smul.u32 $0xF7A, s1;
	s8 =	simm.s32 @!p0 $0x1BF5;
	p2 =	por !p2, p0  }
0x20: {  	[sflag:s8] =	ssyncset.s32 @!p0 $0xFFFFF086;
	s6 =	sadd.s32 @!p0 s3, s7;
	s7 =	simm.s32 @!p0 $0x108  }
0x21: {  	s3 =	sadd.s32 s3, s9;
	s6 =	sadd.s32 @!p0 $0x88, s6;
	s7 =	simm.s32 @p2 $0x1082  }
0x22: {  	[simem:s7], [sflag:s8] =	dma.local @!p0 [hbm:s6], $0xF7A  }
0x23: {  	s9 =	sor.u32 $0xD0000000, s2;
	s6 =	simm.s32 $0x108;
	_ =	swait.ge @!p0 [sflag:s8], $0x0  }
0x24: {  	s3 =	sadd.s32 $0x88, s3;
	s6 =	simm.s32 @!p1 $0x1082;
	[sflag:s4] =	ssyncset.s32 $0xFFFFF086  }
0x25: {  	[simem:s6], [sflag:s4] =	dma.local [hbm:s3], $0xF7A  }
0x26: {  	[smem:$0x3F93] =	sst s1;
	(tag) =	ssettag s2;
	_ =	strace s9  }
0x27: {  	s1 =	sld [smem:$0x3FA3]  }
0x28: {  	s2 =	sld [smem:$0x3FA4]  }
0x29: {  	s4 =	sld [smem:$0x3FA6]  }
0x2a: {  	p0 =	seq.s32 s5, $0x0;
	s5 =	sld [smem:$0x3FA7]  }
0x2b: {  	s6 =	sld [smem:$0x3FA8]  }
0x2c: {  	s7 =	sld [smem:$0x3FA9]  }
0x2d: {  	s3 =	simm.s32 $0x108;
	s8 =	sld [smem:$0x3FAA]  }
0x2e: {  	s3 =	simm.s32 @!p0 $0x1082;
	s9 =	sld [smem:$0x3FAB]  }
0x2f: {  	lr =	sadd.s32 s0, s3;
	s0 =	sld [smem:$0x3FA2]  }
0x30: {  	s3 =	sld [smem:$0x3FA5]  }
0x31: {  	[smem:$0x3FAE] =	sst s10  }
0x32: {  	s10 =	sld [smem:$0x3FAC];
	_ =	sdelay $0x3  }
0x33: {  	p0 =	seq.s32 s10, $0x1;
	s10 =	sld [smem:$0x3FAE];
	_ =	sdelay $0x3  }
0x34: {  	[smem:$0x3FAE] =	sst s10  }
0x35: {  	s10 =	sld [smem:$0x3FAD];
	_ =	sdelay $0x3  }
0x36: {  	p1 =	seq.s32 s10, $0x1;
	s10 =	sld [smem:$0x3FAE];
	_ =	sdelay $0x3  }
0x37: {  	[smem:$0x3FAE] =	sst s10  }
0x38: {  	s10 =	sld [smem:$0x3FAF]  }
0x39: {  	_ = 	snop;
	(pc) =	sbr.ind lr, $3  }
0x3a: {  	_ = 	snop  }
0x3b: {  	_ = 	snop  }
0x3c: {  	p2 =	seq.s32 s10, $0x1;
	s10 =	sld [smem:$0x3FAE]  }
0x3d: {  	_ =	shalt  }
0x3e: {  	_ =	shalt  }
0x3f: {  	_ =	shalt  }
0x40: {  	_ =	shalt  }
0x41: {  	_ =	shalt  }
0x42: {  	_ =	shalt  }
0x43: {  	_ =	shalt  }
0x44: {  	_ =	shalt  }
0x45: {  	_ =	shalt  }
0x46: {  	_ =	shalt  }
0x47: {  	_ =	shalt  }
0x48: {  	_ =	shalt  }
0x49: {  	_ =	shalt  }
0x4a: {  	_ =	shalt  }
0x4b: {  	_ =	shalt  }
0x4c: {  	_ =	shalt  }
0x4d: {  	_ =	shalt  }
0x4e: {  	_ =	shalt  }
0x4f: {  	_ =	shalt  }
0x50: {  	_ =	shalt  }
0x51: {  	_ =	shalt  }
0x52: {  	_ =	shalt  }
0x53: {  	_ =	shalt  }
0x54: {  	_ =	shalt  }
0x55: {  	_ =	shalt  }
0x56: {  	_ =	shalt  }
0x57: {  	_ =	shalt  }
0x58: {  	_ =	shalt  }
0x59: {  	_ =	shalt  }
0x5a: {  	_ =	shalt  }
0x5b: {  	_ =	shalt  }
0x5c: {  	_ =	shalt  }
0x5d: {  	_ =	shalt  }
0x5e: {  	_ =	shalt  }
0x5f: {  	_ =	shalt  }
0x60: {  	_ =	shalt  }
0x61: {  	_ =	shalt  }
0x62: {  	_ =	shalt  }
0x63: {  	_ =	shalt  }
0x64: {  	_ =	shalt  }
0x65: {  	_ =	shalt  }
0x66: {  	_ =	shalt  }
0x67: {  	_ =	shalt  }
0x68: {  	_ =	shalt  }
0x69: {  	_ =	shalt  }
0x6a: {  	_ =	shalt  }
0x6b: {  	_ =	shalt  }
0x6c: {  	_ =	shalt  }
0x6d: {  	_ =	shalt  }
0x6e: {  	_ =	shalt  }
0x6f: {  	_ =	shalt  }
0x70: {  	_ =	shalt  }
0x71: {  	_ =	shalt  }
0x72: {  	_ =	shalt  }
0x73: {  	_ =	shalt  }
0x74: {  	_ =	shalt  }
0x75: {  	_ =	shalt  }
0x76: {  	_ =	shalt  }
0x77: {  	_ =	shalt  }
0x78: {  	_ =	shalt  }
0x79: {  	_ =	shalt  }
0x7a: {  	_ =	shalt  }
0x7b: {  	_ =	shalt  }
0x7c: {  	_ =	shalt  }
0x7d: {  	_ =	shalt  }
0x7e: {  	_ =	shalt  }
0x7f: {  	_ =	shalt  }
0x80: {  	_ =	shalt  }
0x81: {  	_ =	shalt  }
0x82: {  	_ =	shalt  }
0x83: {  	_ =	shalt  }
0x84: {  	_ =	shalt  }
0x85: {  	_ =	shalt  }
0x86: {  	_ =	shalt  }
0x87: {  	_ =	shalt  }
.Lfunc_end0:
.L_simem_size_0:
called_computation.2_lowered:
.L_overlay_start_0:
0x88: {  	s2 =	sld [smem:$0x3FD9]  }
0x89: {  	s3 =	sld [smem:$0x3FFE];
	_ =	sdelay $0x1  }
0x8a: {  	s1 =	srdreg.scid  }
0x8b: {  	s0 =	sand.u32 $0x1, s1  }
0x8c: {  	s16 =	sshll.u32 s0, $0xA;
	s2 =	sadd.s32 s3, s2  }
0x8d: {  	s2 =	sadd.s32 s2, s16  }
0x8e: {  	[smem:$0x3FBA] =	sst s2  }
0x8f: {  	_ = 	snop  }
0x90: {  	(tm) =	ssettm $0x1  }
0x91: {  	s17 =	sld [smem:$0x3FFB];
	_ =	sdelay $0x3  }
0x92: {  	_ =	strace s17  }
0x93: {  	s2 =	sld [smem:$0x3FFC];
	_ =	sdelay $0x3  }
0x94: {  	_ =	strace s2  }
0x95: {  	s2 =	sld [smem:$0x3FFD];
	_ =	sdelay $0x3  }
0x96: {  	_ =	strace s2  }
0x97: {  	_ =	strace $0x8FFFFFFF  }
0x98: {  	s18 =	sld [smem:$0x3FDB];
	_ =	sdelay $0x1  }
0x99: {  	s19 =	simm.s32 $_scs_section_size  }
0x9a: {  	s4 =	simm.s32 $_size__tile_overlayer_lowered;
	s5 =	simm.s32 $_tile_overlayer_lowered  }
0x9b: {  	s22 =	simm.s32 $0x1BFF;
	s21 =	sshll.u32 s5, $0x1;
	s2 =	sadd.s32 s19, s18  }
0x9c: {  	s6 =	simm.s32 $0x0;
	s20 =	sshll.u32 s4, $0x1;
	s4 =	sadd.s32 s21, s2  }
0x9d: {  	[timem:s6], [sflag:s22] =	dma.local [hbm:s4], s20  }
0x9e: {  	_ =	swait.ge [sflag:s22], s20  }
0x9f: {  	s3 =	ssub.s32 $0x0, s20;
	[sflag:s22] =	ssyncset.done $0x0  }
0xa0: {  	[sflag:s22] =	ssyncadd.s32 s3;
	_ =	sdelay $0x1  }
0xa1: {  	s23 =	simm.s32 $0x1B8B  }
0xa2: {  	_ =	swait.ge [sflag:s23], $0x1  }
0xa3: {  	[sflag:s23] =	ssyncset.done $0x0  }
0xa4: {  	s25 =	simm.s32 $0x1B8E;
	s24 =	sld [smem:$0x3FFE];
	[sflag:s23] =	ssyncadd.s32 $0xFFFFFFFF  }
0xa5: {  	s26 =	simm.s32 $execute0_lowered;
	[smem:$0x3FD2] =	sst s25  }
0xa6: {  	s4 =	sshll.u32 s26, $0x1;
	_ =	strace $0x80000050;
	[dreg:$0x1] =	wrdreg $0xFFFFFFFF  }
0xa7: {  	s28 =	simm.s32 $_size_execute0_lowered;
	s2 =	sadd.s32 s2, s4;
	[dreg:$0x0] =	wrdreg $0x0  }
0xa8: {  	s4 =	sshll.u32 s28, $0x1;
	[dreg:$0x2] =	wrdreg s2  }
0xa9: {  	[dreg:$0x3] =	wrdreg s4  }
0xaa: {  	[dreg:$0x4] =	wrdreg $0xC0  }
0xab: {  	_ =	task [dreg:s6], $0x5FFFF  }
0xac: {  	[dreg:$0x1] =	wrdreg $0xFFFFFFFF  }
0xad: {  	[dreg:$0x0] =	wrdreg $0x60  }
0xae: {  	[dreg:$0x2] =	wrdreg s24  }
0xaf: {  	[dreg:$0x3] =	wrdreg $0x0  }
0xb0: {  	[dreg:$0x4] =	wrdreg $0x9  }
0xb1: {  	_ =	task.clear_ibuf [dreg:s6], $0x5FFFF;
	_ =	strace $0x90000050  }
0xb2: {  	s29 =	simm.s32 $0x9;
	_ =	strace $0x80000056  }
0xb3: {  	_ =	swait.ge [sflag:s29], $0x1  }
0xb4: {  	[sflag:s29] =	ssyncadd.s32 $0xFFFFFFFF  }
0xb5: {  	_ =	strace $0x90000056  }
0xb6: {  	_ =	sfence  }
0xb7: {  	s30 =	sld [smem:$0x0];
	_ =	sdelay $0x2  }
0xb8: {  	s31 =	sshll.u32 s1, $0xD;
	s1 =	sshrl.u32 s1, $0x2  }
0xb9: {  	s3 =	sand.u32 $0x4000, s31;
	s1 =	sadd.s32 s1, s30  }
0xba: {  	s0 =	sor.u32 s3, s0;
	s1 =	sshll.u32 s1, $0x11  }
0xbb: {  	s0 =	sor.u32 s1, s0  }
0xbc: {  	s0 =	sadd.s32 $0x8F2B, s0  }
0xbd: {  	[sflag:s0] =	ssyncadd.remote.s32 $0x1  }
0xbe: {  	_ =	sfence.sel $0xFFFF  }
0xbf: {  	[dreg:$0x0] =	wrdreg $0xFFFFFFFF;
	(pc) =	sbr.abs _section_cstart, $3  }
0xc0: {  	[dreg:$0x1] =	wrdreg $0xFFFFFFFF  }
0xc1: {  	_ =	task.clear_ibuf [dreg:s6], $0x2FFFF;
	_ =	strace $0x9FFFFFFF  }
0xc2: {  	(tm) =	ssettm $0x7FFFFFFF  }
0xc3: {  	_ =	shalt  }
tec
execute0_lowered:
.L_overlay_start_1:
0x0: {  	(tag) =	ssettag $0x1  }
0x1: {  	s0 =	srdreg.scid;
	s1 =	rddreg [dreg:$0x0]  }
0x2: {  	s2 =	rddreg [dreg:$0x1];
	s11 =	stileid.u32  }
0x3: {  	s3 =	simm.s32 $0x0;
	s19 =	simm.s32 $0x14000;
	s20 =	simm.s32 $0x5  }
0x4: {  	s28 =	simm.s32 $0x1;
	s29 =	simm.s32 $0x3;
	s30 =	simm.s32 $0x2  }
0x5: {  	s31 =	simm.s32 $0x4;
	s0 =	sand.u32 $0x1, s0;
	s7 =	smul.u32 $0x50000, s11  }
0x6: {  	[smem:$0x7FF] =	sst s3;
	s5 =	sadd.s32 $0x4E00, s1;
	s25 =	smul.u32 $0x2800, s11  }
0x7: {  	s18 =	smul.u32 $0x500, s11;
	s4 =	sshll.u32 s0, $0x4;
	_ =	strace $0x80000051  }
0x8: {  	s9 =	ssub.s32 $0x2, s0;
	p0 =	seq.s32 s0, $0x1;
	s7 =	sshrl.u32 s7, $0x2  }
0x9: {  	s0 =	smul.u32 $0x5000, s0;
	s4 =	sor.u32 s11, s4;
	s7 =	sadd.s32 s7, s2  }
0xa: {  	s10 =	sshrl.u32 s9, $0x1;
	s6 =	smul.u32 $0x500, s4;
	s21 =	sadd.s32 $0x4000, s7  }
0xb: {  	s4 =	sadd.s32 $0x40E00, s1;
	s22 =	sadd.s32 $0x8000, s7;
	[dreg:$0x4] =	wrdreg s21  }
0xc: {  	s14 =	ssub.s32 s9, s10;
	s23 =	sadd.s32 $0xC000, s7;
	[dreg:$0x5] =	wrdreg s22  }
0xd: {  	s18 =	sadd.s32 s18, s0;
	s24 =	sadd.s32 $0x10000, s7;
	[dreg:$0x6] =	wrdreg s23  }
0xe: {  	s14 =	smax.u32 s14, $0x1;
	s8 =	sadd.s32 s6, s1;
	[dreg:$0x7] =	wrdreg s24  }
0xf: {  	s12 =	sadd.s32 s5, s6;
	s21 =	simm.s32 $0x16900;
	s22 =	simm.s32 $0x16800  }
0x10: {  	s23 =	simm.s32 $0x80;
	s24 =	simm.s32 $0x16880;
	s8 =	sadd.s32 $0xEE00, s8  }
0x11: {  	s26 =	sadd.s32 $0x10, s12;
	[dreg:$0x3] =	wrdreg s8;
	s8 =	simm.s32 $0x90000  }
0x12: {  	s15 =	sadd.s32 $0x4F0, s12;
	s16 =	sadd.s32 $0x4E0, s12;
	s8 =	simm.s32 @!p0 $0x68000  }
0x13: {  	[dreg:$0x8] =	wrdreg s26;
	s26 =	simm.s32 $0x1A900;
	s1 =	sadd.s32 s8, s1  }
0x14: {  	v0 =	vimm.f32 $0.0e+00;
	s17 =	sadd.s32 s1, s25;
	s1 =	simm.s32 $0x16780;
	s25 =	simm.s32 $0x0  }
.LBB2_1:
0x15: {  	s0 =	rddreg [dreg:$0x3]  }
0x16: {  	[tilespmem:s19], [sflag:$0x5] =	stream.linear.gather [hbm4b:s0+s3], $0x2800, $0x38;
	[tilespmem:$0x1E900] =	vst v63  }
0x17: {  	_ =	swait.ge [sflag:s20], $0x2800  }
0x18: {  	s13 =	sand.u32 $0xFE00, s3;
	s6 =	sand.u32 $0x70, s3;
	[sflag:s20] =	ssyncset.done $0x0  }
0x19: {  	s8 =	sshrl.u32 s13, $0x2;
	s0 =	simm.s32 $0x40;
	[sflag:s20] =	ssyncadd.s32 $0xFFFFD800  }
0x1a: {  	s8 =	sor.u32 s6, s8;
	s6 =	simm.s32 $0x0;
	_ =	strace $0x80000052  }
.LBB2_2:
0x1b: {  	p0 =	sne.s32 s0, $0xFFC0  }
0x1c: {  	[tilespmem:s8+$0x16900] =	vst v0;
	s6 =	sadd.s32 $0x10, s6;
	s8 =	smov.u32 s0;
	s0 =	sadd.s32 $0x40, s0  }
.Ltmp0:
0x1d: {  	(pc) =	sbr.rel @p0 .LBB2_2-.Ltmp0, $4  }
0x1e: {  	_ = 	snop  }
0x1f: {  	s8 =	sand.u32 $0xFE00, s8  }
0x20: {  	s9 =	sand.u32 $0x70, s6;
	s8 =	sshrl.u32 s8, $0x2  }
0x21: {  	s8 =	sor.u32 s9, s8  }
0x22: {  	[tilespmem:s8+$0x16900] =	vst v0  }
0x23: {  	[spmem:s7] =	stream.linear.scatter [tilespmem:s21], [sflag:$0x5], $0x4000, $0x200038;
	[tilespmem:$0x1E900] =	vst v63  }
0x24: {  	_ =	swait.ge [sflag:s20], $0x4000  }
0x25: {  	[sflag:s20] =	ssyncset.done $0x0  }
0x26: {  	s0 =	rddreg [dreg:$0x4];
	[sflag:s20] =	ssyncadd.s32 $0xFFFFC000  }
0x27: {  	[spmem:s0] =	stream.linear.scatter [tilespmem:s21], [sflag:$0x5], $0x4000, $0x200038;
	[tilespmem:$0x1E900] =	vst v63  }
0x28: {  	_ =	swait.ge [sflag:s20], $0x4000  }
0x29: {  	[sflag:s20] =	ssyncset.done $0x0  }
0x2a: {  	s10 =	rddreg [dreg:$0x5];
	[sflag:s20] =	ssyncadd.s32 $0xFFFFC000  }
0x2b: {  	[spmem:s10] =	stream.linear.scatter [tilespmem:s21], [sflag:$0x5], $0x4000, $0x200038;
	[tilespmem:$0x1E900] =	vst v63  }
0x2c: {  	_ =	swait.ge [sflag:s20], $0x4000  }
0x2d: {  	[sflag:s20] =	ssyncset.done $0x0  }
0x2e: {  	s11 =	rddreg [dreg:$0x6];
	[sflag:s20] =	ssyncadd.s32 $0xFFFFC000  }
0x2f: {  	[spmem:s11] =	stream.linear.scatter [tilespmem:s21], [sflag:$0x5], $0x4000, $0x200038;
	[tilespmem:$0x1E900] =	vst v63  }
0x30: {  	_ =	swait.ge [sflag:s20], $0x4000  }
0x31: {  	[sflag:s20] =	ssyncset.done $0x0  }
0x32: {  	s13 =	rddreg [dreg:$0x7];
	[sflag:s20] =	ssyncadd.s32 $0xFFFFC000  }
0x33: {  	[spmem:s13] =	stream.linear.scatter [tilespmem:s21], [sflag:$0x5], $0x4000, $0x200038;
	[tilespmem:$0x1E900] =	vst v63  }
0x34: {  	_ =	swait.ge [sflag:s20], $0x4000  }
0x35: {  	[sflag:s20] =	ssyncset.done $0x0  }
0x36: {  	[sflag:s20] =	ssyncadd.s32 $0xFFFFC000  }
0x37: {  	_ =	strace $0x90000052  }
0x38: {  	[tilespmem:s22], [sflag:$0x3] =	stream.linear.gather [hbm4b:s12+s3], $0x80, $0x38;
	[tilespmem:$0x1E900] =	vst v63  }
0x39: {  	_ = 	snop  }
0x3a: {  	[tilespmem:s21], [sflag:$0x1] =	stream.indirect.gather [hbm4b:s4+s23], $0x80, s19, s23, $0xb8;
	[tilespmem:$0x1E900] =	vst v63  }
0x3b: {  	s6 =	rddreg [dreg:$0x8]  }
0x3c: {  	[tilespmem:s24], [sflag:$0x4] =	stream.linear.gather [hbm4b:s6+s3], $0x80, $0x38;
	[tilespmem:$0x1E900] =	vst v63  }
0x3d: {  	s8 =	simm.s32 $0x14080  }
0x3e: {  	[tilespmem:s26], [sflag:$0x2] =	stream.indirect.gather [hbm4b:s4+s23], $0x80, s8, s23, $0xb8;
	[tilespmem:$0x1E900] =	vst v63  }
0x3f: {  	[bflag:$0x0] =	sbarrier.arrive $0xFFFF  }
0x40: {  	_ =	strace $0x80000053  }
0x41: {  	_ =	swait.ge [sflag:s28], $0x4000  }
0x42: {  	[sflag:s28] =	ssyncset.done $0x0  }
0x43: {  	[sflag:s28] =	ssyncadd.s32 $0xFFFFC000  }
0x44: {  	_ =	swait.ge [sflag:s29], $0x80  }
0x45: {  	[sflag:s29] =	ssyncset.done $0x0  }
0x46: {  	s9 =	sadd.s32 $0x30, s18;
	s6 =	simm.s32 $0x20;
	[sflag:s29] =	ssyncadd.s32 $0xFFFFFF80  }
0x47: {  	[spmem:s2] =	stream.indirect.scatter.add.f32 [tilespmem:s21], [sflag:$0x5], $0x80, s22, s23, $0x2000b8;
	[tilespmem:$0x1E900] =	vst v63  }
0x48: {  	s10 =	sadd.s32 $0xFFFFFFF0, s9;
	s6 =	sand.u32 $0x60, s6;
	_ =	swait.ge [sflag:s20], $0x4000  }
0x49: {  	s8 =	sand.u32 $0xFFFFF80, s10;
	s6 =	sadd.s32 s5, s6;
	[sflag:s20] =	ssyncset.done $0x0  }
0x4a: {  	s6 =	sadd.s32 s8, s6;
	[sflag:s20] =	ssyncadd.s32 $0xFFFFC000  }
0x4b: {  	[tilespmem:s22], [sflag:$0x3] =	stream.linear.gather [hbm4b:s6+s3], $0x80, $0x200038;
	[tilespmem:$0x1E900] =	vst v63  }
0x4c: {  	s11 =	simm.s32 $0x14100  }
0x4d: {  	[tilespmem:s21], [sflag:$0x1] =	stream.indirect.gather [hbm4b:s4+s23], $0x80, s11, s23, $0x2000b8;
	[tilespmem:$0x1E900] =	vst v63  }
0x4e: {  	_ =	swait.ge [sflag:s30], $0x4000  }
0x4f: {  	[sflag:s30] =	ssyncset.done $0x0  }
0x50: {  	[sflag:s30] =	ssyncadd.s32 $0xFFFFC000  }
0x51: {  	_ =	swait.ge [sflag:s31], $0x80  }
0x52: {  	[sflag:s31] =	ssyncset.done $0x0  }
0x53: {  	s13 =	simm.s32 $0x30;
	[sflag:s31] =	ssyncadd.s32 $0xFFFFFF80  }
0x54: {  	[spmem:s2] =	stream.indirect.scatter.add.f32 [tilespmem:s26], [sflag:$0x5], $0x80, s24, s23, $0x2000b8;
	[tilespmem:$0x1E900] =	vst v63  }
0x55: {  	s6 =	sand.u32 $0x70, s13;
	_ =	swait.ge [sflag:s20], $0x4000  }
0x56: {  	s0 =	sand.u32 $0xFFFFF80, s9;
	s6 =	sadd.s32 s5, s6;
	[sflag:s20] =	ssyncset.done $0x0  }
0x57: {  	s0 =	sadd.s32 s0, s6;
	[sflag:s20] =	ssyncadd.s32 $0xFFFFC000  }
0x58: {  	[tilespmem:s24], [sflag:$0x4] =	stream.linear.gather [hbm4b:s0+s3], $0x80, $0x200038;
	[tilespmem:$0x1E900] =	vst v63  }
0x59: {  	s8 =	simm.s32 $0x14280;
	s6 =	simm.s32 $0x50;
	s0 =	simm.s32 $0x14180  }
.LBB2_4:
0x5a: {  	[tilespmem:s26], [sflag:$0x2] =	stream.indirect.gather [hbm4b:s4+s23], $0x80, s0, s23, $0x2000b8;
	[tilespmem:$0x1E900] =	vst v63  }
0x5b: {  	s9 =	smov.u32 s6;
	s0 =	smov.u32 s8  }
0x5c: {  	p0 =	sne.s32 s6, $0x4D0;
	s6 =	sadd.s32 $0x20, s6;
	_ =	swait.ge [sflag:s28], $0x4000  }
0x5d: {  	[sflag:s28] =	ssyncset.done $0x0  }
0x5e: {  	[sflag:s28] =	ssyncadd.s32 $0xFFFFC000  }
0x5f: {  	_ =	swait.ge [sflag:s29], $0x80  }
0x60: {  	[sflag:s29] =	ssyncset.done $0x0  }
0x61: {  	s10 =	sadd.s32 s9, s18;
	s11 =	sadd.s32 $0xFFFFFFF0, s9;
	[sflag:s29] =	ssyncadd.s32 $0xFFFFFF80  }
0x62: {  	[spmem:s2] =	stream.indirect.scatter.add.f32 [tilespmem:s21], [sflag:$0x5], $0x80, s22, s23, $0x2000b8;
	[tilespmem:$0x1E900] =	vst v63  }
0x63: {  	s13 =	sadd.s32 $0xFFFFFFF0, s10;
	s11 =	sand.u32 $0x60, s11;
	_ =	swait.ge [sflag:s20], $0x4000  }
0x64: {  	s13 =	sand.u32 $0xFFFFF80, s13;
	s11 =	sadd.s32 s5, s11;
	[sflag:s20] =	ssyncset.done $0x0  }
0x65: {  	s10 =	sand.u32 $0xFFFFF80, s10;
	s11 =	sadd.s32 s13, s11;
	[sflag:s20] =	ssyncadd.s32 $0xFFFFC000  }
0x66: {  	[tilespmem:s22], [sflag:$0x3] =	stream.linear.gather [hbm4b:s11+s3], $0x80, $0x200038;
	[tilespmem:$0x1E900] =	vst v63  }
0x67: {  	s11 =	sadd.s32 $0xFFFFFF80, s8  }
0x68: {  	[tilespmem:s21], [sflag:$0x1] =	stream.indirect.gather [hbm4b:s4+s23], $0x80, s11, s23, $0x2000b8;
	[tilespmem:$0x1E900] =	vst v63  }
0x69: {  	_ =	swait.ge [sflag:s30], $0x4000  }
0x6a: {  	[sflag:s30] =	ssyncset.done $0x0  }
0x6b: {  	[sflag:s30] =	ssyncadd.s32 $0xFFFFC000  }
0x6c: {  	_ =	swait.ge [sflag:s31], $0x80  }
0x6d: {  	[sflag:s31] =	ssyncset.done $0x0  }
0x6e: {  	[sflag:s31] =	ssyncadd.s32 $0xFFFFFF80  }
0x6f: {  	[spmem:s2] =	stream.indirect.scatter.add.f32 [tilespmem:s26], [sflag:$0x5], $0x80, s24, s23, $0x2000b8;
	[tilespmem:$0x1E900] =	vst v63  }
.Ltmp1:
0x70: {  	s9 =	sand.u32 $0x70, s9;
	_ =	swait.ge [sflag:s20], $0x4000;
	(pc) =	sbr.rel @p0 .LBB2_4-.Ltmp1, $4  }
0x71: {  	s9 =	sadd.s32 s5, s9;
	[sflag:s20] =	ssyncset.done $0x0  }
0x72: {  	s9 =	sadd.s32 s10, s9;
	[sflag:s20] =	ssyncadd.s32 $0xFFFFC000  }
0x73: {  	[tilespmem:s24], [sflag:$0x4] =	stream.linear.gather [hbm4b:s9+s3], $0x80, $0x200038;
	[tilespmem:$0x1E900] =	vst v63  }
0x74: {  	s8 =	sadd.s32 $0x100, s8  }
0x75: {  	[tilespmem:s26], [sflag:$0x2] =	stream.indirect.gather [hbm4b:s4+s23], $0x80, s0, s23, $0x2000b8;
	[tilespmem:$0x1E900] =	vst v63  }
0x76: {  	_ =	swait.ge [sflag:s28], $0x4000  }
0x77: {  	[sflag:s28] =	ssyncset.done $0x0  }
0x78: {  	[sflag:s28] =	ssyncadd.s32 $0xFFFFC000  }
0x79: {  	_ =	swait.ge [sflag:s29], $0x80  }
0x7a: {  	[sflag:s29] =	ssyncset.done $0x0  }
0x7b: {  	[sflag:s29] =	ssyncadd.s32 $0xFFFFFF80  }
0x7c: {  	[spmem:s2] =	stream.indirect.scatter.add.f32 [tilespmem:s21], [sflag:$0x5], $0x80, s22, s23, $0x2000b8;
	[tilespmem:$0x1E900] =	vst v63  }
0x7d: {  	_ =	swait.ge [sflag:s20], $0x4000  }
0x7e: {  	[sflag:s20] =	ssyncset.done $0x0  }
0x7f: {  	[sflag:s20] =	ssyncadd.s32 $0xFFFFC000  }
0x80: {  	[tilespmem:s22], [sflag:$0x3] =	stream.linear.gather [hbm4b:s16+s3], $0x80, $0x200038;
	[tilespmem:$0x1E900] =	vst v63  }
0x81: {  	s11 =	simm.s32 $0x16700  }
0x82: {  	[tilespmem:s21], [sflag:$0x1] =	stream.indirect.gather [hbm4b:s4+s23], $0x80, s11, s23, $0x2000b8;
	[tilespmem:$0x1E900] =	vst v63  }
0x83: {  	_ =	swait.ge [sflag:s30], $0x4000  }
0x84: {  	[sflag:s30] =	ssyncset.done $0x0  }
0x85: {  	[sflag:s30] =	ssyncadd.s32 $0xFFFFC000  }
0x86: {  	_ =	swait.ge [sflag:s31], $0x80  }
0x87: {  	[sflag:s31] =	ssyncset.done $0x0  }
0x88: {  	[sflag:s31] =	ssyncadd.s32 $0xFFFFFF80  }
0x89: {  	[spmem:s2] =	stream.indirect.scatter.add.f32 [tilespmem:s26], [sflag:$0x5], $0x80, s24, s23, $0x2000b8;
	[tilespmem:$0x1E900] =	vst v63  }
0x8a: {  	_ =	swait.ge [sflag:s20], $0x4000  }
0x8b: {  	[sflag:s20] =	ssyncset.done $0x0  }
0x8c: {  	[sflag:s20] =	ssyncadd.s32 $0xFFFFC000  }
0x8d: {  	[tilespmem:s24], [sflag:$0x4] =	stream.linear.gather [hbm4b:s15+s3], $0x80, $0x200038;
	[tilespmem:$0x1E900] =	vst v63  }
0x8e: {  	_ = 	snop  }
0x8f: {  	[tilespmem:s26], [sflag:$0x2] =	stream.indirect.gather [hbm4b:s4+s23], $0x80, s1, s23, $0x2000b8;
	[tilespmem:$0x1E900] =	vst v63  }
0x90: {  	_ =	swait.ge [sflag:s28], $0x4000  }
0x91: {  	[sflag:s28] =	ssyncset.done $0x0  }
0x92: {  	[sflag:s28] =	ssyncadd.s32 $0xFFFFC000  }
0x93: {  	_ =	swait.ge [sflag:s29], $0x80  }
0x94: {  	[sflag:s29] =	ssyncset.done $0x0  }
0x95: {  	[sflag:s29] =	ssyncadd.s32 $0xFFFFFF80  }
0x96: {  	[spmem:s2] =	stream.indirect.scatter.add.f32 [tilespmem:s21], [sflag:$0x5], $0x80, s22, s23, $0x2000b8;
	[tilespmem:$0x1E900] =	vst v63  }
0x97: {  	_ =	swait.ge [sflag:s20], $0x4000  }
0x98: {  	[sflag:s20] =	ssyncset.done $0x0  }
0x99: {  	[sflag:s20] =	ssyncadd.s32 $0xFFFFC000  }
0x9a: {  	[tilespmem:s22], [sflag:$0x3] =	stream.linear.gather [hbm4b:s15+s3], $0x80, $0x200038;
	[tilespmem:$0x1E900] =	vst v63  }
0x9b: {  	_ = 	snop  }
0x9c: {  	[tilespmem:s21], [sflag:$0x1] =	stream.indirect.gather [hbm4b:s4+s23], $0x80, s1, s23, $0x2000b8;
	[tilespmem:$0x1E900] =	vst v63  }
0x9d: {  	_ =	swait.ge [sflag:s30], $0x4000  }
0x9e: {  	[sflag:s30] =	ssyncset.done $0x0  }
0x9f: {  	[sflag:s30] =	ssyncadd.s32 $0xFFFFC000  }
0xa0: {  	_ =	swait.ge [sflag:s31], $0x80  }
0xa1: {  	[sflag:s31] =	ssyncset.done $0x0  }
0xa2: {  	[sflag:s31] =	ssyncadd.s32 $0xFFFFFF80  }
0xa3: {  	[spmem:s2] =	stream.indirect.scatter.add.f32 [tilespmem:s26], [sflag:$0x5], $0x80, s24, s23, $0x2000b8;
	[tilespmem:$0x1E900] =	vst v63  }
0xa4: {  	_ =	swait.ge [sflag:s20], $0x4000  }
0xa5: {  	[sflag:s20] =	ssyncset.done $0x0  }
0xa6: {  	[sflag:s20] =	ssyncadd.s32 $0xFFFFC000  }
0xa7: {  	[tilespmem:s24], [sflag:$0x4] =	stream.linear.gather [hbm4b:s15+s3], $0x80, $0x200038;
	[tilespmem:$0x1E900] =	vst v63  }
0xa8: {  	_ = 	snop  }
0xa9: {  	[tilespmem:s26], [sflag:$0x2] =	stream.indirect.gather [hbm4b:s4+s23], $0x80, s1, s23, $0x2000b8;
	[tilespmem:$0x1E900] =	vst v63  }
0xaa: {  	_ =	swait.ge [sflag:s28], $0x4000  }
0xab: {  	[sflag:s28] =	ssyncset.done $0x0  }
0xac: {  	[sflag:s28] =	ssyncadd.s32 $0xFFFFC000  }
0xad: {  	_ =	swait.ge [sflag:s29], $0x80  }
0xae: {  	[sflag:s29] =	ssyncset.done $0x0  }
0xaf: {  	[sflag:s29] =	ssyncadd.s32 $0xFFFFFF80  }
0xb0: {  	_ =	swait.ge [sflag:s30], $0x4000  }
0xb1: {  	[sflag:s30] =	ssyncset.done $0x0  }
0xb2: {  	[sflag:s30] =	ssyncadd.s32 $0xFFFFC000  }
0xb3: {  	_ =	swait.ge [sflag:s31], $0x80  }
0xb4: {  	[sflag:s31] =	ssyncset.done $0x0  }
0xb5: {  	[sflag:s31] =	ssyncadd.s32 $0xFFFFFF80  }
0xb6: {  	_ =	strace $0x90000053  }
0xb7: {  	_ =	strace $0x80000054  }
0xb8: {  	s13 =	stileid.u32;
	s6 =	sshrl.u32 s7, $0x3;
	[bflag:$0x0] =	sbarrier.arrive $0xFFFF  }
0xb9: {  	s25 =	sadd.s32 $0x1, s25;
	s0 =	sshll.u32 s13, $0x6;
	_ =	strace $0x90000054  }
0xba: {  	p0 =	sne.s32 s25, s14;
	s0 =	sor.u32 $0x1C05, s0;
	_ =	strace $0x80000055  }
0xbb: {  	[hbm:s17], [sflag:s0] =	dma.local [spmem:s6], $0x2800  }
.Ltmp2:
0xbc: {  	_ = 	snop;
	(pc) =	sbr.rel @p0 .LBB2_1-.Ltmp2, $4  }
0xbd: {  	_ =	swait.ge [sflag:s20], $0x2800  }
0xbe: {  	[sflag:s20] =	ssyncset.done $0x0  }
0xbf: {  	[sflag:s20] =	ssyncadd.s32 $0xFFFFD800  }
0xc0: {  	_ =	strace $0x90000055  }
0xc1: {  	_ =	sfence.sel $0x180000  }
0xc2: {  	[bflag:$0x0] =	sbarrier.arrive $0xFFFF  }
0xc3: {  	_ =	strace $0x90000051  }
0xc4: {  	s0 =	stileid.u32;
	[bflag:$0x2] =	sbarrier.arrive $0xFFFF  }
0xc5: {  	p0 =	sne.s32 s0, $0x0;
	s0 =	rddreg [dreg:$0x2]  }
0xc6: {  	s0 =	sadd.s32 @!p0 $0x100000, s0  }
0xc7: {  	[sflag:s0] =	ssyncadd.tile.s32 @!p0 $0x1;
	_ =	shalt  }
.Lfunc_end2:
_tile_overlayer_lowered:
.L_overlay_start_2:
0xc8: {  	(tag) =	ssettag $0x2  }
0xc9: {  	s0 =	rddreg [dreg:$0x0];
	s2 =	stileid.u32  }
0xca: {  	s1 =	rddreg [dreg:$0x1];
	p0 =	sne.s32 s2, $0x0  }
0xcb: {  	s3 =	rddreg [dreg:$0x2];
	[bflag:$0x3] =	sbarrier.arrive $0xFFFF;
	s2 =	simm.s32 @!p0 $0x1C05  }
0xcc: {  	[timem:s3], [sflag:s2] =	dma.local @!p0 [hbm:s0], s1  }
0xcd: {  	s0 =	simm.s32 @!p0 $0x5  }
0xce: {  	_ =	swait.ge @!p0 [sflag:s0], s1  }
0xcf: {  	s1 =	ssub.s32 @!p0 $0x0, s1;
	[sflag:s0] =	ssyncset.done @!p0 $0x0  }
0xd0: {  	[sflag:s0] =	ssyncadd.s32 @!p0 s1  }
0xd1: {  	[bflag:$0x3] =	sbarrier.arrive $0xFFFF  }
0xd2: {  	_ =	shalt  }

// kernel: kernel.9.cloned.1.call-start
scs
__scs_entry_jumppad:
0x0: {  	(pc) =	sbr.rel $0x88, $3  }
0x1: {  	(tag) =	ssettag $0x0;
	lr =	simm.s32 $0x1  }
0x2: {  	[smem:$0x3F93] =	sst lr;
	_ =	strace $0xD0000000  }
0x3: {  	_ = 	snop  }
0x4: {  	_ = 	snop  }
0x5: {  	_ = 	snop  }
0x6: {  	_ = 	snop  }
0x7: {  	_ = 	snop  }
__scs_overlays_trampoline_lowered:
0x8: {  	[smem:$0x3FA2] =	sst s0  }
0x9: {  	[smem:$0x3FA3] =	sst s1  }
0xa: {  	[smem:$0x3FA4] =	sst s2  }
0xb: {  	[smem:$0x3FA5] =	sst s3  }
0xc: {  	[smem:$0x3FA6] =	sst s4  }
0xd: {  	[smem:$0x3FA7] =	sst s5  }
0xe: {  	[smem:$0x3FA8] =	sst s6  }
0xf: {  	[smem:$0x3FA9] =	sst s7  }
0x10: {  	[smem:$0x3FAA] =	sst s8  }
0x11: {  	[smem:$0x3FAB] =	sst s9;
	s0 =	simm.s32 @!p0 $0x0  }
0x12: {  	s1 =	sld [smem:$0x3F91];
	s0 =	simm.s32 @p0 $0x1  }
0x13: {  	[smem:$0x3FAC] =	sst s0;
	s0 =	simm.s32 @!p1 $0x0  }
0x14: {  	s2 =	sld [smem:$0x3F90];
	s0 =	simm.s32 @p1 $0x1  }
0x15: {  	[smem:$0x3FAD] =	sst s0;
	s0 =	simm.s32 @!p2 $0x0  }
0x16: {  	s3 =	sld [smem:$0x3FDB];
	s0 =	simm.s32 @p2 $0x1  }
0x17: {  	s4 =	simm.s32 $0x1BF5;
	[smem:$0x3FAF] =	sst s0  }
0x18: {  	s0 =	sld [smem:$0x3F92];
	_ =	swait.ge [sflag:s4], $0x0  }
0x19: {  	s7 =	sld [smem:$0x3F93]  }
0x1a: {  	s8 =	sadd.s32 $0xFFFFE003, lr  }
0x1b: {  	s9 =	sadd.s32 $0xFFFFFEF7, lr;
	s5 =	simm.s32 $0xFFFFFFFF;
	p2 =	slt.u32 s8, $0xFFFFF086  }
0x1c: {  	p1 =	slt.u32 s9, $0xF7A;
	s5 =	simm.s32 @!p2 $0x0  }
0x1d: {  	s5 =	simm.s32 @p1 $0x1;
	p0 =	seq.s32 s7, s2  }
0x1e: {  	s7 =	smul.u32 @!p0 $0xF7A, s2;
	p2 =	seq.s32 @!p0 s5, $0x0  }
0x1f: {  	s9 =	smul.u32 $0xF7A, s1;
	s8 =	simm.s32 @!p0 $0x1BF5;
	p2 =	por !p2, p0  }
0x20: {  	[sflag:s8] =	ssyncset.s32 @!p0 $0xFFFFF086;
	s6 =	sadd.s32 @!p0 s3, s7;
	s7 =	simm.s32 @!p0 $0x108  }
0x21: {  	s3 =	sadd.s32 s3, s9;
	s6 =	sadd.s32 @!p0 $0x88, s6;
	s7 =	simm.s32 @p2 $0x1082  }
0x22: {  	[simem:s7], [sflag:s8] =	dma.local @!p0 [hbm:s6], $0xF7A  }
0x23: {  	s9 =	sor.u32 $0xD0000000, s2;
	s6 =	simm.s32 $0x108;
	_ =	swait.ge @!p0 [sflag:s8], $0x0  }
0x24: {  	s3 =	sadd.s32 $0x88, s3;
	s6 =	simm.s32 @!p1 $0x1082;
	[sflag:s4] =	ssyncset.s32 $0xFFFFF086  }
0x25: {  	[simem:s6], [sflag:s4] =	dma.local [hbm:s3], $0xF7A  }
0x26: {  	[smem:$0x3F93] =	sst s1;
	(tag) =	ssettag s2;
	_ =	strace s9  }
0x27: {  	s1 =	sld [smem:$0x3FA3]  }
0x28: {  	s2 =	sld [smem:$0x3FA4]  }
0x29: {  	s4 =	sld [smem:$0x3FA6]  }
0x2a: {  	p0 =	seq.s32 s5, $0x0;
	s5 =	sld [smem:$0x3FA7]  }
0x2b: {  	s6 =	sld [smem:$0x3FA8]  }
0x2c: {  	s7 =	sld [smem:$0x3FA9]  }
0x2d: {  	s3 =	simm.s32 $0x108;
	s8 =	sld [smem:$0x3FAA]  }
0x2e: {  	s3 =	simm.s32 @!p0 $0x1082;
	s9 =	sld [smem:$0x3FAB]  }
0x2f: {  	lr =	sadd.s32 s0, s3;
	s0 =	sld [smem:$0x3FA2]  }
0x30: {  	s3 =	sld [smem:$0x3FA5]  }
0x31: {  	[smem:$0x3FAE] =	sst s10  }
0x32: {  	s10 =	sld [smem:$0x3FAC];
	_ =	sdelay $0x3  }
0x33: {  	p0 =	seq.s32 s10, $0x1;
	s10 =	sld [smem:$0x3FAE];
	_ =	sdelay $0x3  }
0x34: {  	[smem:$0x3FAE] =	sst s10  }
0x35: {  	s10 =	sld [smem:$0x3FAD];
	_ =	sdelay $0x3  }
0x36: {  	p1 =	seq.s32 s10, $0x1;
	s10 =	sld [smem:$0x3FAE];
	_ =	sdelay $0x3  }
0x37: {  	[smem:$0x3FAE] =	sst s10  }
0x38: {  	s10 =	sld [smem:$0x3FAF]  }
0x39: {  	_ = 	snop;
	(pc) =	sbr.ind lr, $3  }
0x3a: {  	_ = 	snop  }
0x3b: {  	_ = 	snop  }
0x3c: {  	p2 =	seq.s32 s10, $0x1;
	s10 =	sld [smem:$0x3FAE]  }
0x3d: {  	_ =	shalt  }
0x3e: {  	_ =	shalt  }
0x3f: {  	_ =	shalt  }
0x40: {  	_ =	shalt  }
0x41: {  	_ =	shalt  }
0x42: {  	_ =	shalt  }
0x43: {  	_ =	shalt  }
0x44: {  	_ =	shalt  }
0x45: {  	_ =	shalt  }
0x46: {  	_ =	shalt  }
0x47: {  	_ =	shalt  }
0x48: {  	_ =	shalt  }
0x49: {  	_ =	shalt  }
0x4a: {  	_ =	shalt  }
0x4b: {  	_ =	shalt  }
0x4c: {  	_ =	shalt  }
0x4d: {  	_ =	shalt  }
0x4e: {  	_ =	shalt  }
0x4f: {  	_ =	shalt  }
0x50: {  	_ =	shalt  }
0x51: {  	_ =	shalt  }
0x52: {  	_ =	shalt  }
0x53: {  	_ =	shalt  }
0x54: {  	_ =	shalt  }
0x55: {  	_ =	shalt  }
0x56: {  	_ =	shalt  }
0x57: {  	_ =	shalt  }
0x58: {  	_ =	shalt  }
0x59: {  	_ =	shalt  }
0x5a: {  	_ =	shalt  }
0x5b: {  	_ =	shalt  }
0x5c: {  	_ =	shalt  }
0x5d: {  	_ =	shalt  }
0x5e: {  	_ =	shalt  }
0x5f: {  	_ =	shalt  }
0x60: {  	_ =	shalt  }
0x61: {  	_ =	shalt  }
0x62: {  	_ =	shalt  }
0x63: {  	_ =	shalt  }
0x64: {  	_ =	shalt  }
0x65: {  	_ =	shalt  }
0x66: {  	_ =	shalt  }
0x67: {  	_ =	shalt  }
0x68: {  	_ =	shalt  }
0x69: {  	_ =	shalt  }
0x6a: {  	_ =	shalt  }
0x6b: {  	_ =	shalt  }
0x6c: {  	_ =	shalt  }
0x6d: {  	_ =	shalt  }
0x6e: {  	_ =	shalt  }
0x6f: {  	_ =	shalt  }
0x70: {  	_ =	shalt  }
0x71: {  	_ =	shalt  }
0x72: {  	_ =	shalt  }
0x73: {  	_ =	shalt  }
0x74: {  	_ =	shalt  }
0x75: {  	_ =	shalt  }
0x76: {  	_ =	shalt  }
0x77: {  	_ =	shalt  }
0x78: {  	_ =	shalt  }
0x79: {  	_ =	shalt  }
0x7a: {  	_ =	shalt  }
0x7b: {  	_ =	shalt  }
0x7c: {  	_ =	shalt  }
0x7d: {  	_ =	shalt  }
0x7e: {  	_ =	shalt  }
0x7f: {  	_ =	shalt  }
0x80: {  	_ =	shalt  }
0x81: {  	_ =	shalt  }
0x82: {  	_ =	shalt  }
0x83: {  	_ =	shalt  }
0x84: {  	_ =	shalt  }
0x85: {  	_ =	shalt  }
0x86: {  	_ =	shalt  }
0x87: {  	_ =	shalt  }
.Lfunc_end0:
.L_simem_size_0:
called_computation_lowered:
.L_overlay_start_0:
0x88: {  	s2 =	sld [smem:$0x3FD9]  }
0x89: {  	s3 =	sld [smem:$0x3FFE];
	_ =	sdelay $0x1  }
0x8a: {  	s1 =	srdreg.scid  }
0x8b: {  	s0 =	sand.u32 $0x1, s1  }
0x8c: {  	s16 =	sshll.u32 s0, $0xA;
	s2 =	sadd.s32 s3, s2  }
0x8d: {  	s2 =	sadd.s32 s2, s16  }
0x8e: {  	[smem:$0x3FBA] =	sst s2  }
0x8f: {  	_ = 	snop  }
0x90: {  	(tm) =	ssettm $0x1  }
0x91: {  	s17 =	sld [smem:$0x3FFB];
	_ =	sdelay $0x3  }
0x92: {  	_ =	strace s17  }
0x93: {  	s2 =	sld [smem:$0x3FFC];
	_ =	sdelay $0x3  }
0x94: {  	_ =	strace s2  }
0x95: {  	s2 =	sld [smem:$0x3FFD];
	_ =	sdelay $0x3  }
0x96: {  	_ =	strace s2  }
0x97: {  	_ =	strace $0x8FFFFFFF  }
0x98: {  	s18 =	sld [smem:$0x3FDB];
	_ =	sdelay $0x1  }
0x99: {  	s19 =	simm.s32 $_scs_section_size  }
0x9a: {  	s4 =	simm.s32 $_size__tile_overlayer_lowered;
	s5 =	simm.s32 $_tile_overlayer_lowered  }
0x9b: {  	s22 =	simm.s32 $0x1BFF;
	s21 =	sshll.u32 s5, $0x1;
	s2 =	sadd.s32 s19, s18  }
0x9c: {  	s6 =	simm.s32 $0x0;
	s20 =	sshll.u32 s4, $0x1;
	s4 =	sadd.s32 s21, s2  }
0x9d: {  	[timem:s6], [sflag:s22] =	dma.local [hbm:s4], s20  }
0x9e: {  	_ =	swait.ge [sflag:s22], s20  }
0x9f: {  	s3 =	ssub.s32 $0x0, s20;
	[sflag:s22] =	ssyncset.done $0x0  }
0xa0: {  	[sflag:s22] =	ssyncadd.s32 s3;
	_ =	sdelay $0x1  }
0xa1: {  	s23 =	simm.s32 $0x1B8B  }
0xa2: {  	_ =	swait.ge [sflag:s23], $0x1  }
0xa3: {  	[sflag:s23] =	ssyncset.done $0x0  }
0xa4: {  	s25 =	simm.s32 $0x1B8E;
	s24 =	sld [smem:$0x3FFE];
	[sflag:s23] =	ssyncadd.s32 $0xFFFFFFFF  }
0xa5: {  	s26 =	simm.s32 $execute0_lowered;
	[smem:$0x3FD2] =	sst s25  }
0xa6: {  	s4 =	sshll.u32 s26, $0x1;
	_ =	strace $0x80000046;
	[dreg:$0x1] =	wrdreg $0xFFFFFFFF  }
0xa7: {  	s28 =	simm.s32 $_size_execute0_lowered;
	s2 =	sadd.s32 s2, s4;
	[dreg:$0x0] =	wrdreg $0x0  }
0xa8: {  	s4 =	sshll.u32 s28, $0x1;
	[dreg:$0x2] =	wrdreg s2  }
0xa9: {  	[dreg:$0x3] =	wrdreg s4  }
0xaa: {  	[dreg:$0x4] =	wrdreg $0xC0  }
0xab: {  	_ =	task [dreg:s6], $0x5FFFF  }
0xac: {  	[dreg:$0x1] =	wrdreg $0xFFFFFFFF  }
0xad: {  	[dreg:$0x0] =	wrdreg $0x60  }
0xae: {  	[dreg:$0x2] =	wrdreg s24  }
0xaf: {  	[dreg:$0x3] =	wrdreg $0x0  }
0xb0: {  	[dreg:$0x4] =	wrdreg $0x9  }
0xb1: {  	_ =	task.clear_ibuf [dreg:s6], $0x5FFFF;
	_ =	strace $0x90000046  }
0xb2: {  	s29 =	simm.s32 $0x9;
	_ =	strace $0x80000048  }
0xb3: {  	_ =	swait.ge [sflag:s29], $0x1  }
0xb4: {  	[sflag:s29] =	ssyncadd.s32 $0xFFFFFFFF  }
0xb5: {  	_ =	strace $0x90000048  }
0xb6: {  	_ =	sfence  }
0xb7: {  	s30 =	sld [smem:$0x0];
	_ =	sdelay $0x2  }
0xb8: {  	s31 =	sshll.u32 s1, $0xD;
	s1 =	sshrl.u32 s1, $0x2  }
0xb9: {  	s3 =	sand.u32 $0x4000, s31;
	s1 =	sadd.s32 s1, s30  }
0xba: {  	s0 =	sor.u32 s3, s0;
	s1 =	sshll.u32 s1, $0x11  }
0xbb: {  	s0 =	sor.u32 s1, s0  }
0xbc: {  	s0 =	sadd.s32 $0x8F2B, s0  }
0xbd: {  	[sflag:s0] =	ssyncadd.remote.s32 $0x1  }
0xbe: {  	_ =	sfence.sel $0xFFFF  }
0xbf: {  	[dreg:$0x0] =	wrdreg $0xFFFFFFFF;
	(pc) =	sbr.abs _section_cstart, $3  }
0xc0: {  	[dreg:$0x1] =	wrdreg $0xFFFFFFFF  }
0xc1: {  	_ =	task.clear_ibuf [dreg:s6], $0x2FFFF;
	_ =	strace $0x9FFFFFFF  }
0xc2: {  	(tm) =	ssettm $0x7FFFFFFF  }
0xc3: {  	_ =	shalt  }
tec
execute0_lowered:
.L_overlay_start_1:
0x0: {  	(tag) =	ssettag $0x1  }
0x1: {  	s4 =	rddreg [dreg:$0x0];
	s0 =	srdreg.scid  }
0x2: {  	s2 =	rddreg [dreg:$0x1];
	s1 =	stileid.u32  }
0x3: {  	s3 =	simm.s32 $0x0;
	s10 =	simm.s32 $0x2B00;
	s11 =	simm.s32 $0x80  }
0x4: {  	s12 =	simm.s32 $0x2A80;
	s5 =	sand.u32 $0x1, s0;
	s0 =	rddreg [dreg:$0x2]  }
0x5: {  	s15 =	simm.s32 $0x0;
	s7 =	smul.u32 $0x280, s1;
	[smem:$0x7FF] =	sst s3  }
0x6: {  	s13 =	sshll.u32 s1, $0x6;
	s6 =	sshll.u32 s5, $0x4;
	s8 =	smul.u32 $0x2800, s5  }
0x7: {  	_ =	strace $0x80000047;
	s5 =	ssub.s32 $0x2, s5;
	s6 =	sor.u32 s1, s6  }
0x8: {  	s13 =	sor.u32 $0x1C01, s13;
	s9 =	sshrl.u32 s5, $0x1;
	s6 =	smul.u32 $0x500, s6  }
0x9: {  	s8 =	sadd.s32 s7, s8;
	s9 =	ssub.s32 s5, s9;
	s5 =	sadd.s32 s7, s2  }
0xa: {  	s8 =	sshrl.u32 s8, $0x3;
	s7 =	smax.u32 s9, $0x1;
	s9 =	simm.s32 $0x1  }
0xb: {  	s14 =	sshrl.u32 s5, $0x3;
	s6 =	sadd.s32 s6, s4;
	s8 =	sadd.s32 s8, s4  }
0xc: {  	v0 =	vimm.f32 $0.0e+00;
	v1 =	vimm.f32 $1.000000000e+00;
	s4 =	sadd.s32 $0x4E00, s6;
	s6 =	sadd.s32 $0x18E00, s8;
	s8 =	simm.s32 $0x280  }
.LBB2_1:
0xd: {  	[tilespmem:$0x2B00] =	vst v0  }
0xe: {  	[tilespmem:$0x2B10] =	vst v0  }
0xf: {  	[tilespmem:$0x2B20] =	vst v0  }
0x10: {  	[tilespmem:$0x2B30] =	vst v0  }
0x11: {  	[tilespmem:$0x2B40] =	vst v0  }
0x12: {  	[tilespmem:$0x2B50] =	vst v0  }
0x13: {  	[tilespmem:$0x2B60] =	vst v0  }
0x14: {  	[tilespmem:$0x2B70] =	vst v0  }
0x15: {  	[tilespmem:$0x2B80] =	vst v0  }
0x16: {  	[tilespmem:$0x2B90] =	vst v0  }
0x17: {  	[tilespmem:$0x2BA0] =	vst v0  }
0x18: {  	[tilespmem:$0x2BB0] =	vst v0  }
0x19: {  	[tilespmem:$0x2BC0] =	vst v0  }
0x1a: {  	[tilespmem:$0x2BD0] =	vst v0  }
0x1b: {  	[tilespmem:$0x2BE0] =	vst v0  }
0x1c: {  	[tilespmem:$0x2BF0] =	vst v0  }
0x1d: {  	[tilespmem:$0x2C00] =	vst v0  }
0x1e: {  	[tilespmem:$0x2C10] =	vst v0  }
0x1f: {  	[tilespmem:$0x2C20] =	vst v0  }
0x20: {  	[tilespmem:$0x2C30] =	vst v0  }
0x21: {  	[tilespmem:$0x2C40] =	vst v0  }
0x22: {  	[tilespmem:$0x2C50] =	vst v0  }
0x23: {  	[tilespmem:$0x2C60] =	vst v0  }
0x24: {  	[tilespmem:$0x2C70] =	vst v0  }
0x25: {  	[tilespmem:$0x2C80] =	vst v0  }
0x26: {  	[tilespmem:$0x2C90] =	vst v0  }
0x27: {  	[tilespmem:$0x2CA0] =	vst v0  }
0x28: {  	[tilespmem:$0x2CB0] =	vst v0  }
0x29: {  	[tilespmem:$0x2CC0] =	vst v0  }
0x2a: {  	[tilespmem:$0x2CD0] =	vst v0  }
0x2b: {  	[tilespmem:$0x2CE0] =	vst v0  }
0x2c: {  	[tilespmem:$0x2CF0] =	vst v0  }
0x2d: {  	[tilespmem:$0x2D00] =	vst v0  }
0x2e: {  	[tilespmem:$0x2D10] =	vst v0  }
0x2f: {  	[tilespmem:$0x2D20] =	vst v0  }
0x30: {  	[tilespmem:$0x2D30] =	vst v0  }
0x31: {  	[tilespmem:$0x2D40] =	vst v0  }
0x32: {  	[tilespmem:$0x2D50] =	vst v0  }
0x33: {  	[tilespmem:$0x2D60] =	vst v0  }
0x34: {  	[tilespmem:$0x2D70] =	vst v0  }
0x35: {  	[tilespmem:$0x2A80] =	vst v1  }
0x36: {  	[tilespmem:$0x2A90] =	vst v1  }
0x37: {  	[tilespmem:$0x2AA0] =	vst v1  }
0x38: {  	[tilespmem:$0x2AB0] =	vst v1  }
0x39: {  	[tilespmem:$0x2AC0] =	vst v1  }
0x3a: {  	[tilespmem:$0x2AD0] =	vst v1  }
0x3b: {  	[tilespmem:$0x2AE0] =	vst v1  }
0x3c: {  	[tilespmem:$0x2AF0] =	vst v1  }
0x3d: {  	[tilespmem:s8], [sflag:$0x1] =	stream.linear.gather [hbm4b:s4+s3], $0x2800, $0x38;
	[tilespmem:$0x2D80] =	vst v63  }
0x3e: {  	_ =	swait.ge [sflag:s9], $0x2800  }
0x3f: {  	[sflag:s9] =	ssyncset.done $0x0  }
0x40: {  	[sflag:s9] =	ssyncadd.s32 $0xFFFFD800  }
0x41: {  	[spmem:s5] =	stream.linear.scatter [tilespmem:s10], [sflag:$0x1], $0x280, $0x38;
	[tilespmem:$0x2D80] =	vst v63  }
0x42: {  	_ =	swait.ge [sflag:s9], $0x280  }
0x43: {  	[sflag:s9] =	ssyncset.done $0x0  }
0x44: {  	[sflag:s9] =	ssyncadd.s32 $0xFFFFFD80  }
0x45: {  	s16 =	simm.s32 $0x280;
	[bflag:$0x0] =	sbarrier.arrive $0xFFFF  }
0x46: {  	[spmem:s2] =	stream.indirect.scatter.add.f32 [tilespmem:s12], [sflag:$0x1], $0x1, s16, s11, $0xb8;
	[tilespmem:$0x2D80] =	vst v63  }
0x47: {  	s16 =	simm.s32 $0x200;
	_ =	swait.ge [sflag:s9], $0x80  }
.LBB2_2:
0x48: {  	s17 =	sshra.s32 s16, $0x2;
	[sflag:s9] =	ssyncset.done $0x0;
	p0 =	sne.s32 s16, $0x9E00  }
.Ltmp0:
0x49: {  	s17 =	sadd.s32 $0x280, s17;
	[sflag:s9] =	ssyncadd.s32 $0xFFFFFF80;
	(pc) =	sbr.rel @p0 .LBB2_2-.Ltmp0, $3  }
0x4a: {  	[spmem:s2] =	stream.indirect.scatter.add.f32 [tilespmem:s12], [sflag:$0x1], $0x1, s17, s11, $0xb8;
	[tilespmem:$0x2D80] =	vst v63  }
0x4b: {  	s16 =	sadd.s32 $0x200, s16;
	_ =	sdelay $0x1  }
0x4c: {  	_ =	swait.ge [sflag:s9], $0x80  }
0x4d: {  	[sflag:s9] =	ssyncset.done $0x0;
	s15 =	sadd.s32 $0x1, s15  }
0x4e: {  	[sflag:s9] =	ssyncadd.s32 $0xFFFFFF80;
	p0 =	sne.s32 s15, s7  }
.Ltmp1:
0x4f: {  	[bflag:$0x0] =	sbarrier.arrive $0xFFFF;
	(pc) =	sbr.rel @p0 .LBB2_1-.Ltmp1, $4  }
0x50: {  	[hbm:s6], [sflag:s13] =	dma.local [spmem:s14], $0x50  }
0x51: {  	_ =	swait.ge [sflag:s9], $0x50  }
0x52: {  	[sflag:s9] =	ssyncset.done $0x0  }
0x53: {  	[sflag:s9] =	ssyncadd.s32 $0xFFFFFFB0  }
0x54: {  	_ =	sfence.sel $0x180000  }
0x55: {  	[bflag:$0x0] =	sbarrier.arrive $0xFFFF  }
0x56: {  	p0 =	sne.s32 s1, $0x0;
	_ =	strace $0x90000047  }
0x57: {  	s0 =	sadd.s32 @!p0 $0x100000, s0;
	[bflag:$0x2] =	sbarrier.arrive $0xFFFF  }
0x58: {  	[sflag:s0] =	ssyncadd.tile.s32 @!p0 $0x1;
	_ =	shalt  }
.Lfunc_end2:
_tile_overlayer_lowered:
.L_overlay_start_2:
0x59: {  	(tag) =	ssettag $0x2  }
0x5a: {  	s0 =	rddreg [dreg:$0x0];
	s2 =	stileid.u32  }
0x5b: {  	s1 =	rddreg [dreg:$0x1];
	p0 =	sne.s32 s2, $0x0  }
0x5c: {  	s3 =	rddreg [dreg:$0x2];
	[bflag:$0x3] =	sbarrier.arrive $0xFFFF;
	s2 =	simm.s32 @!p0 $0x1C01  }
0x5d: {  	[timem:s3], [sflag:s2] =	dma.local @!p0 [hbm:s0], s1  }
0x5e: {  	s0 =	simm.s32 @!p0 $0x1  }
0x5f: {  	_ =	swait.ge @!p0 [sflag:s0], s1  }
0x60: {  	s1 =	ssub.s32 @!p0 $0x0, s1;
	[sflag:s0] =	ssyncset.done @!p0 $0x0  }
0x61: {  	[sflag:s0] =	ssyncadd.s32 @!p0 s1  }
0x62: {  	[bflag:$0x3] =	sbarrier.arrive $0xFFFF  }
0x63: {  	_ =	shalt  }

</sc_bundles>
